<compile_context>
chip_gen: v7x
topology: tpu7x:2x2x1
jax: 0.10.2.dev20260603
libtpu: 0.0.44.dev20260713+nightly
codegen_flags: <defaults>
</compile_context>

<pallas_src>
import functools

import jax
import jax.numpy as jnp
from jax import lax
from jax.experimental import pallas as pl
from jax.experimental.pallas import tpu as pltpu
from jax.experimental.pallas import tpu_sc as plsc

N_NODES = 10000
N_EDGES = 320000
D = 128

NC = 2
NS = 16
NW = NC * NS

NP = 10240
CE = 64
EP = 327680
CHUNKS = EP // (NW * CE)
NB = 4
STAGES = 4
CPS = CHUNKS // STAGES
GPS = CPS // NB
ROWS_PER_TILE = NP // NS


def _sc_aggregate(x, src3, dst3):
    mesh = plsc.VectorSubcoreMesh(core_axis_name="c", subcore_axis_name="s")

    @functools.partial(
        pl.kernel,
        out_type=(
            jax.ShapeDtypeStruct((NC, NP, D), jnp.float32),
            jax.ShapeDtypeStruct((NC, NP), jnp.float32),
        ),
        mesh=mesh,
        scratch_types=[
            pltpu.VMEM((CPS, CE), jnp.int32),
            pltpu.VMEM((CPS, CE), jnp.int32),
            pltpu.VMEM((NB, CE, D), jnp.float32),
            pltpu.VMEM((CE,), jnp.float32),
            pltpu.VMEM((ROWS_PER_TILE,), jnp.float32),
            pltpu.VMEM_SHARED((NP, D), jnp.float32),
            pltpu.VMEM_SHARED((NP,), jnp.float32),
        ] + [pltpu.SemaphoreType.DMA] * (3 * NB),
    )
    def k(x_hbm, src_hbm, dst_hbm, agg_out, cnt_out,
          idx_s, idx_d, rows, ones_v, zcnt, agg_sh, cnt_sh, *sems):
        gsem = sems[:NB]
        ssem = sems[NB:2 * NB]
        csem = sems[2 * NB:]
        cid = lax.axis_index("c")
        sid = lax.axis_index("s")
        wid = sid * NC + cid

        zf = jnp.zeros((16,), jnp.float32)
        ones16 = jnp.ones((16,), jnp.float32)

        def zero_rows(i, _):
            r = i >> 3
            c = (i & 7) * 16
            rows[0, r, pl.ds(c, 16)] = zf
            return _
        lax.fori_loop(0, CE * (D // 16), zero_rows, None)

        def fill_small(i, _):
            ones_v[pl.ds(i * 16, 16)] = ones16
            return _
        lax.fori_loop(0, CE // 16, fill_small, None)

        def zero_zcnt(i, _):
            zcnt[pl.ds(i * 16, 16)] = zf
            return _
        lax.fori_loop(0, ROWS_PER_TILE // 16, zero_zcnt, None)

        base = sid * ROWS_PER_TILE
        for j in range(ROWS_PER_TILE // CE):
            pltpu.sync_copy(rows.at[0], agg_sh.at[pl.ds(base + j * CE, CE)])
        pltpu.sync_copy(zcnt, cnt_sh.at[pl.ds(base, ROWS_PER_TILE)])

        plsc.subcore_barrier()

        for st in range(STAGES):
            pltpu.sync_copy(src_hbm.at[wid, pl.ds(st * CPS, CPS)], idx_s)
            pltpu.sync_copy(dst_hbm.at[wid, pl.ds(st * CPS, CPS)], idx_d)
            for b in range(NB):
                pltpu.async_copy(x_hbm.at[idx_s.at[b]], rows.at[b], gsem[b])

            def group_body(g, _):
                for b in range(NB):
                    j = g * NB + b
                    pltpu.make_async_copy(x_hbm.at[idx_s.at[j]], rows.at[b],
                                          gsem[b]).wait()
                    sd = pltpu.async_copy(rows.at[b], agg_sh.at[idx_d.at[j]],
                                          ssem[b], add=True)
                    cd = pltpu.async_copy(ones_v, cnt_sh.at[idx_d.at[j]],
                                          csem[b], add=True)
                    sd.wait()
                    cd.wait()

                    @pl.when(g < GPS - 1)
                    def _():
                        pltpu.async_copy(x_hbm.at[idx_s.at[j + NB]],
                                         rows.at[b], gsem[b])
                return _
            lax.fori_loop(0, GPS, group_body, None)

        plsc.subcore_barrier()

        wd = pltpu.async_copy(agg_sh.at[pl.ds(base, ROWS_PER_TILE)],
                              agg_out.at[cid, pl.ds(base, ROWS_PER_TILE)],
                              gsem[0])
        wc = pltpu.async_copy(cnt_sh.at[pl.ds(base, ROWS_PER_TILE)],
                              cnt_out.at[cid, pl.ds(base, ROWS_PER_TILE)],
                              gsem[1])
        wd.wait()
        wc.wait()

    return k(x, src3, dst3)


def _tc_update(agg, cnt2, x, Wt, Bt):
    R = 1000

    def body(agg_ref, cnt_ref, x_ref, wt_ref, bt_ref, o_ref):
        a = agg_ref[0] + agg_ref[1]
        c = cnt_ref[0] + cnt_ref[1]
        denom = jnp.where(c == 0.0, 1.0, c)
        msg = a / denom
        o_ref[...] = (
            jnp.dot(msg, wt_ref[...], preferred_element_type=jnp.float32)
            + jnp.dot(x_ref[...], bt_ref[...], preferred_element_type=jnp.float32)
        )

    return pl.pallas_call(
        body,
        grid=(N_NODES // R,),
        in_specs=[
            pl.BlockSpec((NC, R, D), lambda i: (0, i, 0)),
            pl.BlockSpec((NC, R, 1), lambda i: (0, i, 0)),
            pl.BlockSpec((R, D), lambda i: (i, 0)),
            pl.BlockSpec((D, D), lambda i: (0, 0)),
            pl.BlockSpec((D, D), lambda i: (0, 0)),
        ],
        out_specs=pl.BlockSpec((R, D), lambda i: (i, 0)),
        out_shape=jax.ShapeDtypeStruct((N_NODES, D), jnp.float32),
    )(agg, cnt2, x, Wt, Bt)


def kernel(x, edge_index, W, B):
    src = edge_index[0].astype(jnp.int32)
    dst = edge_index[1].astype(jnp.int32)
    pad = EP - N_EDGES
    pad_iota = lax.iota(jnp.int32, pad)
    src_p = jnp.concatenate([src, pad_iota % N_NODES])
    dst_p = jnp.concatenate([dst, N_NODES + pad_iota % (NP - N_NODES)])
    src3 = src_p.reshape(NW, CHUNKS, CE)
    dst3 = dst_p.reshape(NW, CHUNKS, CE)

    agg, cnt = _sc_aggregate(x, src3, dst3)
    cnt2 = cnt.reshape(NC, NP, 1)
    return _tc_update(agg, cnt2, x, W.T, B.T)

# --- scband reference (transcript-rebuilt; emitter-appended) ---
"""Pipeline reference for scband-message-graph-convolution-45019847197214 (READ-ONLY COPY).

The authoritative reference and input builder live on the scoring server;
editing this copy changes nothing except your own understanding.
"""

import jax, jax.numpy as jnp
import numpy as np

N_NODES = 10000
N_EDGES = 320000
D_IN = 128
D_OUT = 128


def setup_inputs(seed: int = 0) -> dict:
    key = jax.random.key(seed)
    kx, ke, kw, kb = jax.random.split(key, 4)
    x = jax.random.normal(kx, (N_NODES, D_IN), dtype=jnp.float32)
    edge_index = jax.random.randint(ke, (2, N_EDGES), 0, N_NODES, dtype=jnp.int64)
    # xavier_uniform for W: bound = sqrt(6/(fan_in+fan_out)); W shape [out, in]
    bound = float(np.sqrt(6.0 / (D_IN + D_OUT)))
    W = jax.random.uniform(kw, (D_OUT, D_IN), dtype=jnp.float32, minval=-bound, maxval=bound)
    # B is zero-initialized in the original; use a small random value so the
    # x @ B.T path is numerically non-degenerate for testing.
    B = jax.random.normal(kb, (D_OUT, D_IN), dtype=jnp.float32) * 0.01
    return {"x": x, "edge_index": edge_index, "W": W, "B": B}


def reference(x, edge_index, W, B):
    sources = edge_index[0]
    destinations = edge_index[1]
    # message step: gather source features, scatter-add to destinations
    messages = x[sources]
    aggregated = jnp.zeros_like(x).at[destinations].add(messages)
    ones = jnp.ones((destinations.shape[0],), dtype=jnp.float32)
    sum_weight = jnp.zeros((x.shape[0],), dtype=jnp.float32).at[destinations].add(ones)
    sum_weight = jnp.where(sum_weight == 0, 1.0, sum_weight)
    msg = aggregated / sum_weight[:, None]
    # update step
    out = msg @ W.T + x @ B.T
    return out

if __name__ == "__main__":
    import jax
    _d = setup_inputs()
    print(jax.jit(kernel)(*tuple(_d.values())))

</pallas_src>

<mosaic_0001>
#map = affine_map<(d0, d1) -> (0, 0)>
#map1 = affine_map<(d0, d1) -> (0, 0, 0)>
module attributes {stable_mosaic.version = 14 : i64} {
  func.func @k(%arg0: i32, %arg1: i32, %arg2: memref<10000x128xf32, #tpu.memory_space<hbm>>, %arg3: memref<32x160x64xi32, #tpu.memory_space<hbm>>, %arg4: memref<32x160x64xi32, #tpu.memory_space<hbm>>, %arg5: memref<2x10240x128xf32, #tpu.memory_space<hbm>>, %arg6: memref<2x10240xf32, #tpu.memory_space<hbm>>, %arg7: memref<40x64xi32, #tpu.memory_space<vmem>>, %arg8: memref<40x64xi32, #tpu.memory_space<vmem>>, %arg9: memref<4x64x128xf32, #tpu.memory_space<vmem>>, %arg10: memref<64xf32, #tpu.memory_space<vmem>>, %arg11: memref<640xf32, #tpu.memory_space<vmem>>, %arg12: memref<10240x128xf32, #tpu.memory_space<vmem_shared>>, %arg13: memref<10240xf32, #tpu.memory_space<vmem_shared>>, %arg14: memref<!tpu.dma_semaphore, #tpu.memory_space<semaphore_mem>>, %arg15: memref<!tpu.dma_semaphore, #tpu.memory_space<semaphore_mem>>, %arg16: memref<!tpu.dma_semaphore, #tpu.memory_space<semaphore_mem>>, %arg17: memref<!tpu.dma_semaphore, #tpu.memory_space<semaphore_mem>>, %arg18: memref<!tpu.dma_semaphore, #tpu.memory_space<semaphore_mem>>, %arg19: memref<!tpu.dma_semaphore, #tpu.memory_space<semaphore_mem>>, %arg20: memref<!tpu.dma_semaphore, #tpu.memory_space<semaphore_mem>>, %arg21: memref<!tpu.dma_semaphore, #tpu.memory_space<semaphore_mem>>, %arg22: memref<!tpu.dma_semaphore, #tpu.memory_space<semaphore_mem>>, %arg23: memref<!tpu.dma_semaphore, #tpu.memory_space<semaphore_mem>>, %arg24: memref<!tpu.dma_semaphore, #tpu.memory_space<semaphore_mem>>, %arg25: memref<!tpu.dma_semaphore, #tpu.memory_space<semaphore_mem>>) attributes {dimension_semantics = [#tpu.dimension_semantics<core_parallel>, #tpu.dimension_semantics<subcore_parallel>], iteration_bounds = array<i64: 2, 16>, scalar_prefetch = 0 : i64, scratch_operands = 19 : i64, tpu.core_type = #tpu.core_type<sc_vector_subcore>, window_params = [{transform_indices = #map}, {transform_indices = #map1}, {transform_indices = #map1}, {transform_indices = #map1}, {transform_indices = #map}]} {
    %mul3A = arith.constant 2 : i32
    %mul3A_0 = arith.muli %arg1, %mul3A : i32
    %add3A = arith.addi %mul3A_0, %arg0 : i32
    %broadcast_in_dim3A = arith.constant 0.000000e+00 : f32
    %broadcast_in_dim3A_1 = vector.broadcast %broadcast_in_dim3A : f32 to vector<16xf32>
    %broadcast_in_dim3A_2 = arith.constant 1.000000e+00 : f32
    %broadcast_in_dim3A_3 = vector.broadcast %broadcast_in_dim3A_2 : f32 to vector<16xf32>
    %scan3A = arith.constant 0 : i32
    %scan3A_4 = arith.constant 512 : i32
    %scan3A_5 = arith.addi %scan3A, %scan3A_4 : i32
    %scan3A_6 = arith.constant 1 : i32
    scf.for %scan3A_276 = %scan3A to %scan3A_5 step %scan3A_6  : i32 {
      %shift_right_arithmetic3A = arith.constant 3 : i32
      %shift_right_arithmetic3A_277 = arith.shrsi %scan3A_276, %shift_right_arithmetic3A : i32
      %and3A = arith.constant 7 : i32
      %and3A_278 = arith.andi %scan3A_276, %and3A : i32
      %mul3A_279 = arith.constant 16 : i32
      %mul3A_280 = arith.muli %and3A_278, %mul3A_279 : i32
      %swap3A = arith.constant 0 : i32
      %swap3A_281 = arith.index_cast %swap3A : i32 to index
      %swap3A_282 = arith.index_cast %shift_right_arithmetic3A_277 : i32 to index
      %swap3A_283 = arith.index_cast %mul3A_280 : i32 to index
      %swap3A_284 = tpu.vector_load %arg9[%swap3A_281, %swap3A_282, %swap3A_283] {strides = array<i32>} : memref<4x64x128xf32, #tpu.memory_space<vmem>>, vector<1x1x16xf32>,
      %swap3A_285 = vector.shape_cast %swap3A_284 : vector<1x1x16xf32> to vector<16xf32>
      %swap3A_286 = vector.shape_cast %broadcast_in_dim3A_1 : vector<16xf32> to vector<1x1x16xf32>
      tpu.vector_store %arg9[%swap3A_281, %swap3A_282, %swap3A_283], %swap3A_286 {strides = array<i32>} : memref<4x64x128xf32, #tpu.memory_space<vmem>>, vector<1x1x16xf32>,
    }
    %scan3A_7 = arith.constant 512 : i32
    %scan3A_8 = arith.constant 0 : i32
    %scan3A_9 = arith.constant 4 : i32
    %scan3A_10 = arith.addi %scan3A_8, %scan3A_9 : i32
    %scan3A_11 = arith.constant 1 : i32
    scf.for %scan3A_276 = %scan3A_8 to %scan3A_10 step %scan3A_11  : i32 {
      %mul3A_277 = arith.constant 16 : i32
      %mul3A_278 = arith.muli %scan3A_276, %mul3A_277 : i32
      %swap3A = arith.index_cast %mul3A_278 : i32 to index
      %swap3A_279 = tpu.vector_load %arg10[%swap3A] {strides = array<i32>} : memref<64xf32, #tpu.memory_space<vmem>>, vector<16xf32>,
      %swap3A_280 = vector.shape_cast %swap3A_279 : vector<16xf32> to vector<16xf32>
      %swap3A_281 = vector.shape_cast %broadcast_in_dim3A_3 : vector<16xf32> to vector<16xf32>
      tpu.vector_store %arg10[%swap3A], %swap3A_281 {strides = array<i32>} : memref<64xf32, #tpu.memory_space<vmem>>, vector<16xf32>,
    }
    %scan3A_12 = arith.constant 4 : i32
    %scan3A_13 = arith.constant 0 : i32
    %scan3A_14 = arith.constant 40 : i32
    %scan3A_15 = arith.addi %scan3A_13, %scan3A_14 : i32
    %scan3A_16 = arith.constant 1 : i32
    scf.for %scan3A_276 = %scan3A_13 to %scan3A_15 step %scan3A_16  : i32 {
      %mul3A_277 = arith.constant 16 : i32
      %mul3A_278 = arith.muli %scan3A_276, %mul3A_277 : i32
      %swap3A = arith.index_cast %mul3A_278 : i32 to index
      %swap3A_279 = tpu.vector_load %arg11[%swap3A] {strides = array<i32>} : memref<640xf32, #tpu.memory_space<vmem>>, vector<16xf32>,
      %swap3A_280 = vector.shape_cast %swap3A_279 : vector<16xf32> to vector<16xf32>
      %swap3A_281 = vector.shape_cast %broadcast_in_dim3A_1 : vector<16xf32> to vector<16xf32>
      tpu.vector_store %arg11[%swap3A], %swap3A_281 {strides = array<i32>} : memref<640xf32, #tpu.memory_space<vmem>>, vector<16xf32>,
    }
    %scan3A_17 = arith.constant 40 : i32
    %mul3A_18 = arith.constant 640 : i32
    %mul3A_19 = arith.muli %arg1, %mul3A_18 : i32
    %add3A_20 = arith.constant 0 : i32
    %add3A_21 = arith.addi %mul3A_19, %add3A_20 : i32
    %run_scoped3A = arith.constant 0 : i32
    "tpu.region"() ({
      %run_scoped3A_276 = tpu.sem_alloc : memref<!tpu.dma_semaphore, #tpu.memory_space<semaphore_mem>>
      %dma_start3A_277 = arith.constant 0 : i32
      %dma_start3A_278 = arith.constant 0 : i32
      %dma_start3A_279 = tpu.memref_slice %arg9[%run_scoped3A, %dma_start3A_277, %dma_start3A_278] : memref<4x64x128xf32, #tpu.memory_space<vmem>> -> memref<1x64x128xf32, #tpu.memory_space<vmem>>
      %dma_start3A_280 = tpu.memref_squeeze %dma_start3A_279 : memref<1x64x128xf32, #tpu.memory_space<vmem>> -> memref<64x128xf32, #tpu.memory_space<vmem>>
      %dma_start3A_281 = arith.constant 0 : i32
      %dma_start3A_282 = tpu.memref_slice %arg12[%add3A_21, %dma_start3A_281] : memref<10240x128xf32, #tpu.memory_space<vmem_shared>> -> memref<64x128xf32, #tpu.memory_space<vmem_shared>>
      %dma_start3A_283 = arith.constant 0 : i32
      %dma_start3A_284 = tpu.memref_slice %arg12[%add3A_21, %dma_start3A_283] : memref<10240x128xf32, #tpu.memory_space<vmem_shared>> -> memref<64x128xf32, #tpu.memory_space<vmem_shared>>
      %dma_start3A_285 = arith.constant 0 : i32
      %dma_start3A_286 = arith.constant 0 : i32
      %dma_start3A_287 = tpu.memref_slice %arg9[%run_scoped3A, %dma_start3A_285, %dma_start3A_286] : memref<4x64x128xf32, #tpu.memory_space<vmem>> -> memref<1x64x128xf32, #tpu.memory_space<vmem>>
      %dma_start3A_288 = tpu.memref_squeeze %dma_start3A_287 : memref<1x64x128xf32, #tpu.memory_space<vmem>> -> memref<64x128xf32, #tpu.memory_space<vmem>>
      tpu.enqueue_dma source(%dma_start3A_288 : memref<64x128xf32, #tpu.memory_space<vmem>>) target(%dma_start3A_284 : memref<64x128xf32, #tpu.memory_space<vmem_shared>>) target_semaphore(%run_scoped3A_276 : memref<!tpu.dma_semaphore, #tpu.memory_space<semaphore_mem>>)
      %dma_wait3A_289 = arith.constant 0 : i32
      %dma_wait3A_290 = arith.constant 0 : i32
      %dma_wait3A_291 = tpu.memref_slice %arg9[%run_scoped3A, %dma_wait3A_289, %dma_wait3A_290] : memref<4x64x128xf32, #tpu.memory_space<vmem>> -> memref<1x64x128xf32, #tpu.memory_space<vmem>>
      %dma_wait3A_292 = tpu.memref_squeeze %dma_wait3A_291 : memref<1x64x128xf32, #tpu.memory_space<vmem>> -> memref<64x128xf32, #tpu.memory_space<vmem>>
      %dma_wait3A_293 = arith.constant 0 : i32
      %dma_wait3A_294 = tpu.memref_slice %arg12[%add3A_21, %dma_wait3A_293] : memref<10240x128xf32, #tpu.memory_space<vmem_shared>> -> memref<64x128xf32, #tpu.memory_space<vmem_shared>>
      %dma_wait3A_295 = arith.constant 0 : i32
      %dma_wait3A_296 = tpu.memref_slice %arg12[%add3A_21, %dma_wait3A_295] : memref<10240x128xf32, #tpu.memory_space<vmem_shared>> -> memref<64x128xf32, #tpu.memory_space<vmem_shared>>
      %dma_wait3A_297 = arith.constant 0 : i32
      %dma_wait3A_298 = arith.constant 0 : i32
      %dma_wait3A_299 = tpu.memref_slice %arg9[%run_scoped3A, %dma_wait3A_297, %dma_wait3A_298] : memref<4x64x128xf32, #tpu.memory_space<vmem>> -> memref<1x64x128xf32, #tpu.memory_space<vmem>>
      %dma_wait3A_300 = tpu.memref_squeeze %dma_wait3A_299 : memref<1x64x128xf32, #tpu.memory_space<vmem>> -> memref<64x128xf32, #tpu.memory_space<vmem>>
      tpu.wait_dma2 semaphore(%run_scoped3A_276 : memref<!tpu.dma_semaphore, #tpu.memory_space<semaphore_mem>>) src(%dma_wait3A_300 : memref<64x128xf32, #tpu.memory_space<vmem>>) dst(%dma_wait3A_296 : memref<64x128xf32, #tpu.memory_space<vmem_shared>>)
      tpu.yield
    }) : () -> ()
    %add3A_22 = arith.constant 64 : i32
    %add3A_23 = arith.addi %mul3A_19, %add3A_22 : i32
    %run_scoped3A_24 = arith.constant 0 : i32
    "tpu.region"() ({
      %run_scoped3A_276 = tpu.sem_alloc : memref<!tpu.dma_semaphore, #tpu.memory_space<semaphore_mem>>
      %dma_start3A_277 = arith.constant 0 : i32
      %dma_start3A_278 = arith.constant 0 : i32
      %dma_start3A_279 = tpu.memref_slice %arg9[%run_scoped3A_24, %dma_start3A_277, %dma_start3A_278] : memref<4x64x128xf32, #tpu.memory_space<vmem>> -> memref<1x64x128xf32, #tpu.memory_space<vmem>>
      %dma_start3A_280 = tpu.memref_squeeze %dma_start3A_279 : memref<1x64x128xf32, #tpu.memory_space<vmem>> -> memref<64x128xf32, #tpu.memory_space<vmem>>
      %dma_start3A_281 = arith.constant 0 : i32
      %dma_start3A_282 = tpu.memref_slice %arg12[%add3A_23, %dma_start3A_281] : memref<10240x128xf32, #tpu.memory_space<vmem_shared>> -> memref<64x128xf32, #tpu.memory_space<vmem_shared>>
      %dma_start3A_283 = arith.constant 0 : i32
      %dma_start3A_284 = tpu.memref_slice %arg12[%add3A_23, %dma_start3A_283] : memref<10240x128xf32, #tpu.memory_space<vmem_shared>> -> memref<64x128xf32, #tpu.memory_space<vmem_shared>>
      %dma_start3A_285 = arith.constant 0 : i32
      %dma_start3A_286 = arith.constant 0 : i32
      %dma_start3A_287 = tpu.memref_slice %arg9[%run_scoped3A_24, %dma_start3A_285, %dma_start3A_286] : memref<4x64x128xf32, #tpu.memory_space<vmem>> -> memref<1x64x128xf32, #tpu.memory_space<vmem>>
      %dma_start3A_288 = tpu.memref_squeeze %dma_start3A_287 : memref<1x64x128xf32, #tpu.memory_space<vmem>> -> memref<64x128xf32, #tpu.memory_space<vmem>>
      tpu.enqueue_dma source(%dma_start3A_288 : memref<64x128xf32, #tpu.memory_space<vmem>>) target(%dma_start3A_284 : memref<64x128xf32, #tpu.memory_space<vmem_shared>>) target_semaphore(%run_scoped3A_276 : memref<!tpu.dma_semaphore, #tpu.memory_space<semaphore_mem>>)
      %dma_wait3A_289 = arith.constant 0 : i32
      %dma_wait3A_290 = arith.constant 0 : i32
      %dma_wait3A_291 = tpu.memref_slice %arg9[%run_scoped3A_24, %dma_wait3A_289, %dma_wait3A_290] : memref<4x64x128xf32, #tpu.memory_space<vmem>> -> memref<1x64x128xf32, #tpu.memory_space<vmem>>
      %dma_wait3A_292 = tpu.memref_squeeze %dma_wait3A_291 : memref<1x64x128xf32, #tpu.memory_space<vmem>> -> memref<64x128xf32, #tpu.memory_space<vmem>>
      %dma_wait3A_293 = arith.constant 0 : i32
      %dma_wait3A_294 = tpu.memref_slice %arg12[%add3A_23, %dma_wait3A_293] : memref<10240x128xf32, #tpu.memory_space<vmem_shared>> -> memref<64x128xf32, #tpu.memory_space<vmem_shared>>
      %dma_wait3A_295 = arith.constant 0 : i32
      %dma_wait3A_296 = tpu.memref_slice %arg12[%add3A_23, %dma_wait3A_295] : memref<10240x128xf32, #tpu.memory_space<vmem_shared>> -> memref<64x128xf32, #tpu.memory_space<vmem_shared>>
      %dma_wait3A_297 = arith.constant 0 : i32
      %dma_wait3A_298 = arith.constant 0 : i32
      %dma_wait3A_299 = tpu.memref_slice %arg9[%run_scoped3A_24, %dma_wait3A_297, %dma_wait3A_298] : memref<4x64x128xf32, #tpu.memory_space<vmem>> -> memref<1x64x128xf32, #tpu.memory_space<vmem>>
      %dma_wait3A_300 = tpu.memref_squeeze %dma_wait3A_299 : memref<1x64x128xf32, #tpu.memory_space<vmem>> -> memref<64x128xf32, #tpu.memory_space<vmem>>
      tpu.wait_dma2 semaphore(%run_scoped3A_276 : memref<!tpu.dma_semaphore, #tpu.memory_space<semaphore_mem>>) src(%dma_wait3A_300 : memref<64x128xf32, #tpu.memory_space<vmem>>) dst(%dma_wait3A_296 : memref<64x128xf32, #tpu.memory_space<vmem_shared>>)
      tpu.yield
    }) : () -> ()
    %add3A_25 = arith.constant 128 : i32
    %add3A_26 = arith.addi %mul3A_19, %add3A_25 : i32
    %run_scoped3A_27 = arith.constant 0 : i32
    "tpu.region"() ({
      %run_scoped3A_276 = tpu.sem_alloc : memref<!tpu.dma_semaphore, #tpu.memory_space<semaphore_mem>>
      %dma_start3A_277 = arith.constant 0 : i32
      %dma_start3A_278 = arith.constant 0 : i32
      %dma_start3A_279 = tpu.memref_slice %arg9[%run_scoped3A_27, %dma_start3A_277, %dma_start3A_278] : memref<4x64x128xf32, #tpu.memory_space<vmem>> -> memref<1x64x128xf32, #tpu.memory_space<vmem>>
      %dma_start3A_280 = tpu.memref_squeeze %dma_start3A_279 : memref<1x64x128xf32, #tpu.memory_space<vmem>> -> memref<64x128xf32, #tpu.memory_space<vmem>>
      %dma_start3A_281 = arith.constant 0 : i32
      %dma_start3A_282 = tpu.memref_slice %arg12[%add3A_26, %dma_start3A_281] : memref<10240x128xf32, #tpu.memory_space<vmem_shared>> -> memref<64x128xf32, #tpu.memory_space<vmem_shared>>
      %dma_start3A_283 = arith.constant 0 : i32
      %dma_start3A_284 = tpu.memref_slice %arg12[%add3A_26, %dma_start3A_283] : memref<10240x128xf32, #tpu.memory_space<vmem_shared>> -> memref<64x128xf32, #tpu.memory_space<vmem_shared>>
      %dma_start3A_285 = arith.constant 0 : i32
      %dma_start3A_286 = arith.constant 0 : i32
      %dma_start3A_287 = tpu.memref_slice %arg9[%run_scoped3A_27, %dma_start3A_285, %dma_start3A_286] : memref<4x64x128xf32, #tpu.memory_space<vmem>> -> memref<1x64x128xf32, #tpu.memory_space<vmem>>
      %dma_start3A_288 = tpu.memref_squeeze %dma_start3A_287 : memref<1x64x128xf32, #tpu.memory_space<vmem>> -> memref<64x128xf32, #tpu.memory_space<vmem>>
      tpu.enqueue_dma source(%dma_start3A_288 : memref<64x128xf32, #tpu.memory_space<vmem>>) target(%dma_start3A_284 : memref<64x128xf32, #tpu.memory_space<vmem_shared>>) target_semaphore(%run_scoped3A_276 : memref<!tpu.dma_semaphore, #tpu.memory_space<semaphore_mem>>)
      %dma_wait3A_289 = arith.constant 0 : i32
      %dma_wait3A_290 = arith.constant 0 : i32
      %dma_wait3A_291 = tpu.memref_slice %arg9[%run_scoped3A_27, %dma_wait3A_289, %dma_wait3A_290] : memref<4x64x128xf32, #tpu.memory_space<vmem>> -> memref<1x64x128xf32, #tpu.memory_space<vmem>>
      %dma_wait3A_292 = tpu.memref_squeeze %dma_wait3A_291 : memref<1x64x128xf32, #tpu.memory_space<vmem>> -> memref<64x128xf32, #tpu.memory_space<vmem>>
      %dma_wait3A_293 = arith.constant 0 : i32
      %dma_wait3A_294 = tpu.memref_slice %arg12[%add3A_26, %dma_wait3A_293] : memref<10240x128xf32, #tpu.memory_space<vmem_shared>> -> memref<64x128xf32, #tpu.memory_space<vmem_shared>>
      %dma_wait3A_295 = arith.constant 0 : i32
      %dma_wait3A_296 = tpu.memref_slice %arg12[%add3A_26, %dma_wait3A_295] : memref<10240x128xf32, #tpu.memory_space<vmem_shared>> -> memref<64x128xf32, #tpu.memory_space<vmem_shared>>
      %dma_wait3A_297 = arith.constant 0 : i32
      %dma_wait3A_298 = arith.constant 0 : i32
      %dma_wait3A_299 = tpu.memref_slice %arg9[%run_scoped3A_27, %dma_wait3A_297, %dma_wait3A_298] : memref<4x64x128xf32, #tpu.memory_space<vmem>> -> memref<1x64x128xf32, #tpu.memory_space<vmem>>
      %dma_wait3A_300 = tpu.memref_squeeze %dma_wait3A_299 : memref<1x64x128xf32, #tpu.memory_space<vmem>> -> memref<64x128xf32, #tpu.memory_space<vmem>>
      tpu.wait_dma2 semaphore(%run_scoped3A_276 : memref<!tpu.dma_semaphore, #tpu.memory_space<semaphore_mem>>) src(%dma_wait3A_300 : memref<64x128xf32, #tpu.memory_space<vmem>>) dst(%dma_wait3A_296 : memref<64x128xf32, #tpu.memory_space<vmem_shared>>)
      tpu.yield
    }) : () -> ()
    %add3A_28 = arith.constant 192 : i32
    %add3A_29 = arith.addi %mul3A_19, %add3A_28 : i32
    %run_scoped3A_30 = arith.constant 0 : i32
    "tpu.region"() ({
      %run_scoped3A_276 = tpu.sem_alloc : memref<!tpu.dma_semaphore, #tpu.memory_space<semaphore_mem>>
      %dma_start3A_277 = arith.constant 0 : i32
      %dma_start3A_278 = arith.constant 0 : i32
      %dma_start3A_279 = tpu.memref_slice %arg9[%run_scoped3A_30, %dma_start3A_277, %dma_start3A_278] : memref<4x64x128xf32, #tpu.memory_space<vmem>> -> memref<1x64x128xf32, #tpu.memory_space<vmem>>
      %dma_start3A_280 = tpu.memref_squeeze %dma_start3A_279 : memref<1x64x128xf32, #tpu.memory_space<vmem>> -> memref<64x128xf32, #tpu.memory_space<vmem>>
      %dma_start3A_281 = arith.constant 0 : i32
      %dma_start3A_282 = tpu.memref_slice %arg12[%add3A_29, %dma_start3A_281] : memref<10240x128xf32, #tpu.memory_space<vmem_shared>> -> memref<64x128xf32, #tpu.memory_space<vmem_shared>>
      %dma_start3A_283 = arith.constant 0 : i32
      %dma_start3A_284 = tpu.memref_slice %arg12[%add3A_29, %dma_start3A_283] : memref<10240x128xf32, #tpu.memory_space<vmem_shared>> -> memref<64x128xf32, #tpu.memory_space<vmem_shared>>
      %dma_start3A_285 = arith.constant 0 : i32
      %dma_start3A_286 = arith.constant 0 : i32
      %dma_start3A_287 = tpu.memref_slice %arg9[%run_scoped3A_30, %dma_start3A_285, %dma_start3A_286] : memref<4x64x128xf32, #tpu.memory_space<vmem>> -> memref<1x64x128xf32, #tpu.memory_space<vmem>>
      %dma_start3A_288 = tpu.memref_squeeze %dma_start3A_287 : memref<1x64x128xf32, #tpu.memory_space<vmem>> -> memref<64x128xf32, #tpu.memory_space<vmem>>
      tpu.enqueue_dma source(%dma_start3A_288 : memref<64x128xf32, #tpu.memory_space<vmem>>) target(%dma_start3A_284 : memref<64x128xf32, #tpu.memory_space<vmem_shared>>) target_semaphore(%run_scoped3A_276 : memref<!tpu.dma_semaphore, #tpu.memory_space<semaphore_mem>>)
      %dma_wait3A_289 = arith.constant 0 : i32
      %dma_wait3A_290 = arith.constant 0 : i32
      %dma_wait3A_291 = tpu.memref_slice %arg9[%run_scoped3A_30, %dma_wait3A_289, %dma_wait3A_290] : memref<4x64x128xf32, #tpu.memory_space<vmem>> -> memref<1x64x128xf32, #tpu.memory_space<vmem>>
      %dma_wait3A_292 = tpu.memref_squeeze %dma_wait3A_291 : memref<1x64x128xf32, #tpu.memory_space<vmem>> -> memref<64x128xf32, #tpu.memory_space<vmem>>
      %dma_wait3A_293 = arith.constant 0 : i32
      %dma_wait3A_294 = tpu.memref_slice %arg12[%add3A_29, %dma_wait3A_293] : memref<10240x128xf32, #tpu.memory_space<vmem_shared>> -> memref<64x128xf32, #tpu.memory_space<vmem_shared>>
      %dma_wait3A_295 = arith.constant 0 : i32
      %dma_wait3A_296 = tpu.memref_slice %arg12[%add3A_29, %dma_wait3A_295] : memref<10240x128xf32, #tpu.memory_space<vmem_shared>> -> memref<64x128xf32, #tpu.memory_space<vmem_shared>>
      %dma_wait3A_297 = arith.constant 0 : i32
      %dma_wait3A_298 = arith.constant 0 : i32
      %dma_wait3A_299 = tpu.memref_slice %arg9[%run_scoped3A_30, %dma_wait3A_297, %dma_wait3A_298] : memref<4x64x128xf32, #tpu.memory_space<vmem>> -> memref<1x64x128xf32, #tpu.memory_space<vmem>>
      %dma_wait3A_300 = tpu.memref_squeeze %dma_wait3A_299 : memref<1x64x128xf32, #tpu.memory_space<vmem>> -> memref<64x128xf32, #tpu.memory_space<vmem>>
      tpu.wait_dma2 semaphore(%run_scoped3A_276 : memref<!tpu.dma_semaphore, #tpu.memory_space<semaphore_mem>>) src(%dma_wait3A_300 : memref<64x128xf32, #tpu.memory_space<vmem>>) dst(%dma_wait3A_296 : memref<64x128xf32, #tpu.memory_space<vmem_shared>>)
      tpu.yield
    }) : () -> ()
    %add3A_31 = arith.constant 256 : i32
    %add3A_32 = arith.addi %mul3A_19, %add3A_31 : i32
    %run_scoped3A_33 = arith.constant 0 : i32
    "tpu.region"() ({
      %run_scoped3A_276 = tpu.sem_alloc : memref<!tpu.dma_semaphore, #tpu.memory_space<semaphore_mem>>
      %dma_start3A_277 = arith.constant 0 : i32
      %dma_start3A_278 = arith.constant 0 : i32
      %dma_start3A_279 = tpu.memref_slice %arg9[%run_scoped3A_33, %dma_start3A_277, %dma_start3A_278] : memref<4x64x128xf32, #tpu.memory_space<vmem>> -> memref<1x64x128xf32, #tpu.memory_space<vmem>>
      %dma_start3A_280 = tpu.memref_squeeze %dma_start3A_279 : memref<1x64x128xf32, #tpu.memory_space<vmem>> -> memref<64x128xf32, #tpu.memory_space<vmem>>
      %dma_start3A_281 = arith.constant 0 : i32
      %dma_start3A_282 = tpu.memref_slice %arg12[%add3A_32, %dma_start3A_281] : memref<10240x128xf32, #tpu.memory_space<vmem_shared>> -> memref<64x128xf32, #tpu.memory_space<vmem_shared>>
      %dma_start3A_283 = arith.constant 0 : i32
      %dma_start3A_284 = tpu.memref_slice %arg12[%add3A_32, %dma_start3A_283] : memref<10240x128xf32, #tpu.memory_space<vmem_shared>> -> memref<64x128xf32, #tpu.memory_space<vmem_shared>>
      %dma_start3A_285 = arith.constant 0 : i32
      %dma_start3A_286 = arith.constant 0 : i32
      %dma_start3A_287 = tpu.memref_slice %arg9[%run_scoped3A_33, %dma_start3A_285, %dma_start3A_286] : memref<4x64x128xf32, #tpu.memory_space<vmem>> -> memref<1x64x128xf32, #tpu.memory_space<vmem>>
      %dma_start3A_288 = tpu.memref_squeeze %dma_start3A_287 : memref<1x64x128xf32, #tpu.memory_space<vmem>> -> memref<64x128xf32, #tpu.memory_space<vmem>>
      tpu.enqueue_dma source(%dma_start3A_288 : memref<64x128xf32, #tpu.memory_space<vmem>>) target(%dma_start3A_284 : memref<64x128xf32, #tpu.memory_space<vmem_shared>>) target_semaphore(%run_scoped3A_276 : memref<!tpu.dma_semaphore, #tpu.memory_space<semaphore_mem>>)
      %dma_wait3A_289 = arith.constant 0 : i32
      %dma_wait3A_290 = arith.constant 0 : i32
      %dma_wait3A_291 = tpu.memref_slice %arg9[%run_scoped3A_33, %dma_wait3A_289, %dma_wait3A_290] : memref<4x64x128xf32, #tpu.memory_space<vmem>> -> memref<1x64x128xf32, #tpu.memory_space<vmem>>
      %dma_wait3A_292 = tpu.memref_squeeze %dma_wait3A_291 : memref<1x64x128xf32, #tpu.memory_space<vmem>> -> memref<64x128xf32, #tpu.memory_space<vmem>>
      %dma_wait3A_293 = arith.constant 0 : i32
      %dma_wait3A_294 = tpu.memref_slice %arg12[%add3A_32, %dma_wait3A_293] : memref<10240x128xf32, #tpu.memory_space<vmem_shared>> -> memref<64x128xf32, #tpu.memory_space<vmem_shared>>
      %dma_wait3A_295 = arith.constant 0 : i32
      %dma_wait3A_296 = tpu.memref_slice %arg12[%add3A_32, %dma_wait3A_295] : memref<10240x128xf32, #tpu.memory_space<vmem_shared>> -> memref<64x128xf32, #tpu.memory_space<vmem_shared>>
      %dma_wait3A_297 = arith.constant 0 : i32
      %dma_wait3A_298 = arith.constant 0 : i32
      %dma_wait3A_299 = tpu.memref_slice %arg9[%run_scoped3A_33, %dma_wait3A_297, %dma_wait3A_298] : memref<4x64x128xf32, #tpu.memory_space<vmem>> -> memref<1x64x128xf32, #tpu.memory_space<vmem>>
      %dma_wait3A_300 = tpu.memref_squeeze %dma_wait3A_299 : memref<1x64x128xf32, #tpu.memory_space<vmem>> -> memref<64x128xf32, #tpu.memory_space<vmem>>
      tpu.wait_dma2 semaphore(%run_scoped3A_276 : memref<!tpu.dma_semaphore, #tpu.memory_space<semaphore_mem>>) src(%dma_wait3A_300 : memref<64x128xf32, #tpu.memory_space<vmem>>) dst(%dma_wait3A_296 : memref<64x128xf32, #tpu.memory_space<vmem_shared>>)
      tpu.yield
    }) : () -> ()
    %add3A_34 = arith.constant 320 : i32
    %add3A_35 = arith.addi %mul3A_19, %add3A_34 : i32
    %run_scoped3A_36 = arith.constant 0 : i32
    "tpu.region"() ({
      %run_scoped3A_276 = tpu.sem_alloc : memref<!tpu.dma_semaphore, #tpu.memory_space<semaphore_mem>>
      %dma_start3A_277 = arith.constant 0 : i32
      %dma_start3A_278 = arith.constant 0 : i32
      %dma_start3A_279 = tpu.memref_slice %arg9[%run_scoped3A_36, %dma_start3A_277, %dma_start3A_278] : memref<4x64x128xf32, #tpu.memory_space<vmem>> -> memref<1x64x128xf32, #tpu.memory_space<vmem>>
      %dma_start3A_280 = tpu.memref_squeeze %dma_start3A_279 : memref<1x64x128xf32, #tpu.memory_space<vmem>> -> memref<64x128xf32, #tpu.memory_space<vmem>>
      %dma_start3A_281 = arith.constant 0 : i32
      %dma_start3A_282 = tpu.memref_slice %arg12[%add3A_35, %dma_start3A_281] : memref<10240x128xf32, #tpu.memory_space<vmem_shared>> -> memref<64x128xf32, #tpu.memory_space<vmem_shared>>
      %dma_start3A_283 = arith.constant 0 : i32
      %dma_start3A_284 = tpu.memref_slice %arg12[%add3A_35, %dma_start3A_283] : memref<10240x128xf32, #tpu.memory_space<vmem_shared>> -> memref<64x128xf32, #tpu.memory_space<vmem_shared>>
      %dma_start3A_285 = arith.constant 0 : i32
      %dma_start3A_286 = arith.constant 0 : i32
      %dma_start3A_287 = tpu.memref_slice %arg9[%run_scoped3A_36, %dma_start3A_285, %dma_start3A_286] : memref<4x64x128xf32, #tpu.memory_space<vmem>> -> memref<1x64x128xf32, #tpu.memory_space<vmem>>
      %dma_start3A_288 = tpu.memref_squeeze %dma_start3A_287 : memref<1x64x128xf32, #tpu.memory_space<vmem>> -> memref<64x128xf32, #tpu.memory_space<vmem>>
      tpu.enqueue_dma source(%dma_start3A_288 : memref<64x128xf32, #tpu.memory_space<vmem>>) target(%dma_start3A_284 : memref<64x128xf32, #tpu.memory_space<vmem_shared>>) target_semaphore(%run_scoped3A_276 : memref<!tpu.dma_semaphore, #tpu.memory_space<semaphore_mem>>)
      %dma_wait3A_289 = arith.constant 0 : i32
      %dma_wait3A_290 = arith.constant 0 : i32
      %dma_wait3A_291 = tpu.memref_slice %arg9[%run_scoped3A_36, %dma_wait3A_289, %dma_wait3A_290] : memref<4x64x128xf32, #tpu.memory_space<vmem>> -> memref<1x64x128xf32, #tpu.memory_space<vmem>>
      %dma_wait3A_292 = tpu.memref_squeeze %dma_wait3A_291 : memref<1x64x128xf32, #tpu.memory_space<vmem>> -> memref<64x128xf32, #tpu.memory_space<vmem>>
      %dma_wait3A_293 = arith.constant 0 : i32
      %dma_wait3A_294 = tpu.memref_slice %arg12[%add3A_35, %dma_wait3A_293] : memref<10240x128xf32, #tpu.memory_space<vmem_shared>> -> memref<64x128xf32, #tpu.memory_space<vmem_shared>>
      %dma_wait3A_295 = arith.constant 0 : i32
      %dma_wait3A_296 = tpu.memref_slice %arg12[%add3A_35, %dma_wait3A_295] : memref<10240x128xf32, #tpu.memory_space<vmem_shared>> -> memref<64x128xf32, #tpu.memory_space<vmem_shared>>
      %dma_wait3A_297 = arith.constant 0 : i32
      %dma_wait3A_298 = arith.constant 0 : i32
      %dma_wait3A_299 = tpu.memref_slice %arg9[%run_scoped3A_36, %dma_wait3A_297, %dma_wait3A_298] : memref<4x64x128xf32, #tpu.memory_space<vmem>> -> memref<1x64x128xf32, #tpu.memory_space<vmem>>
      %dma_wait3A_300 = tpu.memref_squeeze %dma_wait3A_299 : memref<1x64x128xf32, #tpu.memory_space<vmem>> -> memref<64x128xf32, #tpu.memory_space<vmem>>
      tpu.wait_dma2 semaphore(%run_scoped3A_276 : memref<!tpu.dma_semaphore, #tpu.memory_space<semaphore_mem>>) src(%dma_wait3A_300 : memref<64x128xf32, #tpu.memory_space<vmem>>) dst(%dma_wait3A_296 : memref<64x128xf32, #tpu.memory_space<vmem_shared>>)
      tpu.yield
    }) : () -> ()
    %add3A_37 = arith.constant 384 : i32
    %add3A_38 = arith.addi %mul3A_19, %add3A_37 : i32
    %run_scoped3A_39 = arith.constant 0 : i32
    "tpu.region"() ({
      %run_scoped3A_276 = tpu.sem_alloc : memref<!tpu.dma_semaphore, #tpu.memory_space<semaphore_mem>>
      %dma_start3A_277 = arith.constant 0 : i32
      %dma_start3A_278 = arith.constant 0 : i32
      %dma_start3A_279 = tpu.memref_slice %arg9[%run_scoped3A_39, %dma_start3A_277, %dma_start3A_278] : memref<4x64x128xf32, #tpu.memory_space<vmem>> -> memref<1x64x128xf32, #tpu.memory_space<vmem>>
      %dma_start3A_280 = tpu.memref_squeeze %dma_start3A_279 : memref<1x64x128xf32, #tpu.memory_space<vmem>> -> memref<64x128xf32, #tpu.memory_space<vmem>>
      %dma_start3A_281 = arith.constant 0 : i32
      %dma_start3A_282 = tpu.memref_slice %arg12[%add3A_38, %dma_start3A_281] : memref<10240x128xf32, #tpu.memory_space<vmem_shared>> -> memref<64x128xf32, #tpu.memory_space<vmem_shared>>
      %dma_start3A_283 = arith.constant 0 : i32
      %dma_start3A_284 = tpu.memref_slice %arg12[%add3A_38, %dma_start3A_283] : memref<10240x128xf32, #tpu.memory_space<vmem_shared>> -> memref<64x128xf32, #tpu.memory_space<vmem_shared>>
      %dma_start3A_285 = arith.constant 0 : i32
      %dma_start3A_286 = arith.constant 0 : i32
      %dma_start3A_287 = tpu.memref_slice %arg9[%run_scoped3A_39, %dma_start3A_285, %dma_start3A_286] : memref<4x64x128xf32, #tpu.memory_space<vmem>> -> memref<1x64x128xf32, #tpu.memory_space<vmem>>
      %dma_start3A_288 = tpu.memref_squeeze %dma_start3A_287 : memref<1x64x128xf32, #tpu.memory_space<vmem>> -> memref<64x128xf32, #tpu.memory_space<vmem>>
      tpu.enqueue_dma source(%dma_start3A_288 : memref<64x128xf32, #tpu.memory_space<vmem>>) target(%dma_start3A_284 : memref<64x128xf32, #tpu.memory_space<vmem_shared>>) target_semaphore(%run_scoped3A_276 : memref<!tpu.dma_semaphore, #tpu.memory_space<semaphore_mem>>)
      %dma_wait3A_289 = arith.constant 0 : i32
      %dma_wait3A_290 = arith.constant 0 : i32
      %dma_wait3A_291 = tpu.memref_slice %arg9[%run_scoped3A_39, %dma_wait3A_289, %dma_wait3A_290] : memref<4x64x128xf32, #tpu.memory_space<vmem>> -> memref<1x64x128xf32, #tpu.memory_space<vmem>>
      %dma_wait3A_292 = tpu.memref_squeeze %dma_wait3A_291 : memref<1x64x128xf32, #tpu.memory_space<vmem>> -> memref<64x128xf32, #tpu.memory_space<vmem>>
      %dma_wait3A_293 = arith.constant 0 : i32
      %dma_wait3A_294 = tpu.memref_slice %arg12[%add3A_38, %dma_wait3A_293] : memref<10240x128xf32, #tpu.memory_space<vmem_shared>> -> memref<64x128xf32, #tpu.memory_space<vmem_shared>>
      %dma_wait3A_295 = arith.constant 0 : i32
      %dma_wait3A_296 = tpu.memref_slice %arg12[%add3A_38, %dma_wait3A_295] : memref<10240x128xf32, #tpu.memory_space<vmem_shared>> -> memref<64x128xf32, #tpu.memory_space<vmem_shared>>
      %dma_wait3A_297 = arith.constant 0 : i32
      %dma_wait3A_298 = arith.constant 0 : i32
      %dma_wait3A_299 = tpu.memref_slice %arg9[%run_scoped3A_39, %dma_wait3A_297, %dma_wait3A_298] : memref<4x64x128xf32, #tpu.memory_space<vmem>> -> memref<1x64x128xf32, #tpu.memory_space<vmem>>
      %dma_wait3A_300 = tpu.memref_squeeze %dma_wait3A_299 : memref<1x64x128xf32, #tpu.memory_space<vmem>> -> memref<64x128xf32, #tpu.memory_space<vmem>>
      tpu.wait_dma2 semaphore(%run_scoped3A_276 : memref<!tpu.dma_semaphore, #tpu.memory_space<semaphore_mem>>) src(%dma_wait3A_300 : memref<64x128xf32, #tpu.memory_space<vmem>>) dst(%dma_wait3A_296 : memref<64x128xf32, #tpu.memory_space<vmem_shared>>)
      tpu.yield
    }) : () -> ()
    %add3A_40 = arith.constant 448 : i32
    %add3A_41 = arith.addi %mul3A_19, %add3A_40 : i32
    %run_scoped3A_42 = arith.constant 0 : i32
    "tpu.region"() ({
      %run_scoped3A_276 = tpu.sem_alloc : memref<!tpu.dma_semaphore, #tpu.memory_space<semaphore_mem>>
      %dma_start3A_277 = arith.constant 0 : i32
      %dma_start3A_278 = arith.constant 0 : i32
      %dma_start3A_279 = tpu.memref_slice %arg9[%run_scoped3A_42, %dma_start3A_277, %dma_start3A_278] : memref<4x64x128xf32, #tpu.memory_space<vmem>> -> memref<1x64x128xf32, #tpu.memory_space<vmem>>
      %dma_start3A_280 = tpu.memref_squeeze %dma_start3A_279 : memref<1x64x128xf32, #tpu.memory_space<vmem>> -> memref<64x128xf32, #tpu.memory_space<vmem>>
      %dma_start3A_281 = arith.constant 0 : i32
      %dma_start3A_282 = tpu.memref_slice %arg12[%add3A_41, %dma_start3A_281] : memref<10240x128xf32, #tpu.memory_space<vmem_shared>> -> memref<64x128xf32, #tpu.memory_space<vmem_shared>>
      %dma_start3A_283 = arith.constant 0 : i32
      %dma_start3A_284 = tpu.memref_slice %arg12[%add3A_41, %dma_start3A_283] : memref<10240x128xf32, #tpu.memory_space<vmem_shared>> -> memref<64x128xf32, #tpu.memory_space<vmem_shared>>
      %dma_start3A_285 = arith.constant 0 : i32
      %dma_start3A_286 = arith.constant 0 : i32
      %dma_start3A_287 = tpu.memref_slice %arg9[%run_scoped3A_42, %dma_start3A_285, %dma_start3A_286] : memref<4x64x128xf32, #tpu.memory_space<vmem>> -> memref<1x64x128xf32, #tpu.memory_space<vmem>>
      %dma_start3A_288 = tpu.memref_squeeze %dma_start3A_287 : memref<1x64x128xf32, #tpu.memory_space<vmem>> -> memref<64x128xf32, #tpu.memory_space<vmem>>
      tpu.enqueue_dma source(%dma_start3A_288 : memref<64x128xf32, #tpu.memory_space<vmem>>) target(%dma_start3A_284 : memref<64x128xf32, #tpu.memory_space<vmem_shared>>) target_semaphore(%run_scoped3A_276 : memref<!tpu.dma_semaphore, #tpu.memory_space<semaphore_mem>>)
      %dma_wait3A_289 = arith.constant 0 : i32
      %dma_wait3A_290 = arith.constant 0 : i32
      %dma_wait3A_291 = tpu.memref_slice %arg9[%run_scoped3A_42, %dma_wait3A_289, %dma_wait3A_290] : memref<4x64x128xf32, #tpu.memory_space<vmem>> -> memref<1x64x128xf32, #tpu.memory_space<vmem>>
      %dma_wait3A_292 = tpu.memref_squeeze %dma_wait3A_291 : memref<1x64x128xf32, #tpu.memory_space<vmem>> -> memref<64x128xf32, #tpu.memory_space<vmem>>
      %dma_wait3A_293 = arith.constant 0 : i32
      %dma_wait3A_294 = tpu.memref_slice %arg12[%add3A_41, %dma_wait3A_293] : memref<10240x128xf32, #tpu.memory_space<vmem_shared>> -> memref<64x128xf32, #tpu.memory_space<vmem_shared>>
      %dma_wait3A_295 = arith.constant 0 : i32
      %dma_wait3A_296 = tpu.memref_slice %arg12[%add3A_41, %dma_wait3A_295] : memref<10240x128xf32, #tpu.memory_space<vmem_shared>> -> memref<64x128xf32, #tpu.memory_space<vmem_shared>>
      %dma_wait3A_297 = arith.constant 0 : i32
      %dma_wait3A_298 = arith.constant 0 : i32
      %dma_wait3A_299 = tpu.memref_slice %arg9[%run_scoped3A_42, %dma_wait3A_297, %dma_wait3A_298] : memref<4x64x128xf32, #tpu.memory_space<vmem>> -> memref<1x64x128xf32, #tpu.memory_space<vmem>>
      %dma_wait3A_300 = tpu.memref_squeeze %dma_wait3A_299 : memref<1x64x128xf32, #tpu.memory_space<vmem>> -> memref<64x128xf32, #tpu.memory_space<vmem>>
      tpu.wait_dma2 semaphore(%run_scoped3A_276 : memref<!tpu.dma_semaphore, #tpu.memory_space<semaphore_mem>>) src(%dma_wait3A_300 : memref<64x128xf32, #tpu.memory_space<vmem>>) dst(%dma_wait3A_296 : memref<64x128xf32, #tpu.memory_space<vmem_shared>>)
      tpu.yield
    }) : () -> ()
    %add3A_43 = arith.constant 512 : i32
    %add3A_44 = arith.addi %mul3A_19, %add3A_43 : i32
    %run_scoped3A_45 = arith.constant 0 : i32
    "tpu.region"() ({
      %run_scoped3A_276 = tpu.sem_alloc : memref<!tpu.dma_semaphore, #tpu.memory_space<semaphore_mem>>
      %dma_start3A_277 = arith.constant 0 : i32
      %dma_start3A_278 = arith.constant 0 : i32
      %dma_start3A_279 = tpu.memref_slice %arg9[%run_scoped3A_45, %dma_start3A_277, %dma_start3A_278] : memref<4x64x128xf32, #tpu.memory_space<vmem>> -> memref<1x64x128xf32, #tpu.memory_space<vmem>>
      %dma_start3A_280 = tpu.memref_squeeze %dma_start3A_279 : memref<1x64x128xf32, #tpu.memory_space<vmem>> -> memref<64x128xf32, #tpu.memory_space<vmem>>
      %dma_start3A_281 = arith.constant 0 : i32
      %dma_start3A_282 = tpu.memref_slice %arg12[%add3A_44, %dma_start3A_281] : memref<10240x128xf32, #tpu.memory_space<vmem_shared>> -> memref<64x128xf32, #tpu.memory_space<vmem_shared>>
      %dma_start3A_283 = arith.constant 0 : i32
      %dma_start3A_284 = tpu.memref_slice %arg12[%add3A_44, %dma_start3A_283] : memref<10240x128xf32, #tpu.memory_space<vmem_shared>> -> memref<64x128xf32, #tpu.memory_space<vmem_shared>>
      %dma_start3A_285 = arith.constant 0 : i32
      %dma_start3A_286 = arith.constant 0 : i32
      %dma_start3A_287 = tpu.memref_slice %arg9[%run_scoped3A_45, %dma_start3A_285, %dma_start3A_286] : memref<4x64x128xf32, #tpu.memory_space<vmem>> -> memref<1x64x128xf32, #tpu.memory_space<vmem>>
      %dma_start3A_288 = tpu.memref_squeeze %dma_start3A_287 : memref<1x64x128xf32, #tpu.memory_space<vmem>> -> memref<64x128xf32, #tpu.memory_space<vmem>>
      tpu.enqueue_dma source(%dma_start3A_288 : memref<64x128xf32, #tpu.memory_space<vmem>>) target(%dma_start3A_284 : memref<64x128xf32, #tpu.memory_space<vmem_shared>>) target_semaphore(%run_scoped3A_276 : memref<!tpu.dma_semaphore, #tpu.memory_space<semaphore_mem>>)
      %dma_wait3A_289 = arith.constant 0 : i32
      %dma_wait3A_290 = arith.constant 0 : i32
      %dma_wait3A_291 = tpu.memref_slice %arg9[%run_scoped3A_45, %dma_wait3A_289, %dma_wait3A_290] : memref<4x64x128xf32, #tpu.memory_space<vmem>> -> memref<1x64x128xf32, #tpu.memory_space<vmem>>
      %dma_wait3A_292 = tpu.memref_squeeze %dma_wait3A_291 : memref<1x64x128xf32, #tpu.memory_space<vmem>> -> memref<64x128xf32, #tpu.memory_space<vmem>>
      %dma_wait3A_293 = arith.constant 0 : i32
      %dma_wait3A_294 = tpu.memref_slice %arg12[%add3A_44, %dma_wait3A_293] : memref<10240x128xf32, #tpu.memory_space<vmem_shared>> -> memref<64x128xf32, #tpu.memory_space<vmem_shared>>
      %dma_wait3A_295 = arith.constant 0 : i32
      %dma_wait3A_296 = tpu.memref_slice %arg12[%add3A_44, %dma_wait3A_295] : memref<10240x128xf32, #tpu.memory_space<vmem_shared>> -> memref<64x128xf32, #tpu.memory_space<vmem_shared>>
      %dma_wait3A_297 = arith.constant 0 : i32
      %dma_wait3A_298 = arith.constant 0 : i32
      %dma_wait3A_299 = tpu.memref_slice %arg9[%run_scoped3A_45, %dma_wait3A_297, %dma_wait3A_298] : memref<4x64x128xf32, #tpu.memory_space<vmem>> -> memref<1x64x128xf32, #tpu.memory_space<vmem>>
      %dma_wait3A_300 = tpu.memref_squeeze %dma_wait3A_299 : memref<1x64x128xf32, #tpu.memory_space<vmem>> -> memref<64x128xf32, #tpu.memory_space<vmem>>
      tpu.wait_dma2 semaphore(%run_scoped3A_276 : memref<!tpu.dma_semaphore, #tpu.memory_space<semaphore_mem>>) src(%dma_wait3A_300 : memref<64x128xf32, #tpu.memory_space<vmem>>) dst(%dma_wait3A_296 : memref<64x128xf32, #tpu.memory_space<vmem_shared>>)
      tpu.yield
    }) : () -> ()
    %add3A_46 = arith.constant 576 : i32
    %add3A_47 = arith.addi %mul3A_19, %add3A_46 : i32
    %run_scoped3A_48 = arith.constant 0 : i32
    "tpu.region"() ({
      %run_scoped3A_276 = tpu.sem_alloc : memref<!tpu.dma_semaphore, #tpu.memory_space<semaphore_mem>>
      %dma_start3A_277 = arith.constant 0 : i32
      %dma_start3A_278 = arith.constant 0 : i32
      %dma_start3A_279 = tpu.memref_slice %arg9[%run_scoped3A_48, %dma_start3A_277, %dma_start3A_278] : memref<4x64x128xf32, #tpu.memory_space<vmem>> -> memref<1x64x128xf32, #tpu.memory_space<vmem>>
      %dma_start3A_280 = tpu.memref_squeeze %dma_start3A_279 : memref<1x64x128xf32, #tpu.memory_space<vmem>> -> memref<64x128xf32, #tpu.memory_space<vmem>>
      %dma_start3A_281 = arith.constant 0 : i32
      %dma_start3A_282 = tpu.memref_slice %arg12[%add3A_47, %dma_start3A_281] : memref<10240x128xf32, #tpu.memory_space<vmem_shared>> -> memref<64x128xf32, #tpu.memory_space<vmem_shared>>
      %dma_start3A_283 = arith.constant 0 : i32
      %dma_start3A_284 = tpu.memref_slice %arg12[%add3A_47, %dma_start3A_283] : memref<10240x128xf32, #tpu.memory_space<vmem_shared>> -> memref<64x128xf32, #tpu.memory_space<vmem_shared>>
      %dma_start3A_285 = arith.constant 0 : i32
      %dma_start3A_286 = arith.constant 0 : i32
      %dma_start3A_287 = tpu.memref_slice %arg9[%run_scoped3A_48, %dma_start3A_285, %dma_start3A_286] : memref<4x64x128xf32, #tpu.memory_space<vmem>> -> memref<1x64x128xf32, #tpu.memory_space<vmem>>
      %dma_start3A_288 = tpu.memref_squeeze %dma_start3A_287 : memref<1x64x128xf32, #tpu.memory_space<vmem>> -> memref<64x128xf32, #tpu.memory_space<vmem>>
      tpu.enqueue_dma source(%dma_start3A_288 : memref<64x128xf32, #tpu.memory_space<vmem>>) target(%dma_start3A_284 : memref<64x128xf32, #tpu.memory_space<vmem_shared>>) target_semaphore(%run_scoped3A_276 : memref<!tpu.dma_semaphore, #tpu.memory_space<semaphore_mem>>)
      %dma_wait3A_289 = arith.constant 0 : i32
      %dma_wait3A_290 = arith.constant 0 : i32
      %dma_wait3A_291 = tpu.memref_slice %arg9[%run_scoped3A_48, %dma_wait3A_289, %dma_wait3A_290] : memref<4x64x128xf32, #tpu.memory_space<vmem>> -> memref<1x64x128xf32, #tpu.memory_space<vmem>>
      %dma_wait3A_292 = tpu.memref_squeeze %dma_wait3A_291 : memref<1x64x128xf32, #tpu.memory_space<vmem>> -> memref<64x128xf32, #tpu.memory_space<vmem>>
      %dma_wait3A_293 = arith.constant 0 : i32
      %dma_wait3A_294 = tpu.memref_slice %arg12[%add3A_47, %dma_wait3A_293] : memref<10240x128xf32, #tpu.memory_space<vmem_shared>> -> memref<64x128xf32, #tpu.memory_space<vmem_shared>>
      %dma_wait3A_295 = arith.constant 0 : i32
      %dma_wait3A_296 = tpu.memref_slice %arg12[%add3A_47, %dma_wait3A_295] : memref<10240x128xf32, #tpu.memory_space<vmem_shared>> -> memref<64x128xf32, #tpu.memory_space<vmem_shared>>
      %dma_wait3A_297 = arith.constant 0 : i32
      %dma_wait3A_298 = arith.constant 0 : i32
      %dma_wait3A_299 = tpu.memref_slice %arg9[%run_scoped3A_48, %dma_wait3A_297, %dma_wait3A_298] : memref<4x64x128xf32, #tpu.memory_space<vmem>> -> memref<1x64x128xf32, #tpu.memory_space<vmem>>
      %dma_wait3A_300 = tpu.memref_squeeze %dma_wait3A_299 : memref<1x64x128xf32, #tpu.memory_space<vmem>> -> memref<64x128xf32, #tpu.memory_space<vmem>>
      tpu.wait_dma2 semaphore(%run_scoped3A_276 : memref<!tpu.dma_semaphore, #tpu.memory_space<semaphore_mem>>) src(%dma_wait3A_300 : memref<64x128xf32, #tpu.memory_space<vmem>>) dst(%dma_wait3A_296 : memref<64x128xf32, #tpu.memory_space<vmem_shared>>)
      tpu.yield
    }) : () -> ()
    "tpu.region"() ({
      %run_scoped3A_276 = tpu.sem_alloc : memref<!tpu.dma_semaphore, #tpu.memory_space<semaphore_mem>>
      %dma_start3A_277 = tpu.memref_slice %arg13[%mul3A_19] : memref<10240xf32, #tpu.memory_space<vmem_shared>> -> memref<640xf32, #tpu.memory_space<vmem_shared>>
      %dma_start3A_278 = tpu.memref_slice %arg13[%mul3A_19] : memref<10240xf32, #tpu.memory_space<vmem_shared>> -> memref<640xf32, #tpu.memory_space<vmem_shared>>
      tpu.enqueue_dma source(%arg11 : memref<640xf32, #tpu.memory_space<vmem>>) target(%dma_start3A_278 : memref<640xf32, #tpu.memory_space<vmem_shared>>) target_semaphore(%run_scoped3A_276 : memref<!tpu.dma_semaphore, #tpu.memory_space<semaphore_mem>>)
      %dma_wait3A_279 = tpu.memref_slice %arg13[%mul3A_19] : memref<10240xf32, #tpu.memory_space<vmem_shared>> -> memref<640xf32, #tpu.memory_space<vmem_shared>>
      %dma_wait3A_280 = tpu.memref_slice %arg13[%mul3A_19] : memref<10240xf32, #tpu.memory_space<vmem_shared>> -> memref<640xf32, #tpu.memory_space<vmem_shared>>
      tpu.wait_dma2 semaphore(%run_scoped3A_276 : memref<!tpu.dma_semaphore, #tpu.memory_space<semaphore_mem>>) src(%arg11 : memref<640xf32, #tpu.memory_space<vmem>>) dst(%dma_wait3A_280 : memref<640xf32, #tpu.memory_space<vmem_shared>>)
      tpu.yield
    }) : () -> ()
    %barrier3A = arith.constant 0 : index
    tpu.barrier barrier_id(%barrier3A)
    "tpu.region"() ({
      %run_scoped3A_276 = tpu.sem_alloc : memref<!tpu.dma_semaphore, #tpu.memory_space<semaphore_mem>>
      %dma_start3A_277 = arith.constant 0 : i32
      %dma_start3A_278 = arith.constant 0 : i32
      %dma_start3A_279 = tpu.memref_slice %arg3[%add3A, %dma_start3A_277, %dma_start3A_278] : memref<32x160x64xi32, #tpu.memory_space<hbm>> -> memref<1x40x64xi32, #tpu.memory_space<hbm>>
      %dma_start3A_280 = tpu.memref_squeeze %dma_start3A_279 : memref<1x40x64xi32, #tpu.memory_space<hbm>> -> memref<40x64xi32, #tpu.memory_space<hbm>>
      %dma_start3A_281 = arith.constant 0 : i32
      %dma_start3A_282 = arith.constant 0 : i32
      %dma_start3A_283 = tpu.memref_slice %arg3[%add3A, %dma_start3A_281, %dma_start3A_282] : memref<32x160x64xi32, #tpu.memory_space<hbm>> -> memref<1x40x64xi32, #tpu.memory_space<hbm>>
      %dma_start3A_284 = tpu.memref_squeeze %dma_start3A_283 : memref<1x40x64xi32, #tpu.memory_space<hbm>> -> memref<40x64xi32, #tpu.memory_space<hbm>>
      tpu.enqueue_dma source(%dma_start3A_284 : memref<40x64xi32, #tpu.memory_space<hbm>>) target(%arg7 : memref<40x64xi32, #tpu.memory_space<vmem>>) target_semaphore(%run_scoped3A_276 : memref<!tpu.dma_semaphore, #tpu.memory_space<semaphore_mem>>)
      %dma_wait3A_285 = arith.constant 0 : i32
      %dma_wait3A_286 = arith.constant 0 : i32
      %dma_wait3A_287 = tpu.memref_slice %arg3[%add3A, %dma_wait3A_285, %dma_wait3A_286] : memref<32x160x64xi32, #tpu.memory_space<hbm>> -> memref<1x40x64xi32, #tpu.memory_space<hbm>>
      %dma_wait3A_288 = tpu.memref_squeeze %dma_wait3A_287 : memref<1x40x64xi32, #tpu.memory_space<hbm>> -> memref<40x64xi32, #tpu.memory_space<hbm>>
      %dma_wait3A_289 = arith.constant 0 : i32
      %dma_wait3A_290 = arith.constant 0 : i32
      %dma_wait3A_291 = tpu.memref_slice %arg3[%add3A, %dma_wait3A_289, %dma_wait3A_290] : memref<32x160x64xi32, #tpu.memory_space<hbm>> -> memref<1x40x64xi32, #tpu.memory_space<hbm>>
      %dma_wait3A_292 = tpu.memref_squeeze %dma_wait3A_291 : memref<1x40x64xi32, #tpu.memory_space<hbm>> -> memref<40x64xi32, #tpu.memory_space<hbm>>
      tpu.wait_dma2 semaphore(%run_scoped3A_276 : memref<!tpu.dma_semaphore, #tpu.memory_space<semaphore_mem>>) src(%dma_wait3A_292 : memref<40x64xi32, #tpu.memory_space<hbm>>) dst(%arg7 : memref<40x64xi32, #tpu.memory_space<vmem>>)
      tpu.yield
    }) : () -> ()
    "tpu.region"() ({
      %run_scoped3A_276 = tpu.sem_alloc : memref<!tpu.dma_semaphore, #tpu.memory_space<semaphore_mem>>
      %dma_start3A_277 = arith.constant 0 : i32
      %dma_start3A_278 = arith.constant 0 : i32
      %dma_start3A_279 = tpu.memref_slice %arg4[%add3A, %dma_start3A_277, %dma_start3A_278] : memref<32x160x64xi32, #tpu.memory_space<hbm>> -> memref<1x40x64xi32, #tpu.memory_space<hbm>>
      %dma_start3A_280 = tpu.memref_squeeze %dma_start3A_279 : memref<1x40x64xi32, #tpu.memory_space<hbm>> -> memref<40x64xi32, #tpu.memory_space<hbm>>
      %dma_start3A_281 = arith.constant 0 : i32
      %dma_start3A_282 = arith.constant 0 : i32
      %dma_start3A_283 = tpu.memref_slice %arg4[%add3A, %dma_start3A_281, %dma_start3A_282] : memref<32x160x64xi32, #tpu.memory_space<hbm>> -> memref<1x40x64xi32, #tpu.memory_space<hbm>>
      %dma_start3A_284 = tpu.memref_squeeze %dma_start3A_283 : memref<1x40x64xi32, #tpu.memory_space<hbm>> -> memref<40x64xi32, #tpu.memory_space<hbm>>
      tpu.enqueue_dma source(%dma_start3A_284 : memref<40x64xi32, #tpu.memory_space<hbm>>) target(%arg8 : memref<40x64xi32, #tpu.memory_space<vmem>>) target_semaphore(%run_scoped3A_276 : memref<!tpu.dma_semaphore, #tpu.memory_space<semaphore_mem>>)
      %dma_wait3A_285 = arith.constant 0 : i32
      %dma_wait3A_286 = arith.constant 0 : i32
      %dma_wait3A_287 = tpu.memref_slice %arg4[%add3A, %dma_wait3A_285, %dma_wait3A_286] : memref<32x160x64xi32, #tpu.memory_space<hbm>> -> memref<1x40x64xi32, #tpu.memory_space<hbm>>
      %dma_wait3A_288 = tpu.memref_squeeze %dma_wait3A_287 : memref<1x40x64xi32, #tpu.memory_space<hbm>> -> memref<40x64xi32, #tpu.memory_space<hbm>>
      %dma_wait3A_289 = arith.constant 0 : i32
      %dma_wait3A_290 = arith.constant 0 : i32
      %dma_wait3A_291 = tpu.memref_slice %arg4[%add3A, %dma_wait3A_289, %dma_wait3A_290] : memref<32x160x64xi32, #tpu.memory_space<hbm>> -> memref<1x40x64xi32, #tpu.memory_space<hbm>>
      %dma_wait3A_292 = tpu.memref_squeeze %dma_wait3A_291 : memref<1x40x64xi32, #tpu.memory_space<hbm>> -> memref<40x64xi32, #tpu.memory_space<hbm>>
      tpu.wait_dma2 semaphore(%run_scoped3A_276 : memref<!tpu.dma_semaphore, #tpu.memory_space<semaphore_mem>>) src(%dma_wait3A_292 : memref<40x64xi32, #tpu.memory_space<hbm>>) dst(%arg8 : memref<40x64xi32, #tpu.memory_space<vmem>>)
      tpu.yield
    }) : () -> ()
    %dma_start3A = arith.constant 0 : i32
    %dma_start3A_49 = arith.constant 0 : i32
    %dma_start3A_50 = arith.constant 0 : i32
    %dma_start3A_51 = arith.constant 0 : i32
    %dma_start3A_52 = tpu.memref_slice %arg9[%dma_start3A_49, %dma_start3A_50, %dma_start3A_51] : memref<4x64x128xf32, #tpu.memory_space<vmem>> -> memref<1x64x128xf32, #tpu.memory_space<vmem>>
    %dma_start3A_53 = tpu.memref_squeeze %dma_start3A_52 : memref<1x64x128xf32, #tpu.memory_space<vmem>> -> memref<64x128xf32, #tpu.memory_space<vmem>>
    %dma_start3A_54 = arith.constant 0 : i32
    %dma_start3A_55 = tpu.memref_slice %arg7[%dma_start3A, %dma_start3A_54] : memref<40x64xi32, #tpu.memory_space<vmem>> -> memref<1x64xi32, #tpu.memory_space<vmem>>
    %dma_start3A_56 = tpu.memref_squeeze %dma_start3A_55 : memref<1x64xi32, #tpu.memory_space<vmem>> -> memref<64xi32, #tpu.memory_space<vmem>>
    %dma_start3A_57 = arith.constant 0 : i32
    %dma_start3A_58 = arith.constant 0 : i32
    %dma_start3A_59 = tpu.memref_slice %arg2[%dma_start3A_57, %dma_start3A_58] : memref<10000x128xf32, #tpu.memory_space<hbm>> -> memref<10000x128xf32, #tpu.memory_space<hbm>>
    tpu.enqueue_indirect_dma source(%dma_start3A_59 : memref<10000x128xf32, #tpu.memory_space<hbm>>) target(%dma_start3A_53 : memref<64x128xf32, #tpu.memory_space<vmem>>) offsets(%dma_start3A_56 : memref<64xi32, #tpu.memory_space<vmem>>) semaphore(%arg14 : memref<!tpu.dma_semaphore, #tpu.memory_space<semaphore_mem>>)
    %dma_start3A_60 = arith.constant 1 : i32
    %dma_start3A_61 = arith.constant 1 : i32
    %dma_start3A_62 = arith.constant 0 : i32
    %dma_start3A_63 = arith.constant 0 : i32
    %dma_start3A_64 = tpu.memref_slice %arg9[%dma_start3A_61, %dma_start3A_62, %dma_start3A_63] : memref<4x64x128xf32, #tpu.memory_space<vmem>> -> memref<1x64x128xf32, #tpu.memory_space<vmem>>
    %dma_start3A_65 = tpu.memref_squeeze %dma_start3A_64 : memref<1x64x128xf32, #tpu.memory_space<vmem>> -> memref<64x128xf32, #tpu.memory_space<vmem>>
    %dma_start3A_66 = arith.constant 0 : i32
    %dma_start3A_67 = tpu.memref_slice %arg7[%dma_start3A_60, %dma_start3A_66] : memref<40x64xi32, #tpu.memory_space<vmem>> -> memref<1x64xi32, #tpu.memory_space<vmem>>
    %dma_start3A_68 = tpu.memref_squeeze %dma_start3A_67 : memref<1x64xi32, #tpu.memory_space<vmem>> -> memref<64xi32, #tpu.memory_space<vmem>>
    %dma_start3A_69 = arith.constant 0 : i32
    %dma_start3A_70 = arith.constant 0 : i32
    %dma_start3A_71 = tpu.memref_slice %arg2[%dma_start3A_69, %dma_start3A_70] : memref<10000x128xf32, #tpu.memory_space<hbm>> -> memref<10000x128xf32, #tpu.memory_space<hbm>>
    tpu.enqueue_indirect_dma source(%dma_start3A_71 : memref<10000x128xf32, #tpu.memory_space<hbm>>) target(%dma_start3A_65 : memref<64x128xf32, #tpu.memory_space<vmem>>) offsets(%dma_start3A_68 : memref<64xi32, #tpu.memory_space<vmem>>) semaphore(%arg15 : memref<!tpu.dma_semaphore, #tpu.memory_space<semaphore_mem>>)
    %dma_start3A_72 = arith.constant 2 : i32
    %dma_start3A_73 = arith.constant 2 : i32
    %dma_start3A_74 = arith.constant 0 : i32
    %dma_start3A_75 = arith.constant 0 : i32
    %dma_start3A_76 = tpu.memref_slice %arg9[%dma_start3A_73, %dma_start3A_74, %dma_start3A_75] : memref<4x64x128xf32, #tpu.memory_space<vmem>> -> memref<1x64x128xf32, #tpu.memory_space<vmem>>
    %dma_start3A_77 = tpu.memref_squeeze %dma_start3A_76 : memref<1x64x128xf32, #tpu.memory_space<vmem>> -> memref<64x128xf32, #tpu.memory_space<vmem>>
    %dma_start3A_78 = arith.constant 0 : i32
    %dma_start3A_79 = tpu.memref_slice %arg7[%dma_start3A_72, %dma_start3A_78] : memref<40x64xi32, #tpu.memory_space<vmem>> -> memref<1x64xi32, #tpu.memory_space<vmem>>
    %dma_start3A_80 = tpu.memref_squeeze %dma_start3A_79 : memref<1x64xi32, #tpu.memory_space<vmem>> -> memref<64xi32, #tpu.memory_space<vmem>>
    %dma_start3A_81 = arith.constant 0 : i32
    %dma_start3A_82 = arith.constant 0 : i32
    %dma_start3A_83 = tpu.memref_slice %arg2[%dma_start3A_81, %dma_start3A_82] : memref<10000x128xf32, #tpu.memory_space<hbm>> -> memref<10000x128xf32, #tpu.memory_space<hbm>>
    tpu.enqueue_indirect_dma source(%dma_start3A_83 : memref<10000x128xf32, #tpu.memory_space<hbm>>) target(%dma_start3A_77 : memref<64x128xf32, #tpu.memory_space<vmem>>) offsets(%dma_start3A_80 : memref<64xi32, #tpu.memory_space<vmem>>) semaphore(%arg16 : memref<!tpu.dma_semaphore, #tpu.memory_space<semaphore_mem>>)
    %dma_start3A_84 = arith.constant 3 : i32
    %dma_start3A_85 = arith.constant 3 : i32
    %dma_start3A_86 = arith.constant 0 : i32
    %dma_start3A_87 = arith.constant 0 : i32
    %dma_start3A_88 = tpu.memref_slice %arg9[%dma_start3A_85, %dma_start3A_86, %dma_start3A_87] : memref<4x64x128xf32, #tpu.memory_space<vmem>> -> memref<1x64x128xf32, #tpu.memory_space<vmem>>
    %dma_start3A_89 = tpu.memref_squeeze %dma_start3A_88 : memref<1x64x128xf32, #tpu.memory_space<vmem>> -> memref<64x128xf32, #tpu.memory_space<vmem>>
    %dma_start3A_90 = arith.constant 0 : i32
    %dma_start3A_91 = tpu.memref_slice %arg7[%dma_start3A_84, %dma_start3A_90] : memref<40x64xi32, #tpu.memory_space<vmem>> -> memref<1x64xi32, #tpu.memory_space<vmem>>
    %dma_start3A_92 = tpu.memref_squeeze %dma_start3A_91 : memref<1x64xi32, #tpu.memory_space<vmem>> -> memref<64xi32, #tpu.memory_space<vmem>>
    %dma_start3A_93 = arith.constant 0 : i32
    %dma_start3A_94 = arith.constant 0 : i32
    %dma_start3A_95 = tpu.memref_slice %arg2[%dma_start3A_93, %dma_start3A_94] : memref<10000x128xf32, #tpu.memory_space<hbm>> -> memref<10000x128xf32, #tpu.memory_space<hbm>>
    tpu.enqueue_indirect_dma source(%dma_start3A_95 : memref<10000x128xf32, #tpu.memory_space<hbm>>) target(%dma_start3A_89 : memref<64x128xf32, #tpu.memory_space<vmem>>) offsets(%dma_start3A_92 : memref<64xi32, #tpu.memory_space<vmem>>) semaphore(%arg17 : memref<!tpu.dma_semaphore, #tpu.memory_space<semaphore_mem>>)
    %scan3A_96 = arith.constant 0 : i32
    %scan3A_97 = arith.constant 10 : i32
    %scan3A_98 = arith.addi %scan3A_96, %scan3A_97 : i32
    %scan3A_99 = arith.constant 1 : i32
    scf.for %scan3A_276 = %scan3A_96 to %scan3A_98 step %scan3A_99  : i32 {
      %mul3A_277 = arith.constant 4 : i32
      %mul3A_278 = arith.muli %scan3A_276, %mul3A_277 : i32
      %add3A_279 = arith.constant 0 : i32
      %add3A_280 = arith.addi %mul3A_278, %add3A_279 : i32
      %dma_wait3A_281 = arith.constant 0 : i32
      %dma_wait3A_282 = arith.constant 0 : i32
      %dma_wait3A_283 = arith.constant 0 : i32
      %dma_wait3A_284 = tpu.memref_slice %arg9[%dma_wait3A_281, %dma_wait3A_282, %dma_wait3A_283] : memref<4x64x128xf32, #tpu.memory_space<vmem>> -> memref<1x64x128xf32, #tpu.memory_space<vmem>>
      %dma_wait3A_285 = tpu.memref_squeeze %dma_wait3A_284 : memref<1x64x128xf32, #tpu.memory_space<vmem>> -> memref<64x128xf32, #tpu.memory_space<vmem>>
      %dma_wait3A_286 = arith.constant 0 : i32
      %dma_wait3A_287 = tpu.memref_slice %arg7[%add3A_280, %dma_wait3A_286] : memref<40x64xi32, #tpu.memory_space<vmem>> -> memref<1x64xi32, #tpu.memory_space<vmem>>
      %dma_wait3A_288 = tpu.memref_squeeze %dma_wait3A_287 : memref<1x64xi32, #tpu.memory_space<vmem>> -> memref<64xi32, #tpu.memory_space<vmem>>
      %dma_wait3A_289 = arith.constant 0 : i32
      %dma_wait3A_290 = arith.constant 0 : i32
      %dma_wait3A_291 = tpu.memref_slice %arg2[%dma_wait3A_289, %dma_wait3A_290] : memref<10000x128xf32, #tpu.memory_space<hbm>> -> memref<10000x128xf32, #tpu.memory_space<hbm>>
      tpu.wait_indirect_dma semaphore(%arg14 : memref<!tpu.dma_semaphore, #tpu.memory_space<semaphore_mem>>) src(%dma_wait3A_291 : memref<10000x128xf32, #tpu.memory_space<hbm>>) dst(%dma_wait3A_285 : memref<64x128xf32, #tpu.memory_space<vmem>>)
      %dma_start3A_292 = arith.constant 0 : i32
      %dma_start3A_293 = arith.constant 0 : i32
      %dma_start3A_294 = arith.constant 0 : i32
      %dma_start3A_295 = tpu.memref_slice %arg9[%dma_start3A_292, %dma_start3A_293, %dma_start3A_294] : memref<4x64x128xf32, #tpu.memory_space<vmem>> -> memref<1x64x128xf32, #tpu.memory_space<vmem>>
      %dma_start3A_296 = tpu.memref_squeeze %dma_start3A_295 : memref<1x64x128xf32, #tpu.memory_space<vmem>> -> memref<64x128xf32, #tpu.memory_space<vmem>>
      %dma_start3A_297 = arith.constant 0 : i32
      %dma_start3A_298 = tpu.memref_slice %arg8[%add3A_280, %dma_start3A_297] : memref<40x64xi32, #tpu.memory_space<vmem>> -> memref<1x64xi32, #tpu.memory_space<vmem>>
      %dma_start3A_299 = tpu.memref_squeeze %dma_start3A_298 : memref<1x64xi32, #tpu.memory_space<vmem>> -> memref<64xi32, #tpu.memory_space<vmem>>
      %dma_start3A_300 = arith.constant 0 : i32
      %dma_start3A_301 = arith.constant 0 : i32
      %dma_start3A_302 = tpu.memref_slice %arg12[%dma_start3A_300, %dma_start3A_301] : memref<10240x128xf32, #tpu.memory_space<vmem_shared>> -> memref<10240x128xf32, #tpu.memory_space<vmem_shared>>
      tpu.enqueue_indirect_dma source(%dma_start3A_296 : memref<64x128xf32, #tpu.memory_space<vmem>>) target(%dma_start3A_302 : memref<10240x128xf32, #tpu.memory_space<vmem_shared>>) offsets(%dma_start3A_299 : memref<64xi32, #tpu.memory_space<vmem>>) semaphore(%arg18 : memref<!tpu.dma_semaphore, #tpu.memory_space<semaphore_mem>>) {add = true}
      %dma_start3A_303 = arith.constant 0 : i32
      %dma_start3A_304 = tpu.memref_slice %arg8[%add3A_280, %dma_start3A_303] : memref<40x64xi32, #tpu.memory_space<vmem>> -> memref<1x64xi32, #tpu.memory_space<vmem>>
      %dma_start3A_305 = tpu.memref_squeeze %dma_start3A_304 : memref<1x64xi32, #tpu.memory_space<vmem>> -> memref<64xi32, #tpu.memory_space<vmem>>
      %dma_start3A_306 = arith.constant 0 : i32
      %dma_start3A_307 = tpu.memref_slice %arg13[%dma_start3A_306] : memref<10240xf32, #tpu.memory_space<vmem_shared>> -> memref<10240xf32, #tpu.memory_space<vmem_shared>>
      tpu.enqueue_indirect_dma source(%arg10 : memref<64xf32, #tpu.memory_space<vmem>>) target(%dma_start3A_307 : memref<10240xf32, #tpu.memory_space<vmem_shared>>) offsets(%dma_start3A_305 : memref<64xi32, #tpu.memory_space<vmem>>) semaphore(%arg22 : memref<!tpu.dma_semaphore, #tpu.memory_space<semaphore_mem>>) {add = true}
      %dma_wait3A_308 = arith.constant 0 : i32
      %dma_wait3A_309 = arith.constant 0 : i32
      %dma_wait3A_310 = arith.constant 0 : i32
      %dma_wait3A_311 = tpu.memref_slice %arg9[%dma_wait3A_308, %dma_wait3A_309, %dma_wait3A_310] : memref<4x64x128xf32, #tpu.memory_space<vmem>> -> memref<1x64x128xf32, #tpu.memory_space<vmem>>
      %dma_wait3A_312 = tpu.memref_squeeze %dma_wait3A_311 : memref<1x64x128xf32, #tpu.memory_space<vmem>> -> memref<64x128xf32, #tpu.memory_space<vmem>>
      %dma_wait3A_313 = arith.constant 0 : i32
      %dma_wait3A_314 = tpu.memref_slice %arg8[%add3A_280, %dma_wait3A_313] : memref<40x64xi32, #tpu.memory_space<vmem>> -> memref<1x64xi32, #tpu.memory_space<vmem>>
      %dma_wait3A_315 = tpu.memref_squeeze %dma_wait3A_314 : memref<1x64xi32, #tpu.memory_space<vmem>> -> memref<64xi32, #tpu.memory_space<vmem>>
      %dma_wait3A_316 = arith.constant 0 : i32
      %dma_wait3A_317 = arith.constant 0 : i32
      %dma_wait3A_318 = tpu.memref_slice %arg12[%dma_wait3A_316, %dma_wait3A_317] : memref<10240x128xf32, #tpu.memory_space<vmem_shared>> -> memref<10240x128xf32, #tpu.memory_space<vmem_shared>>
      tpu.wait_indirect_dma semaphore(%arg18 : memref<!tpu.dma_semaphore, #tpu.memory_space<semaphore_mem>>) src(%dma_wait3A_312 : memref<64x128xf32, #tpu.memory_space<vmem>>) dst(%dma_wait3A_318 : memref<10240x128xf32, #tpu.memory_space<vmem_shared>>)
      %dma_wait3A_319 = arith.constant 0 : i32
      %dma_wait3A_320 = tpu.memref_slice %arg8[%add3A_280, %dma_wait3A_319] : memref<40x64xi32, #tpu.memory_space<vmem>> -> memref<1x64xi32, #tpu.memory_space<vmem>>
      %dma_wait3A_321 = tpu.memref_squeeze %dma_wait3A_320 : memref<1x64xi32, #tpu.memory_space<vmem>> -> memref<64xi32, #tpu.memory_space<vmem>>
      %dma_wait3A_322 = arith.constant 0 : i32
      %dma_wait3A_323 = tpu.memref_slice %arg13[%dma_wait3A_322] : memref<10240xf32, #tpu.memory_space<vmem_shared>> -> memref<10240xf32, #tpu.memory_space<vmem_shared>>
      tpu.wait_indirect_dma semaphore(%arg22 : memref<!tpu.dma_semaphore, #tpu.memory_space<semaphore_mem>>) src(%arg10 : memref<64xf32, #tpu.memory_space<vmem>>) dst(%dma_wait3A_323 : memref<10240xf32, #tpu.memory_space<vmem_shared>>)
      %lt3A = arith.constant 9 : i32
      %lt3A_324 = arith.cmpi slt, %scan3A_276, %lt3A : i32
      %convert_element_type3A = arith.extui %lt3A_324 : i1 to i32
      %cond3A = arith.constant 0 : i32
      %cond3A_325 = arith.cmpi ne, %convert_element_type3A, %cond3A : i32
      scf.if %cond3A_325 {
        %add3A_482 = arith.constant 4 : i32
        %add3A_483 = arith.addi %add3A_280, %add3A_482 : i32
        %dma_start3A_484 = arith.constant 0 : i32
        %dma_start3A_485 = arith.constant 0 : i32
        %dma_start3A_486 = arith.constant 0 : i32
        %dma_start3A_487 = tpu.memref_slice %arg9[%dma_start3A_484, %dma_start3A_485, %dma_start3A_486] : memref<4x64x128xf32, #tpu.memory_space<vmem>> -> memref<1x64x128xf32, #tpu.memory_space<vmem>>
        %dma_start3A_488 = tpu.memref_squeeze %dma_start3A_487 : memref<1x64x128xf32, #tpu.memory_space<vmem>> -> memref<64x128xf32, #tpu.memory_space<vmem>>
        %dma_start3A_489 = arith.constant 0 : i32
        %dma_start3A_490 = tpu.memref_slice %arg7[%add3A_483, %dma_start3A_489] : memref<40x64xi32, #tpu.memory_space<vmem>> -> memref<1x64xi32, #tpu.memory_space<vmem>>
        %dma_start3A_491 = tpu.memref_squeeze %dma_start3A_490 : memref<1x64xi32, #tpu.memory_space<vmem>> -> memref<64xi32, #tpu.memory_space<vmem>>
        %dma_start3A_492 = arith.constant 0 : i32
        %dma_start3A_493 = arith.constant 0 : i32
        %dma_start3A_494 = tpu.memref_slice %arg2[%dma_start3A_492, %dma_start3A_493] : memref<10000x128xf32, #tpu.memory_space<hbm>> -> memref<10000x128xf32, #tpu.memory_space<hbm>>
        tpu.enqueue_indirect_dma source(%dma_start3A_494 : memref<10000x128xf32, #tpu.memory_space<hbm>>) target(%dma_start3A_488 : memref<64x128xf32, #tpu.memory_space<vmem>>) offsets(%dma_start3A_491 : memref<64xi32, #tpu.memory_space<vmem>>) semaphore(%arg14 : memref<!tpu.dma_semaphore, #tpu.memory_space<semaphore_mem>>)
      } else {
      }
      %mul3A_326 = arith.constant 4 : i32
      %mul3A_327 = arith.muli %scan3A_276, %mul3A_326 : i32
      %add3A_328 = arith.constant 1 : i32
      %add3A_329 = arith.addi %mul3A_327, %add3A_328 : i32
      %dma_wait3A_330 = arith.constant 1 : i32
      %dma_wait3A_331 = arith.constant 0 : i32
      %dma_wait3A_332 = arith.constant 0 : i32
      %dma_wait3A_333 = tpu.memref_slice %arg9[%dma_wait3A_330, %dma_wait3A_331, %dma_wait3A_332] : memref<4x64x128xf32, #tpu.memory_space<vmem>> -> memref<1x64x128xf32, #tpu.memory_space<vmem>>
      %dma_wait3A_334 = tpu.memref_squeeze %dma_wait3A_333 : memref<1x64x128xf32, #tpu.memory_space<vmem>> -> memref<64x128xf32, #tpu.memory_space<vmem>>
      %dma_wait3A_335 = arith.constant 0 : i32
      %dma_wait3A_336 = tpu.memref_slice %arg7[%add3A_329, %dma_wait3A_335] : memref<40x64xi32, #tpu.memory_space<vmem>> -> memref<1x64xi32, #tpu.memory_space<vmem>>
      %dma_wait3A_337 = tpu.memref_squeeze %dma_wait3A_336 : memref<1x64xi32, #tpu.memory_space<vmem>> -> memref<64xi32, #tpu.memory_space<vmem>>
      %dma_wait3A_338 = arith.constant 0 : i32
      %dma_wait3A_339 = arith.constant 0 : i32
      %dma_wait3A_340 = tpu.memref_slice %arg2[%dma_wait3A_338, %dma_wait3A_339] : memref<10000x128xf32, #tpu.memory_space<hbm>> -> memref<10000x128xf32, #tpu.memory_space<hbm>>
      tpu.wait_indirect_dma semaphore(%arg15 : memref<!tpu.dma_semaphore, #tpu.memory_space<semaphore_mem>>) src(%dma_wait3A_340 : memref<10000x128xf32, #tpu.memory_space<hbm>>) dst(%dma_wait3A_334 : memref<64x128xf32, #tpu.memory_space<vmem>>)
      %dma_start3A_341 = arith.constant 1 : i32
      %dma_start3A_342 = arith.constant 0 : i32
      %dma_start3A_343 = arith.constant 0 : i32
      %dma_start3A_344 = tpu.memref_slice %arg9[%dma_start3A_341, %dma_start3A_342, %dma_start3A_343] : memref<4x64x128xf32, #tpu.memory_space<vmem>> -> memref<1x64x128xf32, #tpu.memory_space<vmem>>
      %dma_start3A_345 = tpu.memref_squeeze %dma_start3A_344 : memref<1x64x128xf32, #tpu.memory_space<vmem>> -> memref<64x128xf32, #tpu.memory_space<vmem>>
      %dma_start3A_346 = arith.constant 0 : i32
      %dma_start3A_347 = tpu.memref_slice %arg8[%add3A_329, %dma_start3A_346] : memref<40x64xi32, #tpu.memory_space<vmem>> -> memref<1x64xi32, #tpu.memory_space<vmem>>
      %dma_start3A_348 = tpu.memref_squeeze %dma_start3A_347 : memref<1x64xi32, #tpu.memory_space<vmem>> -> memref<64xi32, #tpu.memory_space<vmem>>
      %dma_start3A_349 = arith.constant 0 : i32
      %dma_start3A_350 = arith.constant 0 : i32
      %dma_start3A_351 = tpu.memref_slice %arg12[%dma_start3A_349, %dma_start3A_350] : memref<10240x128xf32, #tpu.memory_space<vmem_shared>> -> memref<10240x128xf32, #tpu.memory_space<vmem_shared>>
      tpu.enqueue_indirect_dma source(%dma_start3A_345 : memref<64x128xf32, #tpu.memory_space<vmem>>) target(%dma_start3A_351 : memref<10240x128xf32, #tpu.memory_space<vmem_shared>>) offsets(%dma_start3A_348 : memref<64xi32, #tpu.memory_space<vmem>>) semaphore(%arg19 : memref<!tpu.dma_semaphore, #tpu.memory_space<semaphore_mem>>) {add = true}
      %dma_start3A_352 = arith.constant 0 : i32
      %dma_start3A_353 = tpu.memref_slice %arg8[%add3A_329, %dma_start3A_352] : memref<40x64xi32, #tpu.memory_space<vmem>> -> memref<1x64xi32, #tpu.memory_space<vmem>>
      %dma_start3A_354 = tpu.memref_squeeze %dma_start3A_353 : memref<1x64xi32, #tpu.memory_space<vmem>> -> memref<64xi32, #tpu.memory_space<vmem>>
      %dma_start3A_355 = arith.constant 0 : i32
      %dma_start3A_356 = tpu.memref_slice %arg13[%dma_start3A_355] : memref<10240xf32, #tpu.memory_space<vmem_shared>> -> memref<10240xf32, #tpu.memory_space<vmem_shared>>
      tpu.enqueue_indirect_dma source(%arg10 : memref<64xf32, #tpu.memory_space<vmem>>) target(%dma_start3A_356 : memref<10240xf32, #tpu.memory_space<vmem_shared>>) offsets(%dma_start3A_354 : memref<64xi32, #tpu.memory_space<vmem>>) semaphore(%arg23 : memref<!tpu.dma_semaphore, #tpu.memory_space<semaphore_mem>>) {add = true}
      %dma_wait3A_357 = arith.constant 1 : i32
      %dma_wait3A_358 = arith.constant 0 : i32
      %dma_wait3A_359 = arith.constant 0 : i32
      %dma_wait3A_360 = tpu.memref_slice %arg9[%dma_wait3A_357, %dma_wait3A_358, %dma_wait3A_359] : memref<4x64x128xf32, #tpu.memory_space<vmem>> -> memref<1x64x128xf32, #tpu.memory_space<vmem>>
      %dma_wait3A_361 = tpu.memref_squeeze %dma_wait3A_360 : memref<1x64x128xf32, #tpu.memory_space<vmem>> -> memref<64x128xf32, #tpu.memory_space<vmem>>
      %dma_wait3A_362 = arith.constant 0 : i32
      %dma_wait3A_363 = tpu.memref_slice %arg8[%add3A_329, %dma_wait3A_362] : memref<40x64xi32, #tpu.memory_space<vmem>> -> memref<1x64xi32, #tpu.memory_space<vmem>>
      %dma_wait3A_364 = tpu.memref_squeeze %dma_wait3A_363 : memref<1x64xi32, #tpu.memory_space<vmem>> -> memref<64xi32, #tpu.memory_space<vmem>>
      %dma_wait3A_365 = arith.constant 0 : i32
      %dma_wait3A_366 = arith.constant 0 : i32
      %dma_wait3A_367 = tpu.memref_slice %arg12[%dma_wait3A_365, %dma_wait3A_366] : memref<10240x128xf32, #tpu.memory_space<vmem_shared>> -> memref<10240x128xf32, #tpu.memory_space<vmem_shared>>
      tpu.wait_indirect_dma semaphore(%arg19 : memref<!tpu.dma_semaphore, #tpu.memory_space<semaphore_mem>>) src(%dma_wait3A_361 : memref<64x128xf32, #tpu.memory_space<vmem>>) dst(%dma_wait3A_367 : memref<10240x128xf32, #tpu.memory_space<vmem_shared>>)
      %dma_wait3A_368 = arith.constant 0 : i32
      %dma_wait3A_369 = tpu.memref_slice %arg8[%add3A_329, %dma_wait3A_368] : memref<40x64xi32, #tpu.memory_space<vmem>> -> memref<1x64xi32, #tpu.memory_space<vmem>>
      %dma_wait3A_370 = tpu.memref_squeeze %dma_wait3A_369 : memref<1x64xi32, #tpu.memory_space<vmem>> -> memref<64xi32, #tpu.memory_space<vmem>>
      %dma_wait3A_371 = arith.constant 0 : i32
      %dma_wait3A_372 = tpu.memref_slice %arg13[%dma_wait3A_371] : memref<10240xf32, #tpu.memory_space<vmem_shared>> -> memref<10240xf32, #tpu.memory_space<vmem_shared>>
      tpu.wait_indirect_dma semaphore(%arg23 : memref<!tpu.dma_semaphore, #tpu.memory_space<semaphore_mem>>) src(%arg10 : memref<64xf32, #tpu.memory_space<vmem>>) dst(%dma_wait3A_372 : memref<10240xf32, #tpu.memory_space<vmem_shared>>)
      %lt3A_373 = arith.constant 9 : i32
      %lt3A_374 = arith.cmpi slt, %scan3A_276, %lt3A_373 : i32
      %convert_element_type3A_375 = arith.extui %lt3A_374 : i1 to i32
      %cond3A_376 = arith.constant 0 : i32
      %cond3A_377 = arith.cmpi ne, %convert_element_type3A_375, %cond3A_376 : i32
      scf.if %cond3A_377 {
        %add3A_482 = arith.constant 4 : i32
        %add3A_483 = arith.addi %add3A_329, %add3A_482 : i32
        %dma_start3A_484 = arith.constant 1 : i32
        %dma_start3A_485 = arith.constant 0 : i32
        %dma_start3A_486 = arith.constant 0 : i32
        %dma_start3A_487 = tpu.memref_slice %arg9[%dma_start3A_484, %dma_start3A_485, %dma_start3A_486] : memref<4x64x128xf32, #tpu.memory_space<vmem>> -> memref<1x64x128xf32, #tpu.memory_space<vmem>>
        %dma_start3A_488 = tpu.memref_squeeze %dma_start3A_487 : memref<1x64x128xf32, #tpu.memory_space<vmem>> -> memref<64x128xf32, #tpu.memory_space<vmem>>
        %dma_start3A_489 = arith.constant 0 : i32
        %dma_start3A_490 = tpu.memref_slice %arg7[%add3A_483, %dma_start3A_489] : memref<40x64xi32, #tpu.memory_space<vmem>> -> memref<1x64xi32, #tpu.memory_space<vmem>>
        %dma_start3A_491 = tpu.memref_squeeze %dma_start3A_490 : memref<1x64xi32, #tpu.memory_space<vmem>> -> memref<64xi32, #tpu.memory_space<vmem>>
        %dma_start3A_492 = arith.constant 0 : i32
        %dma_start3A_493 = arith.constant 0 : i32
        %dma_start3A_494 = tpu.memref_slice %arg2[%dma_start3A_492, %dma_start3A_493] : memref<10000x128xf32, #tpu.memory_space<hbm>> -> memref<10000x128xf32, #tpu.memory_space<hbm>>
        tpu.enqueue_indirect_dma source(%dma_start3A_494 : memref<10000x128xf32, #tpu.memory_space<hbm>>) target(%dma_start3A_488 : memref<64x128xf32, #tpu.memory_space<vmem>>) offsets(%dma_start3A_491 : memref<64xi32, #tpu.memory_space<vmem>>) semaphore(%arg15 : memref<!tpu.dma_semaphore, #tpu.memory_space<semaphore_mem>>)
      } else {
      }
      %mul3A_378 = arith.constant 4 : i32
      %mul3A_379 = arith.muli %scan3A_276, %mul3A_378 : i32
      %add3A_380 = arith.constant 2 : i32
      %add3A_381 = arith.addi %mul3A_379, %add3A_380 : i32
      %dma_wait3A_382 = arith.constant 2 : i32
      %dma_wait3A_383 = arith.constant 0 : i32
      %dma_wait3A_384 = arith.constant 0 : i32
      %dma_wait3A_385 = tpu.memref_slice %arg9[%dma_wait3A_382, %dma_wait3A_383, %dma_wait3A_384] : memref<4x64x128xf32, #tpu.memory_space<vmem>> -> memref<1x64x128xf32, #tpu.memory_space<vmem>>
      %dma_wait3A_386 = tpu.memref_squeeze %dma_wait3A_385 : memref<1x64x128xf32, #tpu.memory_space<vmem>> -> memref<64x128xf32, #tpu.memory_space<vmem>>
      %dma_wait3A_387 = arith.constant 0 : i32
      %dma_wait3A_388 = tpu.memref_slice %arg7[%add3A_381, %dma_wait3A_387] : memref<40x64xi32, #tpu.memory_space<vmem>> -> memref<1x64xi32, #tpu.memory_space<vmem>>
      %dma_wait3A_389 = tpu.memref_squeeze %dma_wait3A_388 : memref<1x64xi32, #tpu.memory_space<vmem>> -> memref<64xi32, #tpu.memory_space<vmem>>
      %dma_wait3A_390 = arith.constant 0 : i32
      %dma_wait3A_391 = arith.constant 0 : i32
      %dma_wait3A_392 = tpu.memref_slice %arg2[%dma_wait3A_390, %dma_wait3A_391] : memref<10000x128xf32, #tpu.memory_space<hbm>> -> memref<10000x128xf32, #tpu.memory_space<hbm>>
      tpu.wait_indirect_dma semaphore(%arg16 : memref<!tpu.dma_semaphore, #tpu.memory_space<semaphore_mem>>) src(%dma_wait3A_392 : memref<10000x128xf32, #tpu.memory_space<hbm>>) dst(%dma_wait3A_386 : memref<64x128xf32, #tpu.memory_space<vmem>>)
      %dma_start3A_393 = arith.constant 2 : i32
      %dma_start3A_394 = arith.constant 0 : i32
      %dma_start3A_395 = arith.constant 0 : i32
      %dma_start3A_396 = tpu.memref_slice %arg9[%dma_start3A_393, %dma_start3A_394, %dma_start3A_395] : memref<4x64x128xf32, #tpu.memory_space<vmem>> -> memref<1x64x128xf32, #tpu.memory_space<vmem>>
      %dma_start3A_397 = tpu.memref_squeeze %dma_start3A_396 : memref<1x64x128xf32, #tpu.memory_space<vmem>> -> memref<64x128xf32, #tpu.memory_space<vmem>>
      %dma_start3A_398 = arith.constant 0 : i32
      %dma_start3A_399 = tpu.memref_slice %arg8[%add3A_381, %dma_start3A_398] : memref<40x64xi32, #tpu.memory_space<vmem>> -> memref<1x64xi32, #tpu.memory_space<vmem>>
      %dma_start3A_400 = tpu.memref_squeeze %dma_start3A_399 : memref<1x64xi32, #tpu.memory_space<vmem>> -> memref<64xi32, #tpu.memory_space<vmem>>
      %dma_start3A_401 = arith.constant 0 : i32
      %dma_start3A_402 = arith.constant 0 : i32
      %dma_start3A_403 = tpu.memref_slice %arg12[%dma_start3A_401, %dma_start3A_402] : memref<10240x128xf32, #tpu.memory_space<vmem_shared>> -> memref<10240x128xf32, #tpu.memory_space<vmem_shared>>
      tpu.enqueue_indirect_dma source(%dma_start3A_397 : memref<64x128xf32, #tpu.memory_space<vmem>>) target(%dma_start3A_403 : memref<10240x128xf32, #tpu.memory_space<vmem_shared>>) offsets(%dma_start3A_400 : memref<64xi32, #tpu.memory_space<vmem>>) semaphore(%arg20 : memref<!tpu.dma_semaphore, #tpu.memory_space<semaphore_mem>>) {add = true}
      %dma_start3A_404 = arith.constant 0 : i32
      %dma_start3A_405 = tpu.memref_slice %arg8[%add3A_381, %dma_start3A_404] : memref<40x64xi32, #tpu.memory_space<vmem>> -> memref<1x64xi32, #tpu.memory_space<vmem>>
      %dma_start3A_406 = tpu.memref_squeeze %dma_start3A_405 : memref<1x64xi32, #tpu.memory_space<vmem>> -> memref<64xi32, #tpu.memory_space<vmem>>
      %dma_start3A_407 = arith.constant 0 : i32
      %dma_start3A_408 = tpu.memref_slice %arg13[%dma_start3A_407] : memref<10240xf32, #tpu.memory_space<vmem_shared>> -> memref<10240xf32, #tpu.memory_space<vmem_shared>>
      tpu.enqueue_indirect_dma source(%arg10 : memref<64xf32, #tpu.memory_space<vmem>>) target(%dma_start3A_408 : memref<10240xf32, #tpu.memory_space<vmem_shared>>) offsets(%dma_start3A_406 : memref<64xi32, #tpu.memory_space<vmem>>) semaphore(%arg24 : memref<!tpu.dma_semaphore, #tpu.memory_space<semaphore_mem>>) {add = true}
      %dma_wait3A_409 = arith.constant 2 : i32
      %dma_wait3A_410 = arith.constant 0 : i32
      %dma_wait3A_411 = arith.constant 0 : i32
      %dma_wait3A_412 = tpu.memref_slice %arg9[%dma_wait3A_409, %dma_wait3A_410, %dma_wait3A_411] : memref<4x64x128xf32, #tpu.memory_space<vmem>> -> memref<1x64x128xf32, #tpu.memory_space<vmem>>
      %dma_wait3A_413 = tpu.memref_squeeze %dma_wait3A_412 : memref<1x64x128xf32, #tpu.memory_space<vmem>> -> memref<64x128xf32, #tpu.memory_space<vmem>>
      %dma_wait3A_414 = arith.constant 0 : i32
      %dma_wait3A_415 = tpu.memref_slice %arg8[%add3A_381, %dma_wait3A_414] : memref<40x64xi32, #tpu.memory_space<vmem>> -> memref<1x64xi32, #tpu.memory_space<vmem>>
      %dma_wait3A_416 = tpu.memref_squeeze %dma_wait3A_415 : memref<1x64xi32, #tpu.memory_space<vmem>> -> memref<64xi32, #tpu.memory_space<vmem>>
      %dma_wait3A_417 = arith.constant 0 : i32
      %dma_wait3A_418 = arith.constant 0 : i32
      %dma_wait3A_419 = tpu.memref_slice %arg12[%dma_wait3A_417, %dma_wait3A_418] : memref<10240x128xf32, #tpu.memory_space<vmem_shared>> -> memref<10240x128xf32, #tpu.memory_space<vmem_shared>>
      tpu.wait_indirect_dma semaphore(%arg20 : memref<!tpu.dma_semaphore, #tpu.memory_space<semaphore_mem>>) src(%dma_wait3A_413 : memref<64x128xf32, #tpu.memory_space<vmem>>) dst(%dma_wait3A_419 : memref<10240x128xf32, #tpu.memory_space<vmem_shared>>)
      %dma_wait3A_420 = arith.constant 0 : i32
      %dma_wait3A_421 = tpu.memref_slice %arg8[%add3A_381, %dma_wait3A_420] : memref<40x64xi32, #tpu.memory_space<vmem>> -> memref<1x64xi32, #tpu.memory_space<vmem>>
      %dma_wait3A_422 = tpu.memref_squeeze %dma_wait3A_421 : memref<1x64xi32, #tpu.memory_space<vmem>> -> memref<64xi32, #tpu.memory_space<vmem>>
      %dma_wait3A_423 = arith.constant 0 : i32
      %dma_wait3A_424 = tpu.memref_slice %arg13[%dma_wait3A_423] : memref<10240xf32, #tpu.memory_space<vmem_shared>> -> memref<10240xf32, #tpu.memory_space<vmem_shared>>
      tpu.wait_indirect_dma semaphore(%arg24 : memref<!tpu.dma_semaphore, #tpu.memory_space<semaphore_mem>>) src(%arg10 : memref<64xf32, #tpu.memory_space<vmem>>) dst(%dma_wait3A_424 : memref<10240xf32, #tpu.memory_space<vmem_shared>>)
      %lt3A_425 = arith.constant 9 : i32
      %lt3A_426 = arith.cmpi slt, %scan3A_276, %lt3A_425 : i32
      %convert_element_type3A_427 = arith.extui %lt3A_426 : i1 to i32
      %cond3A_428 = arith.constant 0 : i32
      %cond3A_429 = arith.cmpi ne, %convert_element_type3A_427, %cond3A_428 : i32
      scf.if %cond3A_429 {
        %add3A_482 = arith.constant 4 : i32
        %add3A_483 = arith.addi %add3A_381, %add3A_482 : i32
        %dma_start3A_484 = arith.constant 2 : i32
        %dma_start3A_485 = arith.constant 0 : i32
        %dma_start3A_486 = arith.constant 0 : i32
        %dma_start3A_487 = tpu.memref_slice %arg9[%dma_start3A_484, %dma_start3A_485, %dma_start3A_486] : memref<4x64x128xf32, #tpu.memory_space<vmem>> -> memref<1x64x128xf32, #tpu.memory_space<vmem>>
        %dma_start3A_488 = tpu.memref_squeeze %dma_start3A_487 : memref<1x64x128xf32, #tpu.memory_space<vmem>> -> memref<64x128xf32, #tpu.memory_space<vmem>>
        %dma_start3A_489 = arith.constant 0 : i32
        %dma_start3A_490 = tpu.memref_slice %arg7[%add3A_483, %dma_start3A_489] : memref<40x64xi32, #tpu.memory_space<vmem>> -> memref<1x64xi32, #tpu.memory_space<vmem>>
        %dma_start3A_491 = tpu.memref_squeeze %dma_start3A_490 : memref<1x64xi32, #tpu.memory_space<vmem>> -> memref<64xi32, #tpu.memory_space<vmem>>
        %dma_start3A_492 = arith.constant 0 : i32
        %dma_start3A_493 = arith.constant 0 : i32
        %dma_start3A_494 = tpu.memref_slice %arg2[%dma_start3A_492, %dma_start3A_493] : memref<10000x128xf32, #tpu.memory_space<hbm>> -> memref<10000x128xf32, #tpu.memory_space<hbm>>
        tpu.enqueue_indirect_dma source(%dma_start3A_494 : memref<10000x128xf32, #tpu.memory_space<hbm>>) target(%dma_start3A_488 : memref<64x128xf32, #tpu.memory_space<vmem>>) offsets(%dma_start3A_491 : memref<64xi32, #tpu.memory_space<vmem>>) semaphore(%arg16 : memref<!tpu.dma_semaphore, #tpu.memory_space<semaphore_mem>>)
      } else {
      }
      %mul3A_430 = arith.constant 4 : i32
      %mul3A_431 = arith.muli %scan3A_276, %mul3A_430 : i32
      %add3A_432 = arith.constant 3 : i32
      %add3A_433 = arith.addi %mul3A_431, %add3A_432 : i32
      %dma_wait3A_434 = arith.constant 3 : i32
      %dma_wait3A_435 = arith.constant 0 : i32
      %dma_wait3A_436 = arith.constant 0 : i32
      %dma_wait3A_437 = tpu.memref_slice %arg9[%dma_wait3A_434, %dma_wait3A_435, %dma_wait3A_436] : memref<4x64x128xf32, #tpu.memory_space<vmem>> -> memref<1x64x128xf32, #tpu.memory_space<vmem>>
      %dma_wait3A_438 = tpu.memref_squeeze %dma_wait3A_437 : memref<1x64x128xf32, #tpu.memory_space<vmem>> -> memref<64x128xf32, #tpu.memory_space<vmem>>
      %dma_wait3A_439 = arith.constant 0 : i32
      %dma_wait3A_440 = tpu.memref_slice %arg7[%add3A_433, %dma_wait3A_439] : memref<40x64xi32, #tpu.memory_space<vmem>> -> memref<1x64xi32, #tpu.memory_space<vmem>>
      %dma_wait3A_441 = tpu.memref_squeeze %dma_wait3A_440 : memref<1x64xi32, #tpu.memory_space<vmem>> -> memref<64xi32, #tpu.memory_space<vmem>>
      %dma_wait3A_442 = arith.constant 0 : i32
      %dma_wait3A_443 = arith.constant 0 : i32
      %dma_wait3A_444 = tpu.memref_slice %arg2[%dma_wait3A_442, %dma_wait3A_443] : memref<10000x128xf32, #tpu.memory_space<hbm>> -> memref<10000x128xf32, #tpu.memory_space<hbm>>
      tpu.wait_indirect_dma semaphore(%arg17 : memref<!tpu.dma_semaphore, #tpu.memory_space<semaphore_mem>>) src(%dma_wait3A_444 : memref<10000x128xf32, #tpu.memory_space<hbm>>) dst(%dma_wait3A_438 : memref<64x128xf32, #tpu.memory_space<vmem>>)
      %dma_start3A_445 = arith.constant 3 : i32
      %dma_start3A_446 = arith.constant 0 : i32
      %dma_start3A_447 = arith.constant 0 : i32
      %dma_start3A_448 = tpu.memref_slice %arg9[%dma_start3A_445, %dma_start3A_446, %dma_start3A_447] : memref<4x64x128xf32, #tpu.memory_space<vmem>> -> memref<1x64x128xf32, #tpu.memory_space<vmem>>
      %dma_start3A_449 = tpu.memref_squeeze %dma_start3A_448 : memref<1x64x128xf32, #tpu.memory_space<vmem>> -> memref<64x128xf32, #tpu.memory_space<vmem>>
      %dma_start3A_450 = arith.constant 0 : i32
      %dma_start3A_451 = tpu.memref_slice %arg8[%add3A_433, %dma_start3A_450] : memref<40x64xi32, #tpu.memory_space<vmem>> -> memref<1x64xi32, #tpu.memory_space<vmem>>
      %dma_start3A_452 = tpu.memref_squeeze %dma_start3A_451 : memref<1x64xi32, #tpu.memory_space<vmem>> -> memref<64xi32, #tpu.memory_space<vmem>>
      %dma_start3A_453 = arith.constant 0 : i32
      %dma_start3A_454 = arith.constant 0 : i32
      %dma_start3A_455 = tpu.memref_slice %arg12[%dma_start3A_453, %dma_start3A_454] : memref<10240x128xf32, #tpu.memory_space<vmem_shared>> -> memref<10240x128xf32, #tpu.memory_space<vmem_shared>>
      tpu.enqueue_indirect_dma source(%dma_start3A_449 : memref<64x128xf32, #tpu.memory_space<vmem>>) target(%dma_start3A_455 : memref<10240x128xf32, #tpu.memory_space<vmem_shared>>) offsets(%dma_start3A_452 : memref<64xi32, #tpu.memory_space<vmem>>) semaphore(%arg21 : memref<!tpu.dma_semaphore, #tpu.memory_space<semaphore_mem>>) {add = true}
      %dma_start3A_456 = arith.constant 0 : i32
      %dma_start3A_457 = tpu.memref_slice %arg8[%add3A_433, %dma_start3A_456] : memref<40x64xi32, #tpu.memory_space<vmem>> -> memref<1x64xi32, #tpu.memory_space<vmem>>
      %dma_start3A_458 = tpu.memref_squeeze %dma_start3A_457 : memref<1x64xi32, #tpu.memory_space<vmem>> -> memref<64xi32, #tpu.memory_space<vmem>>
      %dma_start3A_459 = arith.constant 0 : i32
      %dma_start3A_460 = tpu.memref_slice %arg13[%dma_start3A_459] : memref<10240xf32, #tpu.memory_space<vmem_shared>> -> memref<10240xf32, #tpu.memory_space<vmem_shared>>
      tpu.enqueue_indirect_dma source(%arg10 : memref<64xf32, #tpu.memory_space<vmem>>) target(%dma_start3A_460 : memref<10240xf32, #tpu.memory_space<vmem_shared>>) offsets(%dma_start3A_458 : memref<64xi32, #tpu.memory_space<vmem>>) semaphore(%arg25 : memref<!tpu.dma_semaphore, #tpu.memory_space<semaphore_mem>>) {add = true}
      %dma_wait3A_461 = arith.constant 3 : i32
      %dma_wait3A_462 = arith.constant 0 : i32
      %dma_wait3A_463 = arith.constant 0 : i32
      %dma_wait3A_464 = tpu.memref_slice %arg9[%dma_wait3A_461, %dma_wait3A_462, %dma_wait3A_463] : memref<4x64x128xf32, #tpu.memory_space<vmem>> -> memref<1x64x128xf32, #tpu.memory_space<vmem>>
      %dma_wait3A_465 = tpu.memref_squeeze %dma_wait3A_464 : memref<1x64x128xf32, #tpu.memory_space<vmem>> -> memref<64x128xf32, #tpu.memory_space<vmem>>
      %dma_wait3A_466 = arith.constant 0 : i32
      %dma_wait3A_467 = tpu.memref_slice %arg8[%add3A_433, %dma_wait3A_466] : memref<40x64xi32, #tpu.memory_space<vmem>> -> memref<1x64xi32, #tpu.memory_space<vmem>>
      %dma_wait3A_468 = tpu.memref_squeeze %dma_wait3A_467 : memref<1x64xi32, #tpu.memory_space<vmem>> -> memref<64xi32, #tpu.memory_space<vmem>>
      %dma_wait3A_469 = arith.constant 0 : i32
      %dma_wait3A_470 = arith.constant 0 : i32
      %dma_wait3A_471 = tpu.memref_slice %arg12[%dma_wait3A_469, %dma_wait3A_470] : memref<10240x128xf32, #tpu.memory_space<vmem_shared>> -> memref<10240x128xf32, #tpu.memory_space<vmem_shared>>
      tpu.wait_indirect_dma semaphore(%arg21 : memref<!tpu.dma_semaphore, #tpu.memory_space<semaphore_mem>>) src(%dma_wait3A_465 : memref<64x128xf32, #tpu.memory_space<vmem>>) dst(%dma_wait3A_471 : memref<10240x128xf32, #tpu.memory_space<vmem_shared>>)
      %dma_wait3A_472 = arith.constant 0 : i32
      %dma_wait3A_473 = tpu.memref_slice %arg8[%add3A_433, %dma_wait3A_472] : memref<40x64xi32, #tpu.memory_space<vmem>> -> memref<1x64xi32, #tpu.memory_space<vmem>>
      %dma_wait3A_474 = tpu.memref_squeeze %dma_wait3A_473 : memref<1x64xi32, #tpu.memory_space<vmem>> -> memref<64xi32, #tpu.memory_space<vmem>>
      %dma_wait3A_475 = arith.constant 0 : i32
      %dma_wait3A_476 = tpu.memref_slice %arg13[%dma_wait3A_475] : memref<10240xf32, #tpu.memory_space<vmem_shared>> -> memref<10240xf32, #tpu.memory_space<vmem_shared>>
      tpu.wait_indirect_dma semaphore(%arg25 : memref<!tpu.dma_semaphore, #tpu.memory_space<semaphore_mem>>) src(%arg10 : memref<64xf32, #tpu.memory_space<vmem>>) dst(%dma_wait3A_476 : memref<10240xf32, #tpu.memory_space<vmem_shared>>)
      %lt3A_477 = arith.constant 9 : i32
      %lt3A_478 = arith.cmpi slt, %scan3A_276, %lt3A_477 : i32
      %convert_element_type3A_479 = arith.extui %lt3A_478 : i1 to i32
      %cond3A_480 = arith.constant 0 : i32
      %cond3A_481 = arith.cmpi ne, %convert_element_type3A_479, %cond3A_480 : i32
      scf.if %cond3A_481 {
        %add3A_482 = arith.constant 4 : i32
        %add3A_483 = arith.addi %add3A_433, %add3A_482 : i32
        %dma_start3A_484 = arith.constant 3 : i32
        %dma_start3A_485 = arith.constant 0 : i32
        %dma_start3A_486 = arith.constant 0 : i32
        %dma_start3A_487 = tpu.memref_slice %arg9[%dma_start3A_484, %dma_start3A_485, %dma_start3A_486] : memref<4x64x128xf32, #tpu.memory_space<vmem>> -> memref<1x64x128xf32, #tpu.memory_space<vmem>>
        %dma_start3A_488 = tpu.memref_squeeze %dma_start3A_487 : memref<1x64x128xf32, #tpu.memory_space<vmem>> -> memref<64x128xf32, #tpu.memory_space<vmem>>
        %dma_start3A_489 = arith.constant 0 : i32
        %dma_start3A_490 = tpu.memref_slice %arg7[%add3A_483, %dma_start3A_489] : memref<40x64xi32, #tpu.memory_space<vmem>> -> memref<1x64xi32, #tpu.memory_space<vmem>>
        %dma_start3A_491 = tpu.memref_squeeze %dma_start3A_490 : memref<1x64xi32, #tpu.memory_space<vmem>> -> memref<64xi32, #tpu.memory_space<vmem>>
        %dma_start3A_492 = arith.constant 0 : i32
        %dma_start3A_493 = arith.constant 0 : i32
        %dma_start3A_494 = tpu.memref_slice %arg2[%dma_start3A_492, %dma_start3A_493] : memref<10000x128xf32, #tpu.memory_space<hbm>> -> memref<10000x128xf32, #tpu.memory_space<hbm>>
        tpu.enqueue_indirect_dma source(%dma_start3A_494 : memref<10000x128xf32, #tpu.memory_space<hbm>>) target(%dma_start3A_488 : memref<64x128xf32, #tpu.memory_space<vmem>>) offsets(%dma_start3A_491 : memref<64xi32, #tpu.memory_space<vmem>>) semaphore(%arg17 : memref<!tpu.dma_semaphore, #tpu.memory_space<semaphore_mem>>)
      } else {
      }
    }
    %scan3A_100 = arith.constant 10 : i32
    "tpu.region"() ({
      %run_scoped3A_276 = tpu.sem_alloc : memref<!tpu.dma_semaphore, #tpu.memory_space<semaphore_mem>>
      %dma_start3A_277 = arith.constant 40 : i32
      %dma_start3A_278 = arith.constant 0 : i32
      %dma_start3A_279 = tpu.memref_slice %arg3[%add3A, %dma_start3A_277, %dma_start3A_278] : memref<32x160x64xi32, #tpu.memory_space<hbm>> -> memref<1x40x64xi32, #tpu.memory_space<hbm>>
      %dma_start3A_280 = tpu.memref_squeeze %dma_start3A_279 : memref<1x40x64xi32, #tpu.memory_space<hbm>> -> memref<40x64xi32, #tpu.memory_space<hbm>>
      %dma_start3A_281 = arith.constant 40 : i32
      %dma_start3A_282 = arith.constant 0 : i32
      %dma_start3A_283 = tpu.memref_slice %arg3[%add3A, %dma_start3A_281, %dma_start3A_282] : memref<32x160x64xi32, #tpu.memory_space<hbm>> -> memref<1x40x64xi32, #tpu.memory_space<hbm>>
      %dma_start3A_284 = tpu.memref_squeeze %dma_start3A_283 : memref<1x40x64xi32, #tpu.memory_space<hbm>> -> memref<40x64xi32, #tpu.memory_space<hbm>>
      tpu.enqueue_dma source(%dma_start3A_284 : memref<40x64xi32, #tpu.memory_space<hbm>>) target(%arg7 : memref<40x64xi32, #tpu.memory_space<vmem>>) target_semaphore(%run_scoped3A_276 : memref<!tpu.dma_semaphore, #tpu.memory_space<semaphore_mem>>)
      %dma_wait3A_285 = arith.constant 40 : i32
      %dma_wait3A_286 = arith.constant 0 : i32
      %dma_wait3A_287 = tpu.memref_slice %arg3[%add3A, %dma_wait3A_285, %dma_wait3A_286] : memref<32x160x64xi32, #tpu.memory_space<hbm>> -> memref<1x40x64xi32, #tpu.memory_space<hbm>>
      %dma_wait3A_288 = tpu.memref_squeeze %dma_wait3A_287 : memref<1x40x64xi32, #tpu.memory_space<hbm>> -> memref<40x64xi32, #tpu.memory_space<hbm>>
      %dma_wait3A_289 = arith.constant 40 : i32
      %dma_wait3A_290 = arith.constant 0 : i32
      %dma_wait3A_291 = tpu.memref_slice %arg3[%add3A, %dma_wait3A_289, %dma_wait3A_290] : memref<32x160x64xi32, #tpu.memory_space<hbm>> -> memref<1x40x64xi32, #tpu.memory_space<hbm>>
      %dma_wait3A_292 = tpu.memref_squeeze %dma_wait3A_291 : memref<1x40x64xi32, #tpu.memory_space<hbm>> -> memref<40x64xi32, #tpu.memory_space<hbm>>
      tpu.wait_dma2 semaphore(%run_scoped3A_276 : memref<!tpu.dma_semaphore, #tpu.memory_space<semaphore_mem>>) src(%dma_wait3A_292 : memref<40x64xi32, #tpu.memory_space<hbm>>) dst(%arg7 : memref<40x64xi32, #tpu.memory_space<vmem>>)
      tpu.yield
    }) : () -> ()
    "tpu.region"() ({
      %run_scoped3A_276 = tpu.sem_alloc : memref<!tpu.dma_semaphore, #tpu.memory_space<semaphore_mem>>
      %dma_start3A_277 = arith.constant 40 : i32
      %dma_start3A_278 = arith.constant 0 : i32
      %dma_start3A_279 = tpu.memref_slice %arg4[%add3A, %dma_start3A_277, %dma_start3A_278] : memref<32x160x64xi32, #tpu.memory_space<hbm>> -> memref<1x40x64xi32, #tpu.memory_space<hbm>>
      %dma_start3A_280 = tpu.memref_squeeze %dma_start3A_279 : memref<1x40x64xi32, #tpu.memory_space<hbm>> -> memref<40x64xi32, #tpu.memory_space<hbm>>
      %dma_start3A_281 = arith.constant 40 : i32
      %dma_start3A_282 = arith.constant 0 : i32
      %dma_start3A_283 = tpu.memref_slice %arg4[%add3A, %dma_start3A_281, %dma_start3A_282] : memref<32x160x64xi32, #tpu.memory_space<hbm>> -> memref<1x40x64xi32, #tpu.memory_space<hbm>>
      %dma_start3A_284 = tpu.memref_squeeze %dma_start3A_283 : memref<1x40x64xi32, #tpu.memory_space<hbm>> -> memref<40x64xi32, #tpu.memory_space<hbm>>
      tpu.enqueue_dma source(%dma_start3A_284 : memref<40x64xi32, #tpu.memory_space<hbm>>) target(%arg8 : memref<40x64xi32, #tpu.memory_space<vmem>>) target_semaphore(%run_scoped3A_276 : memref<!tpu.dma_semaphore, #tpu.memory_space<semaphore_mem>>)
      %dma_wait3A_285 = arith.constant 40 : i32
      %dma_wait3A_286 = arith.constant 0 : i32
      %dma_wait3A_287 = tpu.memref_slice %arg4[%add3A, %dma_wait3A_285, %dma_wait3A_286] : memref<32x160x64xi32, #tpu.memory_space<hbm>> -> memref<1x40x64xi32, #tpu.memory_space<hbm>>
      %dma_wait3A_288 = tpu.memref_squeeze %dma_wait3A_287 : memref<1x40x64xi32, #tpu.memory_space<hbm>> -> memref<40x64xi32, #tpu.memory_space<hbm>>
      %dma_wait3A_289 = arith.constant 40 : i32
      %dma_wait3A_290 = arith.constant 0 : i32
      %dma_wait3A_291 = tpu.memref_slice %arg4[%add3A, %dma_wait3A_289, %dma_wait3A_290] : memref<32x160x64xi32, #tpu.memory_space<hbm>> -> memref<1x40x64xi32, #tpu.memory_space<hbm>>
      %dma_wait3A_292 = tpu.memref_squeeze %dma_wait3A_291 : memref<1x40x64xi32, #tpu.memory_space<hbm>> -> memref<40x64xi32, #tpu.memory_space<hbm>>
      tpu.wait_dma2 semaphore(%run_scoped3A_276 : memref<!tpu.dma_semaphore, #tpu.memory_space<semaphore_mem>>) src(%dma_wait3A_292 : memref<40x64xi32, #tpu.memory_space<hbm>>) dst(%arg8 : memref<40x64xi32, #tpu.memory_space<vmem>>)
      tpu.yield
    }) : () -> ()
    %dma_start3A_101 = arith.constant 0 : i32
    %dma_start3A_102 = arith.constant 0 : i32
    %dma_start3A_103 = arith.constant 0 : i32
    %dma_start3A_104 = arith.constant 0 : i32
    %dma_start3A_105 = tpu.memref_slice %arg9[%dma_start3A_102, %dma_start3A_103, %dma_start3A_104] : memref<4x64x128xf32, #tpu.memory_space<vmem>> -> memref<1x64x128xf32, #tpu.memory_space<vmem>>
    %dma_start3A_106 = tpu.memref_squeeze %dma_start3A_105 : memref<1x64x128xf32, #tpu.memory_space<vmem>> -> memref<64x128xf32, #tpu.memory_space<vmem>>
    %dma_start3A_107 = arith.constant 0 : i32
    %dma_start3A_108 = tpu.memref_slice %arg7[%dma_start3A_101, %dma_start3A_107] : memref<40x64xi32, #tpu.memory_space<vmem>> -> memref<1x64xi32, #tpu.memory_space<vmem>>
    %dma_start3A_109 = tpu.memref_squeeze %dma_start3A_108 : memref<1x64xi32, #tpu.memory_space<vmem>> -> memref<64xi32, #tpu.memory_space<vmem>>
    %dma_start3A_110 = arith.constant 0 : i32
    %dma_start3A_111 = arith.constant 0 : i32
    %dma_start3A_112 = tpu.memref_slice %arg2[%dma_start3A_110, %dma_start3A_111] : memref<10000x128xf32, #tpu.memory_space<hbm>> -> memref<10000x128xf32, #tpu.memory_space<hbm>>
    tpu.enqueue_indirect_dma source(%dma_start3A_112 : memref<10000x128xf32, #tpu.memory_space<hbm>>) target(%dma_start3A_106 : memref<64x128xf32, #tpu.memory_space<vmem>>) offsets(%dma_start3A_109 : memref<64xi32, #tpu.memory_space<vmem>>) semaphore(%arg14 : memref<!tpu.dma_semaphore, #tpu.memory_space<semaphore_mem>>)
    %dma_start3A_113 = arith.constant 1 : i32
    %dma_start3A_114 = arith.constant 1 : i32
    %dma_start3A_115 = arith.constant 0 : i32
    %dma_start3A_116 = arith.constant 0 : i32
    %dma_start3A_117 = tpu.memref_slice %arg9[%dma_start3A_114, %dma_start3A_115, %dma_start3A_116] : memref<4x64x128xf32, #tpu.memory_space<vmem>> -> memref<1x64x128xf32, #tpu.memory_space<vmem>>
    %dma_start3A_118 = tpu.memref_squeeze %dma_start3A_117 : memref<1x64x128xf32, #tpu.memory_space<vmem>> -> memref<64x128xf32, #tpu.memory_space<vmem>>
    %dma_start3A_119 = arith.constant 0 : i32
    %dma_start3A_120 = tpu.memref_slice %arg7[%dma_start3A_113, %dma_start3A_119] : memref<40x64xi32, #tpu.memory_space<vmem>> -> memref<1x64xi32, #tpu.memory_space<vmem>>
    %dma_start3A_121 = tpu.memref_squeeze %dma_start3A_120 : memref<1x64xi32, #tpu.memory_space<vmem>> -> memref<64xi32, #tpu.memory_space<vmem>>
    %dma_start3A_122 = arith.constant 0 : i32
    %dma_start3A_123 = arith.constant 0 : i32
    %dma_start3A_124 = tpu.memref_slice %arg2[%dma_start3A_122, %dma_start3A_123] : memref<10000x128xf32, #tpu.memory_space<hbm>> -> memref<10000x128xf32, #tpu.memory_space<hbm>>
    tpu.enqueue_indirect_dma source(%dma_start3A_124 : memref<10000x128xf32, #tpu.memory_space<hbm>>) target(%dma_start3A_118 : memref<64x128xf32, #tpu.memory_space<vmem>>) offsets(%dma_start3A_121 : memref<64xi32, #tpu.memory_space<vmem>>) semaphore(%arg15 : memref<!tpu.dma_semaphore, #tpu.memory_space<semaphore_mem>>)
    %dma_start3A_125 = arith.constant 2 : i32
    %dma_start3A_126 = arith.constant 2 : i32
    %dma_start3A_127 = arith.constant 0 : i32
    %dma_start3A_128 = arith.constant 0 : i32
    %dma_start3A_129 = tpu.memref_slice %arg9[%dma_start3A_126, %dma_start3A_127, %dma_start3A_128] : memref<4x64x128xf32, #tpu.memory_space<vmem>> -> memref<1x64x128xf32, #tpu.memory_space<vmem>>
    %dma_start3A_130 = tpu.memref_squeeze %dma_start3A_129 : memref<1x64x128xf32, #tpu.memory_space<vmem>> -> memref<64x128xf32, #tpu.memory_space<vmem>>
    %dma_start3A_131 = arith.constant 0 : i32
    %dma_start3A_132 = tpu.memref_slice %arg7[%dma_start3A_125, %dma_start3A_131] : memref<40x64xi32, #tpu.memory_space<vmem>> -> memref<1x64xi32, #tpu.memory_space<vmem>>
    %dma_start3A_133 = tpu.memref_squeeze %dma_start3A_132 : memref<1x64xi32, #tpu.memory_space<vmem>> -> memref<64xi32, #tpu.memory_space<vmem>>
    %dma_start3A_134 = arith.constant 0 : i32
    %dma_start3A_135 = arith.constant 0 : i32
    %dma_start3A_136 = tpu.memref_slice %arg2[%dma_start3A_134, %dma_start3A_135] : memref<10000x128xf32, #tpu.memory_space<hbm>> -> memref<10000x128xf32, #tpu.memory_space<hbm>>
    tpu.enqueue_indirect_dma source(%dma_start3A_136 : memref<10000x128xf32, #tpu.memory_space<hbm>>) target(%dma_start3A_130 : memref<64x128xf32, #tpu.memory_space<vmem>>) offsets(%dma_start3A_133 : memref<64xi32, #tpu.memory_space<vmem>>) semaphore(%arg16 : memref<!tpu.dma_semaphore, #tpu.memory_space<semaphore_mem>>)
    %dma_start3A_137 = arith.constant 3 : i32
    %dma_start3A_138 = arith.constant 3 : i32
    %dma_start3A_139 = arith.constant 0 : i32
    %dma_start3A_140 = arith.constant 0 : i32
    %dma_start3A_141 = tpu.memref_slice %arg9[%dma_start3A_138, %dma_start3A_139, %dma_start3A_140] : memref<4x64x128xf32, #tpu.memory_space<vmem>> -> memref<1x64x128xf32, #tpu.memory_space<vmem>>
    %dma_start3A_142 = tpu.memref_squeeze %dma_start3A_141 : memref<1x64x128xf32, #tpu.memory_space<vmem>> -> memref<64x128xf32, #tpu.memory_space<vmem>>
    %dma_start3A_143 = arith.constant 0 : i32
    %dma_start3A_144 = tpu.memref_slice %arg7[%dma_start3A_137, %dma_start3A_143] : memref<40x64xi32, #tpu.memory_space<vmem>> -> memref<1x64xi32, #tpu.memory_space<vmem>>
    %dma_start3A_145 = tpu.memref_squeeze %dma_start3A_144 : memref<1x64xi32, #tpu.memory_space<vmem>> -> memref<64xi32, #tpu.memory_space<vmem>>
    %dma_start3A_146 = arith.constant 0 : i32
    %dma_start3A_147 = arith.constant 0 : i32
    %dma_start3A_148 = tpu.memref_slice %arg2[%dma_start3A_146, %dma_start3A_147] : memref<10000x128xf32, #tpu.memory_space<hbm>> -> memref<10000x128xf32, #tpu.memory_space<hbm>>
    tpu.enqueue_indirect_dma source(%dma_start3A_148 : memref<10000x128xf32, #tpu.memory_space<hbm>>) target(%dma_start3A_142 : memref<64x128xf32, #tpu.memory_space<vmem>>) offsets(%dma_start3A_145 : memref<64xi32, #tpu.memory_space<vmem>>) semaphore(%arg17 : memref<!tpu.dma_semaphore, #tpu.memory_space<semaphore_mem>>)
    %scan3A_149 = arith.constant 0 : i32
    %scan3A_150 = arith.constant 10 : i32
    %scan3A_151 = arith.addi %scan3A_149, %scan3A_150 : i32
    %scan3A_152 = arith.constant 1 : i32
    scf.for %scan3A_276 = %scan3A_149 to %scan3A_151 step %scan3A_152  : i32 {
      %mul3A_277 = arith.constant 4 : i32
      %mul3A_278 = arith.muli %scan3A_276, %mul3A_277 : i32
      %add3A_279 = arith.constant 0 : i32
      %add3A_280 = arith.addi %mul3A_278, %add3A_279 : i32
      %dma_wait3A_281 = arith.constant 0 : i32
      %dma_wait3A_282 = arith.constant 0 : i32
      %dma_wait3A_283 = arith.constant 0 : i32
      %dma_wait3A_284 = tpu.memref_slice %arg9[%dma_wait3A_281, %dma_wait3A_282, %dma_wait3A_283] : memref<4x64x128xf32, #tpu.memory_space<vmem>> -> memref<1x64x128xf32, #tpu.memory_space<vmem>>
      %dma_wait3A_285 = tpu.memref_squeeze %dma_wait3A_284 : memref<1x64x128xf32, #tpu.memory_space<vmem>> -> memref<64x128xf32, #tpu.memory_space<vmem>>
      %dma_wait3A_286 = arith.constant 0 : i32
      %dma_wait3A_287 = tpu.memref_slice %arg7[%add3A_280, %dma_wait3A_286] : memref<40x64xi32, #tpu.memory_space<vmem>> -> memref<1x64xi32, #tpu.memory_space<vmem>>
      %dma_wait3A_288 = tpu.memref_squeeze %dma_wait3A_287 : memref<1x64xi32, #tpu.memory_space<vmem>> -> memref<64xi32, #tpu.memory_space<vmem>>
      %dma_wait3A_289 = arith.constant 0 : i32
      %dma_wait3A_290 = arith.constant 0 : i32
      %dma_wait3A_291 = tpu.memref_slice %arg2[%dma_wait3A_289, %dma_wait3A_290] : memref<10000x128xf32, #tpu.memory_space<hbm>> -> memref<10000x128xf32, #tpu.memory_space<hbm>>
      tpu.wait_indirect_dma semaphore(%arg14 : memref<!tpu.dma_semaphore, #tpu.memory_space<semaphore_mem>>) src(%dma_wait3A_291 : memref<10000x128xf32, #tpu.memory_space<hbm>>) dst(%dma_wait3A_285 : memref<64x128xf32, #tpu.memory_space<vmem>>)
      %dma_start3A_292 = arith.constant 0 : i32
      %dma_start3A_293 = arith.constant 0 : i32
      %dma_start3A_294 = arith.constant 0 : i32
      %dma_start3A_295 = tpu.memref_slice %arg9[%dma_start3A_292, %dma_start3A_293, %dma_start3A_294] : memref<4x64x128xf32, #tpu.memory_space<vmem>> -> memref<1x64x128xf32, #tpu.memory_space<vmem>>
      %dma_start3A_296 = tpu.memref_squeeze %dma_start3A_295 : memref<1x64x128xf32, #tpu.memory_space<vmem>> -> memref<64x128xf32, #tpu.memory_space<vmem>>
      %dma_start3A_297 = arith.constant 0 : i32
      %dma_start3A_298 = tpu.memref_slice %arg8[%add3A_280, %dma_start3A_297] : memref<40x64xi32, #tpu.memory_space<vmem>> -> memref<1x64xi32, #tpu.memory_space<vmem>>
      %dma_start3A_299 = tpu.memref_squeeze %dma_start3A_298 : memref<1x64xi32, #tpu.memory_space<vmem>> -> memref<64xi32, #tpu.memory_space<vmem>>
      %dma_start3A_300 = arith.constant 0 : i32
      %dma_start3A_301 = arith.constant 0 : i32
      %dma_start3A_302 = tpu.memref_slice %arg12[%dma_start3A_300, %dma_start3A_301] : memref<10240x128xf32, #tpu.memory_space<vmem_shared>> -> memref<10240x128xf32, #tpu.memory_space<vmem_shared>>
      tpu.enqueue_indirect_dma source(%dma_start3A_296 : memref<64x128xf32, #tpu.memory_space<vmem>>) target(%dma_start3A_302 : memref<10240x128xf32, #tpu.memory_space<vmem_shared>>) offsets(%dma_start3A_299 : memref<64xi32, #tpu.memory_space<vmem>>) semaphore(%arg18 : memref<!tpu.dma_semaphore, #tpu.memory_space<semaphore_mem>>) {add = true}
      %dma_start3A_303 = arith.constant 0 : i32
      %dma_start3A_304 = tpu.memref_slice %arg8[%add3A_280, %dma_start3A_303] : memref<40x64xi32, #tpu.memory_space<vmem>> -> memref<1x64xi32, #tpu.memory_space<vmem>>
      %dma_start3A_305 = tpu.memref_squeeze %dma_start3A_304 : memref<1x64xi32, #tpu.memory_space<vmem>> -> memref<64xi32, #tpu.memory_space<vmem>>
      %dma_start3A_306 = arith.constant 0 : i32
      %dma_start3A_307 = tpu.memref_slice %arg13[%dma_start3A_306] : memref<10240xf32, #tpu.memory_space<vmem_shared>> -> memref<10240xf32, #tpu.memory_space<vmem_shared>>
      tpu.enqueue_indirect_dma source(%arg10 : memref<64xf32, #tpu.memory_space<vmem>>) target(%dma_start3A_307 : memref<10240xf32, #tpu.memory_space<vmem_shared>>) offsets(%dma_start3A_305 : memref<64xi32, #tpu.memory_space<vmem>>) semaphore(%arg22 : memref<!tpu.dma_semaphore, #tpu.memory_space<semaphore_mem>>) {add = true}
      %dma_wait3A_308 = arith.constant 0 : i32
      %dma_wait3A_309 = arith.constant 0 : i32
      %dma_wait3A_310 = arith.constant 0 : i32
      %dma_wait3A_311 = tpu.memref_slice %arg9[%dma_wait3A_308, %dma_wait3A_309, %dma_wait3A_310] : memref<4x64x128xf32, #tpu.memory_space<vmem>> -> memref<1x64x128xf32, #tpu.memory_space<vmem>>
      %dma_wait3A_312 = tpu.memref_squeeze %dma_wait3A_311 : memref<1x64x128xf32, #tpu.memory_space<vmem>> -> memref<64x128xf32, #tpu.memory_space<vmem>>
      %dma_wait3A_313 = arith.constant 0 : i32
      %dma_wait3A_314 = tpu.memref_slice %arg8[%add3A_280, %dma_wait3A_313] : memref<40x64xi32, #tpu.memory_space<vmem>> -> memref<1x64xi32, #tpu.memory_space<vmem>>
      %dma_wait3A_315 = tpu.memref_squeeze %dma_wait3A_314 : memref<1x64xi32, #tpu.memory_space<vmem>> -> memref<64xi32, #tpu.memory_space<vmem>>
      %dma_wait3A_316 = arith.constant 0 : i32
      %dma_wait3A_317 = arith.constant 0 : i32
      %dma_wait3A_318 = tpu.memref_slice %arg12[%dma_wait3A_316, %dma_wait3A_317] : memref<10240x128xf32, #tpu.memory_space<vmem_shared>> -> memref<10240x128xf32, #tpu.memory_space<vmem_shared>>
      tpu.wait_indirect_dma semaphore(%arg18 : memref<!tpu.dma_semaphore, #tpu.memory_space<semaphore_mem>>) src(%dma_wait3A_312 : memref<64x128xf32, #tpu.memory_space<vmem>>) dst(%dma_wait3A_318 : memref<10240x128xf32, #tpu.memory_space<vmem_shared>>)
      %dma_wait3A_319 = arith.constant 0 : i32
      %dma_wait3A_320 = tpu.memref_slice %arg8[%add3A_280, %dma_wait3A_319] : memref<40x64xi32, #tpu.memory_space<vmem>> -> memref<1x64xi32, #tpu.memory_space<vmem>>
      %dma_wait3A_321 = tpu.memref_squeeze %dma_wait3A_320 : memref<1x64xi32, #tpu.memory_space<vmem>> -> memref<64xi32, #tpu.memory_space<vmem>>
      %dma_wait3A_322 = arith.constant 0 : i32
      %dma_wait3A_323 = tpu.memref_slice %arg13[%dma_wait3A_322] : memref<10240xf32, #tpu.memory_space<vmem_shared>> -> memref<10240xf32, #tpu.memory_space<vmem_shared>>
      tpu.wait_indirect_dma semaphore(%arg22 : memref<!tpu.dma_semaphore, #tpu.memory_space<semaphore_mem>>) src(%arg10 : memref<64xf32, #tpu.memory_space<vmem>>) dst(%dma_wait3A_323 : memref<10240xf32, #tpu.memory_space<vmem_shared>>)
      %lt3A = arith.constant 9 : i32
      %lt3A_324 = arith.cmpi slt, %scan3A_276, %lt3A : i32
      %convert_element_type3A = arith.extui %lt3A_324 : i1 to i32
      %cond3A = arith.constant 0 : i32
      %cond3A_325 = arith.cmpi ne, %convert_element_type3A, %cond3A : i32
      scf.if %cond3A_325 {
        %add3A_482 = arith.constant 4 : i32
        %add3A_483 = arith.addi %add3A_280, %add3A_482 : i32
        %dma_start3A_484 = arith.constant 0 : i32
        %dma_start3A_485 = arith.constant 0 : i32
        %dma_start3A_486 = arith.constant 0 : i32
        %dma_start3A_487 = tpu.memref_slice %arg9[%dma_start3A_484, %dma_start3A_485, %dma_start3A_486] : memref<4x64x128xf32, #tpu.memory_space<vmem>> -> memref<1x64x128xf32, #tpu.memory_space<vmem>>
        %dma_start3A_488 = tpu.memref_squeeze %dma_start3A_487 : memref<1x64x128xf32, #tpu.memory_space<vmem>> -> memref<64x128xf32, #tpu.memory_space<vmem>>
        %dma_start3A_489 = arith.constant 0 : i32
        %dma_start3A_490 = tpu.memref_slice %arg7[%add3A_483, %dma_start3A_489] : memref<40x64xi32, #tpu.memory_space<vmem>> -> memref<1x64xi32, #tpu.memory_space<vmem>>
        %dma_start3A_491 = tpu.memref_squeeze %dma_start3A_490 : memref<1x64xi32, #tpu.memory_space<vmem>> -> memref<64xi32, #tpu.memory_space<vmem>>
        %dma_start3A_492 = arith.constant 0 : i32
        %dma_start3A_493 = arith.constant 0 : i32
        %dma_start3A_494 = tpu.memref_slice %arg2[%dma_start3A_492, %dma_start3A_493] : memref<10000x128xf32, #tpu.memory_space<hbm>> -> memref<10000x128xf32, #tpu.memory_space<hbm>>
        tpu.enqueue_indirect_dma source(%dma_start3A_494 : memref<10000x128xf32, #tpu.memory_space<hbm>>) target(%dma_start3A_488 : memref<64x128xf32, #tpu.memory_space<vmem>>) offsets(%dma_start3A_491 : memref<64xi32, #tpu.memory_space<vmem>>) semaphore(%arg14 : memref<!tpu.dma_semaphore, #tpu.memory_space<semaphore_mem>>)
      } else {
      }
      %mul3A_326 = arith.constant 4 : i32
      %mul3A_327 = arith.muli %scan3A_276, %mul3A_326 : i32
      %add3A_328 = arith.constant 1 : i32
      %add3A_329 = arith.addi %mul3A_327, %add3A_328 : i32
      %dma_wait3A_330 = arith.constant 1 : i32
      %dma_wait3A_331 = arith.constant 0 : i32
      %dma_wait3A_332 = arith.constant 0 : i32
      %dma_wait3A_333 = tpu.memref_slice %arg9[%dma_wait3A_330, %dma_wait3A_331, %dma_wait3A_332] : memref<4x64x128xf32, #tpu.memory_space<vmem>> -> memref<1x64x128xf32, #tpu.memory_space<vmem>>
      %dma_wait3A_334 = tpu.memref_squeeze %dma_wait3A_333 : memref<1x64x128xf32, #tpu.memory_space<vmem>> -> memref<64x128xf32, #tpu.memory_space<vmem>>
      %dma_wait3A_335 = arith.constant 0 : i32
      %dma_wait3A_336 = tpu.memref_slice %arg7[%add3A_329, %dma_wait3A_335] : memref<40x64xi32, #tpu.memory_space<vmem>> -> memref<1x64xi32, #tpu.memory_space<vmem>>
      %dma_wait3A_337 = tpu.memref_squeeze %dma_wait3A_336 : memref<1x64xi32, #tpu.memory_space<vmem>> -> memref<64xi32, #tpu.memory_space<vmem>>
      %dma_wait3A_338 = arith.constant 0 : i32
      %dma_wait3A_339 = arith.constant 0 : i32
      %dma_wait3A_340 = tpu.memref_slice %arg2[%dma_wait3A_338, %dma_wait3A_339] : memref<10000x128xf32, #tpu.memory_space<hbm>> -> memref<10000x128xf32, #tpu.memory_space<hbm>>
      tpu.wait_indirect_dma semaphore(%arg15 : memref<!tpu.dma_semaphore, #tpu.memory_space<semaphore_mem>>) src(%dma_wait3A_340 : memref<10000x128xf32, #tpu.memory_space<hbm>>) dst(%dma_wait3A_334 : memref<64x128xf32, #tpu.memory_space<vmem>>)
      %dma_start3A_341 = arith.constant 1 : i32
      %dma_start3A_342 = arith.constant 0 : i32
      %dma_start3A_343 = arith.constant 0 : i32
      %dma_start3A_344 = tpu.memref_slice %arg9[%dma_start3A_341, %dma_start3A_342, %dma_start3A_343] : memref<4x64x128xf32, #tpu.memory_space<vmem>> -> memref<1x64x128xf32, #tpu.memory_space<vmem>>
      %dma_start3A_345 = tpu.memref_squeeze %dma_start3A_344 : memref<1x64x128xf32, #tpu.memory_space<vmem>> -> memref<64x128xf32, #tpu.memory_space<vmem>>
      %dma_start3A_346 = arith.constant 0 : i32
      %dma_start3A_347 = tpu.memref_slice %arg8[%add3A_329, %dma_start3A_346] : memref<40x64xi32, #tpu.memory_space<vmem>> -> memref<1x64xi32, #tpu.memory_space<vmem>>
      %dma_start3A_348 = tpu.memref_squeeze %dma_start3A_347 : memref<1x64xi32, #tpu.memory_space<vmem>> -> memref<64xi32, #tpu.memory_space<vmem>>
      %dma_start3A_349 = arith.constant 0 : i32
      %dma_start3A_350 = arith.constant 0 : i32
      %dma_start3A_351 = tpu.memref_slice %arg12[%dma_start3A_349, %dma_start3A_350] : memref<10240x128xf32, #tpu.memory_space<vmem_shared>> -> memref<10240x128xf32, #tpu.memory_space<vmem_shared>>
      tpu.enqueue_indirect_dma source(%dma_start3A_345 : memref<64x128xf32, #tpu.memory_space<vmem>>) target(%dma_start3A_351 : memref<10240x128xf32, #tpu.memory_space<vmem_shared>>) offsets(%dma_start3A_348 : memref<64xi32, #tpu.memory_space<vmem>>) semaphore(%arg19 : memref<!tpu.dma_semaphore, #tpu.memory_space<semaphore_mem>>) {add = true}
      %dma_start3A_352 = arith.constant 0 : i32
      %dma_start3A_353 = tpu.memref_slice %arg8[%add3A_329, %dma_start3A_352] : memref<40x64xi32, #tpu.memory_space<vmem>> -> memref<1x64xi32, #tpu.memory_space<vmem>>
      %dma_start3A_354 = tpu.memref_squeeze %dma_start3A_353 : memref<1x64xi32, #tpu.memory_space<vmem>> -> memref<64xi32, #tpu.memory_space<vmem>>
      %dma_start3A_355 = arith.constant 0 : i32
      %dma_start3A_356 = tpu.memref_slice %arg13[%dma_start3A_355] : memref<10240xf32, #tpu.memory_space<vmem_shared>> -> memref<10240xf32, #tpu.memory_space<vmem_shared>>
      tpu.enqueue_indirect_dma source(%arg10 : memref<64xf32, #tpu.memory_space<vmem>>) target(%dma_start3A_356 : memref<10240xf32, #tpu.memory_space<vmem_shared>>) offsets(%dma_start3A_354 : memref<64xi32, #tpu.memory_space<vmem>>) semaphore(%arg23 : memref<!tpu.dma_semaphore, #tpu.memory_space<semaphore_mem>>) {add = true}
      %dma_wait3A_357 = arith.constant 1 : i32
      %dma_wait3A_358 = arith.constant 0 : i32
      %dma_wait3A_359 = arith.constant 0 : i32
      %dma_wait3A_360 = tpu.memref_slice %arg9[%dma_wait3A_357, %dma_wait3A_358, %dma_wait3A_359] : memref<4x64x128xf32, #tpu.memory_space<vmem>> -> memref<1x64x128xf32, #tpu.memory_space<vmem>>
      %dma_wait3A_361 = tpu.memref_squeeze %dma_wait3A_360 : memref<1x64x128xf32, #tpu.memory_space<vmem>> -> memref<64x128xf32, #tpu.memory_space<vmem>>
      %dma_wait3A_362 = arith.constant 0 : i32
      %dma_wait3A_363 = tpu.memref_slice %arg8[%add3A_329, %dma_wait3A_362] : memref<40x64xi32, #tpu.memory_space<vmem>> -> memref<1x64xi32, #tpu.memory_space<vmem>>
      %dma_wait3A_364 = tpu.memref_squeeze %dma_wait3A_363 : memref<1x64xi32, #tpu.memory_space<vmem>> -> memref<64xi32, #tpu.memory_space<vmem>>
      %dma_wait3A_365 = arith.constant 0 : i32
      %dma_wait3A_366 = arith.constant 0 : i32
      %dma_wait3A_367 = tpu.memref_slice %arg12[%dma_wait3A_365, %dma_wait3A_366] : memref<10240x128xf32, #tpu.memory_space<vmem_shared>> -> memref<10240x128xf32, #tpu.memory_space<vmem_shared>>
      tpu.wait_indirect_dma semaphore(%arg19 : memref<!tpu.dma_semaphore, #tpu.memory_space<semaphore_mem>>) src(%dma_wait3A_361 : memref<64x128xf32, #tpu.memory_space<vmem>>) dst(%dma_wait3A_367 : memref<10240x128xf32, #tpu.memory_space<vmem_shared>>)
      %dma_wait3A_368 = arith.constant 0 : i32
      %dma_wait3A_369 = tpu.memref_slice %arg8[%add3A_329, %dma_wait3A_368] : memref<40x64xi32, #tpu.memory_space<vmem>> -> memref<1x64xi32, #tpu.memory_space<vmem>>
      %dma_wait3A_370 = tpu.memref_squeeze %dma_wait3A_369 : memref<1x64xi32, #tpu.memory_space<vmem>> -> memref<64xi32, #tpu.memory_space<vmem>>
      %dma_wait3A_371 = arith.constant 0 : i32
      %dma_wait3A_372 = tpu.memref_slice %arg13[%dma_wait3A_371] : memref<10240xf32, #tpu.memory_space<vmem_shared>> -> memref<10240xf32, #tpu.memory_space<vmem_shared>>
      tpu.wait_indirect_dma semaphore(%arg23 : memref<!tpu.dma_semaphore, #tpu.memory_space<semaphore_mem>>) src(%arg10 : memref<64xf32, #tpu.memory_space<vmem>>) dst(%dma_wait3A_372 : memref<10240xf32, #tpu.memory_space<vmem_shared>>)
      %lt3A_373 = arith.constant 9 : i32
      %lt3A_374 = arith.cmpi slt, %scan3A_276, %lt3A_373 : i32
      %convert_element_type3A_375 = arith.extui %lt3A_374 : i1 to i32
      %cond3A_376 = arith.constant 0 : i32
      %cond3A_377 = arith.cmpi ne, %convert_element_type3A_375, %cond3A_376 : i32
      scf.if %cond3A_377 {
        %add3A_482 = arith.constant 4 : i32
        %add3A_483 = arith.addi %add3A_329, %add3A_482 : i32
        %dma_start3A_484 = arith.constant 1 : i32
        %dma_start3A_485 = arith.constant 0 : i32
        %dma_start3A_486 = arith.constant 0 : i32
        %dma_start3A_487 = tpu.memref_slice %arg9[%dma_start3A_484, %dma_start3A_485, %dma_start3A_486] : memref<4x64x128xf32, #tpu.memory_space<vmem>> -> memref<1x64x128xf32, #tpu.memory_space<vmem>>
        %dma_start3A_488 = tpu.memref_squeeze %dma_start3A_487 : memref<1x64x128xf32, #tpu.memory_space<vmem>> -> memref<64x128xf32, #tpu.memory_space<vmem>>
        %dma_start3A_489 = arith.constant 0 : i32
        %dma_start3A_490 = tpu.memref_slice %arg7[%add3A_483, %dma_start3A_489] : memref<40x64xi32, #tpu.memory_space<vmem>> -> memref<1x64xi32, #tpu.memory_space<vmem>>
        %dma_start3A_491 = tpu.memref_squeeze %dma_start3A_490 : memref<1x64xi32, #tpu.memory_space<vmem>> -> memref<64xi32, #tpu.memory_space<vmem>>
        %dma_start3A_492 = arith.constant 0 : i32
        %dma_start3A_493 = arith.constant 0 : i32
        %dma_start3A_494 = tpu.memref_slice %arg2[%dma_start3A_492, %dma_start3A_493] : memref<10000x128xf32, #tpu.memory_space<hbm>> -> memref<10000x128xf32, #tpu.memory_space<hbm>>
        tpu.enqueue_indirect_dma source(%dma_start3A_494 : memref<10000x128xf32, #tpu.memory_space<hbm>>) target(%dma_start3A_488 : memref<64x128xf32, #tpu.memory_space<vmem>>) offsets(%dma_start3A_491 : memref<64xi32, #tpu.memory_space<vmem>>) semaphore(%arg15 : memref<!tpu.dma_semaphore, #tpu.memory_space<semaphore_mem>>)
      } else {
      }
      %mul3A_378 = arith.constant 4 : i32
      %mul3A_379 = arith.muli %scan3A_276, %mul3A_378 : i32
      %add3A_380 = arith.constant 2 : i32
      %add3A_381 = arith.addi %mul3A_379, %add3A_380 : i32
      %dma_wait3A_382 = arith.constant 2 : i32
      %dma_wait3A_383 = arith.constant 0 : i32
      %dma_wait3A_384 = arith.constant 0 : i32
      %dma_wait3A_385 = tpu.memref_slice %arg9[%dma_wait3A_382, %dma_wait3A_383, %dma_wait3A_384] : memref<4x64x128xf32, #tpu.memory_space<vmem>> -> memref<1x64x128xf32, #tpu.memory_space<vmem>>
      %dma_wait3A_386 = tpu.memref_squeeze %dma_wait3A_385 : memref<1x64x128xf32, #tpu.memory_space<vmem>> -> memref<64x128xf32, #tpu.memory_space<vmem>>
      %dma_wait3A_387 = arith.constant 0 : i32
      %dma_wait3A_388 = tpu.memref_slice %arg7[%add3A_381, %dma_wait3A_387] : memref<40x64xi32, #tpu.memory_space<vmem>> -> memref<1x64xi32, #tpu.memory_space<vmem>>
      %dma_wait3A_389 = tpu.memref_squeeze %dma_wait3A_388 : memref<1x64xi32, #tpu.memory_space<vmem>> -> memref<64xi32, #tpu.memory_space<vmem>>
      %dma_wait3A_390 = arith.constant 0 : i32
      %dma_wait3A_391 = arith.constant 0 : i32
      %dma_wait3A_392 = tpu.memref_slice %arg2[%dma_wait3A_390, %dma_wait3A_391] : memref<10000x128xf32, #tpu.memory_space<hbm>> -> memref<10000x128xf32, #tpu.memory_space<hbm>>
      tpu.wait_indirect_dma semaphore(%arg16 : memref<!tpu.dma_semaphore, #tpu.memory_space<semaphore_mem>>) src(%dma_wait3A_392 : memref<10000x128xf32, #tpu.memory_space<hbm>>) dst(%dma_wait3A_386 : memref<64x128xf32, #tpu.memory_space<vmem>>)
      %dma_start3A_393 = arith.constant 2 : i32
      %dma_start3A_394 = arith.constant 0 : i32
      %dma_start3A_395 = arith.constant 0 : i32
      %dma_start3A_396 = tpu.memref_slice %arg9[%dma_start3A_393, %dma_start3A_394, %dma_start3A_395] : memref<4x64x128xf32, #tpu.memory_space<vmem>> -> memref<1x64x128xf32, #tpu.memory_space<vmem>>
      %dma_start3A_397 = tpu.memref_squeeze %dma_start3A_396 : memref<1x64x128xf32, #tpu.memory_space<vmem>> -> memref<64x128xf32, #tpu.memory_space<vmem>>
      %dma_start3A_398 = arith.constant 0 : i32
      %dma_start3A_399 = tpu.memref_slice %arg8[%add3A_381, %dma_start3A_398] : memref<40x64xi32, #tpu.memory_space<vmem>> -> memref<1x64xi32, #tpu.memory_space<vmem>>
      %dma_start3A_400 = tpu.memref_squeeze %dma_start3A_399 : memref<1x64xi32, #tpu.memory_space<vmem>> -> memref<64xi32, #tpu.memory_space<vmem>>
      %dma_start3A_401 = arith.constant 0 : i32
      %dma_start3A_402 = arith.constant 0 : i32
      %dma_start3A_403 = tpu.memref_slice %arg12[%dma_start3A_401, %dma_start3A_402] : memref<10240x128xf32, #tpu.memory_space<vmem_shared>> -> memref<10240x128xf32, #tpu.memory_space<vmem_shared>>
      tpu.enqueue_indirect_dma source(%dma_start3A_397 : memref<64x128xf32, #tpu.memory_space<vmem>>) target(%dma_start3A_403 : memref<10240x128xf32, #tpu.memory_space<vmem_shared>>) offsets(%dma_start3A_400 : memref<64xi32, #tpu.memory_space<vmem>>) semaphore(%arg20 : memref<!tpu.dma_semaphore, #tpu.memory_space<semaphore_mem>>) {add = true}
      %dma_start3A_404 = arith.constant 0 : i32
      %dma_start3A_405 = tpu.memref_slice %arg8[%add3A_381, %dma_start3A_404] : memref<40x64xi32, #tpu.memory_space<vmem>> -> memref<1x64xi32, #tpu.memory_space<vmem>>
      %dma_start3A_406 = tpu.memref_squeeze %dma_start3A_405 : memref<1x64xi32, #tpu.memory_space<vmem>> -> memref<64xi32, #tpu.memory_space<vmem>>
      %dma_start3A_407 = arith.constant 0 : i32
      %dma_start3A_408 = tpu.memref_slice %arg13[%dma_start3A_407] : memref<10240xf32, #tpu.memory_space<vmem_shared>> -> memref<10240xf32, #tpu.memory_space<vmem_shared>>
      tpu.enqueue_indirect_dma source(%arg10 : memref<64xf32, #tpu.memory_space<vmem>>) target(%dma_start3A_408 : memref<10240xf32, #tpu.memory_space<vmem_shared>>) offsets(%dma_start3A_406 : memref<64xi32, #tpu.memory_space<vmem>>) semaphore(%arg24 : memref<!tpu.dma_semaphore, #tpu.memory_space<semaphore_mem>>) {add = true}
      %dma_wait3A_409 = arith.constant 2 : i32
      %dma_wait3A_410 = arith.constant 0 : i32
      %dma_wait3A_411 = arith.constant 0 : i32
      %dma_wait3A_412 = tpu.memref_slice %arg9[%dma_wait3A_409, %dma_wait3A_410, %dma_wait3A_411] : memref<4x64x128xf32, #tpu.memory_space<vmem>> -> memref<1x64x128xf32, #tpu.memory_space<vmem>>
      %dma_wait3A_413 = tpu.memref_squeeze %dma_wait3A_412 : memref<1x64x128xf32, #tpu.memory_space<vmem>> -> memref<64x128xf32, #tpu.memory_space<vmem>>
      %dma_wait3A_414 = arith.constant 0 : i32
      %dma_wait3A_415 = tpu.memref_slice %arg8[%add3A_381, %dma_wait3A_414] : memref<40x64xi32, #tpu.memory_space<vmem>> -> memref<1x64xi32, #tpu.memory_space<vmem>>
      %dma_wait3A_416 = tpu.memref_squeeze %dma_wait3A_415 : memref<1x64xi32, #tpu.memory_space<vmem>> -> memref<64xi32, #tpu.memory_space<vmem>>
      %dma_wait3A_417 = arith.constant 0 : i32
      %dma_wait3A_418 = arith.constant 0 : i32
      %dma_wait3A_419 = tpu.memref_slice %arg12[%dma_wait3A_417, %dma_wait3A_418] : memref<10240x128xf32, #tpu.memory_space<vmem_shared>> -> memref<10240x128xf32, #tpu.memory_space<vmem_shared>>
      tpu.wait_indirect_dma semaphore(%arg20 : memref<!tpu.dma_semaphore, #tpu.memory_space<semaphore_mem>>) src(%dma_wait3A_413 : memref<64x128xf32, #tpu.memory_space<vmem>>) dst(%dma_wait3A_419 : memref<10240x128xf32, #tpu.memory_space<vmem_shared>>)
      %dma_wait3A_420 = arith.constant 0 : i32
      %dma_wait3A_421 = tpu.memref_slice %arg8[%add3A_381, %dma_wait3A_420] : memref<40x64xi32, #tpu.memory_space<vmem>> -> memref<1x64xi32, #tpu.memory_space<vmem>>
      %dma_wait3A_422 = tpu.memref_squeeze %dma_wait3A_421 : memref<1x64xi32, #tpu.memory_space<vmem>> -> memref<64xi32, #tpu.memory_space<vmem>>
      %dma_wait3A_423 = arith.constant 0 : i32
      %dma_wait3A_424 = tpu.memref_slice %arg13[%dma_wait3A_423] : memref<10240xf32, #tpu.memory_space<vmem_shared>> -> memref<10240xf32, #tpu.memory_space<vmem_shared>>
      tpu.wait_indirect_dma semaphore(%arg24 : memref<!tpu.dma_semaphore, #tpu.memory_space<semaphore_mem>>) src(%arg10 : memref<64xf32, #tpu.memory_space<vmem>>) dst(%dma_wait3A_424 : memref<10240xf32, #tpu.memory_space<vmem_shared>>)
      %lt3A_425 = arith.constant 9 : i32
      %lt3A_426 = arith.cmpi slt, %scan3A_276, %lt3A_425 : i32
      %convert_element_type3A_427 = arith.extui %lt3A_426 : i1 to i32
      %cond3A_428 = arith.constant 0 : i32
      %cond3A_429 = arith.cmpi ne, %convert_element_type3A_427, %cond3A_428 : i32
      scf.if %cond3A_429 {
        %add3A_482 = arith.constant 4 : i32
        %add3A_483 = arith.addi %add3A_381, %add3A_482 : i32
        %dma_start3A_484 = arith.constant 2 : i32
        %dma_start3A_485 = arith.constant 0 : i32
        %dma_start3A_486 = arith.constant 0 : i32
        %dma_start3A_487 = tpu.memref_slice %arg9[%dma_start3A_484, %dma_start3A_485, %dma_start3A_486] : memref<4x64x128xf32, #tpu.memory_space<vmem>> -> memref<1x64x128xf32, #tpu.memory_space<vmem>>
        %dma_start3A_488 = tpu.memref_squeeze %dma_start3A_487 : memref<1x64x128xf32, #tpu.memory_space<vmem>> -> memref<64x128xf32, #tpu.memory_space<vmem>>
        %dma_start3A_489 = arith.constant 0 : i32
        %dma_start3A_490 = tpu.memref_slice %arg7[%add3A_483, %dma_start3A_489] : memref<40x64xi32, #tpu.memory_space<vmem>> -> memref<1x64xi32, #tpu.memory_space<vmem>>
        %dma_start3A_491 = tpu.memref_squeeze %dma_start3A_490 : memref<1x64xi32, #tpu.memory_space<vmem>> -> memref<64xi32, #tpu.memory_space<vmem>>
        %dma_start3A_492 = arith.constant 0 : i32
        %dma_start3A_493 = arith.constant 0 : i32
        %dma_start3A_494 = tpu.memref_slice %arg2[%dma_start3A_492, %dma_start3A_493] : memref<10000x128xf32, #tpu.memory_space<hbm>> -> memref<10000x128xf32, #tpu.memory_space<hbm>>
        tpu.enqueue_indirect_dma source(%dma_start3A_494 : memref<10000x128xf32, #tpu.memory_space<hbm>>) target(%dma_start3A_488 : memref<64x128xf32, #tpu.memory_space<vmem>>) offsets(%dma_start3A_491 : memref<64xi32, #tpu.memory_space<vmem>>) semaphore(%arg16 : memref<!tpu.dma_semaphore, #tpu.memory_space<semaphore_mem>>)
      } else {
      }
      %mul3A_430 = arith.constant 4 : i32
      %mul3A_431 = arith.muli %scan3A_276, %mul3A_430 : i32
      %add3A_432 = arith.constant 3 : i32
      %add3A_433 = arith.addi %mul3A_431, %add3A_432 : i32
      %dma_wait3A_434 = arith.constant 3 : i32
      %dma_wait3A_435 = arith.constant 0 : i32
      %dma_wait3A_436 = arith.constant 0 : i32
      %dma_wait3A_437 = tpu.memref_slice %arg9[%dma_wait3A_434, %dma_wait3A_435, %dma_wait3A_436] : memref<4x64x128xf32, #tpu.memory_space<vmem>> -> memref<1x64x128xf32, #tpu.memory_space<vmem>>
      %dma_wait3A_438 = tpu.memref_squeeze %dma_wait3A_437 : memref<1x64x128xf32, #tpu.memory_space<vmem>> -> memref<64x128xf32, #tpu.memory_space<vmem>>
      %dma_wait3A_439 = arith.constant 0 : i32
      %dma_wait3A_440 = tpu.memref_slice %arg7[%add3A_433, %dma_wait3A_439] : memref<40x64xi32, #tpu.memory_space<vmem>> -> memref<1x64xi32, #tpu.memory_space<vmem>>
      %dma_wait3A_441 = tpu.memref_squeeze %dma_wait3A_440 : memref<1x64xi32, #tpu.memory_space<vmem>> -> memref<64xi32, #tpu.memory_space<vmem>>
      %dma_wait3A_442 = arith.constant 0 : i32
      %dma_wait3A_443 = arith.constant 0 : i32
      %dma_wait3A_444 = tpu.memref_slice %arg2[%dma_wait3A_442, %dma_wait3A_443] : memref<10000x128xf32, #tpu.memory_space<hbm>> -> memref<10000x128xf32, #tpu.memory_space<hbm>>
      tpu.wait_indirect_dma semaphore(%arg17 : memref<!tpu.dma_semaphore, #tpu.memory_space<semaphore_mem>>) src(%dma_wait3A_444 : memref<10000x128xf32, #tpu.memory_space<hbm>>) dst(%dma_wait3A_438 : memref<64x128xf32, #tpu.memory_space<vmem>>)
      %dma_start3A_445 = arith.constant 3 : i32
      %dma_start3A_446 = arith.constant 0 : i32
      %dma_start3A_447 = arith.constant 0 : i32
      %dma_start3A_448 = tpu.memref_slice %arg9[%dma_start3A_445, %dma_start3A_446, %dma_start3A_447] : memref<4x64x128xf32, #tpu.memory_space<vmem>> -> memref<1x64x128xf32, #tpu.memory_space<vmem>>
      %dma_start3A_449 = tpu.memref_squeeze %dma_start3A_448 : memref<1x64x128xf32, #tpu.memory_space<vmem>> -> memref<64x128xf32, #tpu.memory_space<vmem>>
      %dma_start3A_450 = arith.constant 0 : i32
      %dma_start3A_451 = tpu.memref_slice %arg8[%add3A_433, %dma_start3A_450] : memref<40x64xi32, #tpu.memory_space<vmem>> -> memref<1x64xi32, #tpu.memory_space<vmem>>
      %dma_start3A_452 = tpu.memref_squeeze %dma_start3A_451 : memref<1x64xi32, #tpu.memory_space<vmem>> -> memref<64xi32, #tpu.memory_space<vmem>>
      %dma_start3A_453 = arith.constant 0 : i32
      %dma_start3A_454 = arith.constant 0 : i32
      %dma_start3A_455 = tpu.memref_slice %arg12[%dma_start3A_453, %dma_start3A_454] : memref<10240x128xf32, #tpu.memory_space<vmem_shared>> -> memref<10240x128xf32, #tpu.memory_space<vmem_shared>>
      tpu.enqueue_indirect_dma source(%dma_start3A_449 : memref<64x128xf32, #tpu.memory_space<vmem>>) target(%dma_start3A_455 : memref<10240x128xf32, #tpu.memory_space<vmem_shared>>) offsets(%dma_start3A_452 : memref<64xi32, #tpu.memory_space<vmem>>) semaphore(%arg21 : memref<!tpu.dma_semaphore, #tpu.memory_space<semaphore_mem>>) {add = true}
      %dma_start3A_456 = arith.constant 0 : i32
      %dma_start3A_457 = tpu.memref_slice %arg8[%add3A_433, %dma_start3A_456] : memref<40x64xi32, #tpu.memory_space<vmem>> -> memref<1x64xi32, #tpu.memory_space<vmem>>
      %dma_start3A_458 = tpu.memref_squeeze %dma_start3A_457 : memref<1x64xi32, #tpu.memory_space<vmem>> -> memref<64xi32, #tpu.memory_space<vmem>>
      %dma_start3A_459 = arith.constant 0 : i32
      %dma_start3A_460 = tpu.memref_slice %arg13[%dma_start3A_459] : memref<10240xf32, #tpu.memory_space<vmem_shared>> -> memref<10240xf32, #tpu.memory_space<vmem_shared>>
      tpu.enqueue_indirect_dma source(%arg10 : memref<64xf32, #tpu.memory_space<vmem>>) target(%dma_start3A_460 : memref<10240xf32, #tpu.memory_space<vmem_shared>>) offsets(%dma_start3A_458 : memref<64xi32, #tpu.memory_space<vmem>>) semaphore(%arg25 : memref<!tpu.dma_semaphore, #tpu.memory_space<semaphore_mem>>) {add = true}
      %dma_wait3A_461 = arith.constant 3 : i32
      %dma_wait3A_462 = arith.constant 0 : i32
      %dma_wait3A_463 = arith.constant 0 : i32
      %dma_wait3A_464 = tpu.memref_slice %arg9[%dma_wait3A_461, %dma_wait3A_462, %dma_wait3A_463] : memref<4x64x128xf32, #tpu.memory_space<vmem>> -> memref<1x64x128xf32, #tpu.memory_space<vmem>>
      %dma_wait3A_465 = tpu.memref_squeeze %dma_wait3A_464 : memref<1x64x128xf32, #tpu.memory_space<vmem>> -> memref<64x128xf32, #tpu.memory_space<vmem>>
      %dma_wait3A_466 = arith.constant 0 : i32
      %dma_wait3A_467 = tpu.memref_slice %arg8[%add3A_433, %dma_wait3A_466] : memref<40x64xi32, #tpu.memory_space<vmem>> -> memref<1x64xi32, #tpu.memory_space<vmem>>
      %dma_wait3A_468 = tpu.memref_squeeze %dma_wait3A_467 : memref<1x64xi32, #tpu.memory_space<vmem>> -> memref<64xi32, #tpu.memory_space<vmem>>
      %dma_wait3A_469 = arith.constant 0 : i32
      %dma_wait3A_470 = arith.constant 0 : i32
      %dma_wait3A_471 = tpu.memref_slice %arg12[%dma_wait3A_469, %dma_wait3A_470] : memref<10240x128xf32, #tpu.memory_space<vmem_shared>> -> memref<10240x128xf32, #tpu.memory_space<vmem_shared>>
      tpu.wait_indirect_dma semaphore(%arg21 : memref<!tpu.dma_semaphore, #tpu.memory_space<semaphore_mem>>) src(%dma_wait3A_465 : memref<64x128xf32, #tpu.memory_space<vmem>>) dst(%dma_wait3A_471 : memref<10240x128xf32, #tpu.memory_space<vmem_shared>>)
      %dma_wait3A_472 = arith.constant 0 : i32
      %dma_wait3A_473 = tpu.memref_slice %arg8[%add3A_433, %dma_wait3A_472] : memref<40x64xi32, #tpu.memory_space<vmem>> -> memref<1x64xi32, #tpu.memory_space<vmem>>
      %dma_wait3A_474 = tpu.memref_squeeze %dma_wait3A_473 : memref<1x64xi32, #tpu.memory_space<vmem>> -> memref<64xi32, #tpu.memory_space<vmem>>
      %dma_wait3A_475 = arith.constant 0 : i32
      %dma_wait3A_476 = tpu.memref_slice %arg13[%dma_wait3A_475] : memref<10240xf32, #tpu.memory_space<vmem_shared>> -> memref<10240xf32, #tpu.memory_space<vmem_shared>>
      tpu.wait_indirect_dma semaphore(%arg25 : memref<!tpu.dma_semaphore, #tpu.memory_space<semaphore_mem>>) src(%arg10 : memref<64xf32, #tpu.memory_space<vmem>>) dst(%dma_wait3A_476 : memref<10240xf32, #tpu.memory_space<vmem_shared>>)
      %lt3A_477 = arith.constant 9 : i32
      %lt3A_478 = arith.cmpi slt, %scan3A_276, %lt3A_477 : i32
      %convert_element_type3A_479 = arith.extui %lt3A_478 : i1 to i32
      %cond3A_480 = arith.constant 0 : i32
      %cond3A_481 = arith.cmpi ne, %convert_element_type3A_479, %cond3A_480 : i32
      scf.if %cond3A_481 {
        %add3A_482 = arith.constant 4 : i32
        %add3A_483 = arith.addi %add3A_433, %add3A_482 : i32
        %dma_start3A_484 = arith.constant 3 : i32
        %dma_start3A_485 = arith.constant 0 : i32
        %dma_start3A_486 = arith.constant 0 : i32
        %dma_start3A_487 = tpu.memref_slice %arg9[%dma_start3A_484, %dma_start3A_485, %dma_start3A_486] : memref<4x64x128xf32, #tpu.memory_space<vmem>> -> memref<1x64x128xf32, #tpu.memory_space<vmem>>
        %dma_start3A_488 = tpu.memref_squeeze %dma_start3A_487 : memref<1x64x128xf32, #tpu.memory_space<vmem>> -> memref<64x128xf32, #tpu.memory_space<vmem>>
        %dma_start3A_489 = arith.constant 0 : i32
        %dma_start3A_490 = tpu.memref_slice %arg7[%add3A_483, %dma_start3A_489] : memref<40x64xi32, #tpu.memory_space<vmem>> -> memref<1x64xi32, #tpu.memory_space<vmem>>
        %dma_start3A_491 = tpu.memref_squeeze %dma_start3A_490 : memref<1x64xi32, #tpu.memory_space<vmem>> -> memref<64xi32, #tpu.memory_space<vmem>>
        %dma_start3A_492 = arith.constant 0 : i32
        %dma_start3A_493 = arith.constant 0 : i32
        %dma_start3A_494 = tpu.memref_slice %arg2[%dma_start3A_492, %dma_start3A_493] : memref<10000x128xf32, #tpu.memory_space<hbm>> -> memref<10000x128xf32, #tpu.memory_space<hbm>>
        tpu.enqueue_indirect_dma source(%dma_start3A_494 : memref<10000x128xf32, #tpu.memory_space<hbm>>) target(%dma_start3A_488 : memref<64x128xf32, #tpu.memory_space<vmem>>) offsets(%dma_start3A_491 : memref<64xi32, #tpu.memory_space<vmem>>) semaphore(%arg17 : memref<!tpu.dma_semaphore, #tpu.memory_space<semaphore_mem>>)
      } else {
      }
    }
    %scan3A_153 = arith.constant 10 : i32
    "tpu.region"() ({
      %run_scoped3A_276 = tpu.sem_alloc : memref<!tpu.dma_semaphore, #tpu.memory_space<semaphore_mem>>
      %dma_start3A_277 = arith.constant 80 : i32
      %dma_start3A_278 = arith.constant 0 : i32
      %dma_start3A_279 = tpu.memref_slice %arg3[%add3A, %dma_start3A_277, %dma_start3A_278] : memref<32x160x64xi32, #tpu.memory_space<hbm>> -> memref<1x40x64xi32, #tpu.memory_space<hbm>>
      %dma_start3A_280 = tpu.memref_squeeze %dma_start3A_279 : memref<1x40x64xi32, #tpu.memory_space<hbm>> -> memref<40x64xi32, #tpu.memory_space<hbm>>
      %dma_start3A_281 = arith.constant 80 : i32
      %dma_start3A_282 = arith.constant 0 : i32
      %dma_start3A_283 = tpu.memref_slice %arg3[%add3A, %dma_start3A_281, %dma_start3A_282] : memref<32x160x64xi32, #tpu.memory_space<hbm>> -> memref<1x40x64xi32, #tpu.memory_space<hbm>>
      %dma_start3A_284 = tpu.memref_squeeze %dma_start3A_283 : memref<1x40x64xi32, #tpu.memory_space<hbm>> -> memref<40x64xi32, #tpu.memory_space<hbm>>
      tpu.enqueue_dma source(%dma_start3A_284 : memref<40x64xi32, #tpu.memory_space<hbm>>) target(%arg7 : memref<40x64xi32, #tpu.memory_space<vmem>>) target_semaphore(%run_scoped3A_276 : memref<!tpu.dma_semaphore, #tpu.memory_space<semaphore_mem>>)
      %dma_wait3A_285 = arith.constant 80 : i32
      %dma_wait3A_286 = arith.constant 0 : i32
      %dma_wait3A_287 = tpu.memref_slice %arg3[%add3A, %dma_wait3A_285, %dma_wait3A_286] : memref<32x160x64xi32, #tpu.memory_space<hbm>> -> memref<1x40x64xi32, #tpu.memory_space<hbm>>
      %dma_wait3A_288 = tpu.memref_squeeze %dma_wait3A_287 : memref<1x40x64xi32, #tpu.memory_space<hbm>> -> memref<40x64xi32, #tpu.memory_space<hbm>>
      %dma_wait3A_289 = arith.constant 80 : i32
      %dma_wait3A_290 = arith.constant 0 : i32
      %dma_wait3A_291 = tpu.memref_slice %arg3[%add3A, %dma_wait3A_289, %dma_wait3A_290] : memref<32x160x64xi32, #tpu.memory_space<hbm>> -> memref<1x40x64xi32, #tpu.memory_space<hbm>>
      %dma_wait3A_292 = tpu.memref_squeeze %dma_wait3A_291 : memref<1x40x64xi32, #tpu.memory_space<hbm>> -> memref<40x64xi32, #tpu.memory_space<hbm>>
      tpu.wait_dma2 semaphore(%run_scoped3A_276 : memref<!tpu.dma_semaphore, #tpu.memory_space<semaphore_mem>>) src(%dma_wait3A_292 : memref<40x64xi32, #tpu.memory_space<hbm>>) dst(%arg7 : memref<40x64xi32, #tpu.memory_space<vmem>>)
      tpu.yield
    }) : () -> ()
    "tpu.region"() ({
      %run_scoped3A_276 = tpu.sem_alloc : memref<!tpu.dma_semaphore, #tpu.memory_space<semaphore_mem>>
      %dma_start3A_277 = arith.constant 80 : i32
      %dma_start3A_278 = arith.constant 0 : i32
      %dma_start3A_279 = tpu.memref_slice %arg4[%add3A, %dma_start3A_277, %dma_start3A_278] : memref<32x160x64xi32, #tpu.memory_space<hbm>> -> memref<1x40x64xi32, #tpu.memory_space<hbm>>
      %dma_start3A_280 = tpu.memref_squeeze %dma_start3A_279 : memref<1x40x64xi32, #tpu.memory_space<hbm>> -> memref<40x64xi32, #tpu.memory_space<hbm>>
      %dma_start3A_281 = arith.constant 80 : i32
      %dma_start3A_282 = arith.constant 0 : i32
      %dma_start3A_283 = tpu.memref_slice %arg4[%add3A, %dma_start3A_281, %dma_start3A_282] : memref<32x160x64xi32, #tpu.memory_space<hbm>> -> memref<1x40x64xi32, #tpu.memory_space<hbm>>
      %dma_start3A_284 = tpu.memref_squeeze %dma_start3A_283 : memref<1x40x64xi32, #tpu.memory_space<hbm>> -> memref<40x64xi32, #tpu.memory_space<hbm>>
      tpu.enqueue_dma source(%dma_start3A_284 : memref<40x64xi32, #tpu.memory_space<hbm>>) target(%arg8 : memref<40x64xi32, #tpu.memory_space<vmem>>) target_semaphore(%run_scoped3A_276 : memref<!tpu.dma_semaphore, #tpu.memory_space<semaphore_mem>>)
      %dma_wait3A_285 = arith.constant 80 : i32
      %dma_wait3A_286 = arith.constant 0 : i32
      %dma_wait3A_287 = tpu.memref_slice %arg4[%add3A, %dma_wait3A_285, %dma_wait3A_286] : memref<32x160x64xi32, #tpu.memory_space<hbm>> -> memref<1x40x64xi32, #tpu.memory_space<hbm>>
      %dma_wait3A_288 = tpu.memref_squeeze %dma_wait3A_287 : memref<1x40x64xi32, #tpu.memory_space<hbm>> -> memref<40x64xi32, #tpu.memory_space<hbm>>
      %dma_wait3A_289 = arith.constant 80 : i32
      %dma_wait3A_290 = arith.constant 0 : i32
      %dma_wait3A_291 = tpu.memref_slice %arg4[%add3A, %dma_wait3A_289, %dma_wait3A_290] : memref<32x160x64xi32, #tpu.memory_space<hbm>> -> memref<1x40x64xi32, #tpu.memory_space<hbm>>
      %dma_wait3A_292 = tpu.memref_squeeze %dma_wait3A_291 : memref<1x40x64xi32, #tpu.memory_space<hbm>> -> memref<40x64xi32, #tpu.memory_space<hbm>>
      tpu.wait_dma2 semaphore(%run_scoped3A_276 : memref<!tpu.dma_semaphore, #tpu.memory_space<semaphore_mem>>) src(%dma_wait3A_292 : memref<40x64xi32, #tpu.memory_space<hbm>>) dst(%arg8 : memref<40x64xi32, #tpu.memory_space<vmem>>)
      tpu.yield
    }) : () -> ()
    %dma_start3A_154 = arith.constant 0 : i32
    %dma_start3A_155 = arith.constant 0 : i32
    %dma_start3A_156 = arith.constant 0 : i32
    %dma_start3A_157 = arith.constant 0 : i32
    %dma_start3A_158 = tpu.memref_slice %arg9[%dma_start3A_155, %dma_start3A_156, %dma_start3A_157] : memref<4x64x128xf32, #tpu.memory_space<vmem>> -> memref<1x64x128xf32, #tpu.memory_space<vmem>>
    %dma_start3A_159 = tpu.memref_squeeze %dma_start3A_158 : memref<1x64x128xf32, #tpu.memory_space<vmem>> -> memref<64x128xf32, #tpu.memory_space<vmem>>
    %dma_start3A_160 = arith.constant 0 : i32
    %dma_start3A_161 = tpu.memref_slice %arg7[%dma_start3A_154, %dma_start3A_160] : memref<40x64xi32, #tpu.memory_space<vmem>> -> memref<1x64xi32, #tpu.memory_space<vmem>>
    %dma_start3A_162 = tpu.memref_squeeze %dma_start3A_161 : memref<1x64xi32, #tpu.memory_space<vmem>> -> memref<64xi32, #tpu.memory_space<vmem>>
    %dma_start3A_163 = arith.constant 0 : i32
    %dma_start3A_164 = arith.constant 0 : i32
    %dma_start3A_165 = tpu.memref_slice %arg2[%dma_start3A_163, %dma_start3A_164] : memref<10000x128xf32, #tpu.memory_space<hbm>> -> memref<10000x128xf32, #tpu.memory_space<hbm>>
    tpu.enqueue_indirect_dma source(%dma_start3A_165 : memref<10000x128xf32, #tpu.memory_space<hbm>>) target(%dma_start3A_159 : memref<64x128xf32, #tpu.memory_space<vmem>>) offsets(%dma_start3A_162 : memref<64xi32, #tpu.memory_space<vmem>>) semaphore(%arg14 : memref<!tpu.dma_semaphore, #tpu.memory_space<semaphore_mem>>)
    %dma_start3A_166 = arith.constant 1 : i32
    %dma_start3A_167 = arith.constant 1 : i32
    %dma_start3A_168 = arith.constant 0 : i32
    %dma_start3A_169 = arith.constant 0 : i32
    %dma_start3A_170 = tpu.memref_slice %arg9[%dma_start3A_167, %dma_start3A_168, %dma_start3A_169] : memref<4x64x128xf32, #tpu.memory_space<vmem>> -> memref<1x64x128xf32, #tpu.memory_space<vmem>>
    %dma_start3A_171 = tpu.memref_squeeze %dma_start3A_170 : memref<1x64x128xf32, #tpu.memory_space<vmem>> -> memref<64x128xf32, #tpu.memory_space<vmem>>
    %dma_start3A_172 = arith.constant 0 : i32
    %dma_start3A_173 = tpu.memref_slice %arg7[%dma_start3A_166, %dma_start3A_172] : memref<40x64xi32, #tpu.memory_space<vmem>> -> memref<1x64xi32, #tpu.memory_space<vmem>>
    %dma_start3A_174 = tpu.memref_squeeze %dma_start3A_173 : memref<1x64xi32, #tpu.memory_space<vmem>> -> memref<64xi32, #tpu.memory_space<vmem>>
    %dma_start3A_175 = arith.constant 0 : i32
    %dma_start3A_176 = arith.constant 0 : i32
    %dma_start3A_177 = tpu.memref_slice %arg2[%dma_start3A_175, %dma_start3A_176] : memref<10000x128xf32, #tpu.memory_space<hbm>> -> memref<10000x128xf32, #tpu.memory_space<hbm>>
    tpu.enqueue_indirect_dma source(%dma_start3A_177 : memref<10000x128xf32, #tpu.memory_space<hbm>>) target(%dma_start3A_171 : memref<64x128xf32, #tpu.memory_space<vmem>>) offsets(%dma_start3A_174 : memref<64xi32, #tpu.memory_space<vmem>>) semaphore(%arg15 : memref<!tpu.dma_semaphore, #tpu.memory_space<semaphore_mem>>)
    %dma_start3A_178 = arith.constant 2 : i32
    %dma_start3A_179 = arith.constant 2 : i32
    %dma_start3A_180 = arith.constant 0 : i32
    %dma_start3A_181 = arith.constant 0 : i32
    %dma_start3A_182 = tpu.memref_slice %arg9[%dma_start3A_179, %dma_start3A_180, %dma_start3A_181] : memref<4x64x128xf32, #tpu.memory_space<vmem>> -> memref<1x64x128xf32, #tpu.memory_space<vmem>>
    %dma_start3A_183 = tpu.memref_squeeze %dma_start3A_182 : memref<1x64x128xf32, #tpu.memory_space<vmem>> -> memref<64x128xf32, #tpu.memory_space<vmem>>
    %dma_start3A_184 = arith.constant 0 : i32
    %dma_start3A_185 = tpu.memref_slice %arg7[%dma_start3A_178, %dma_start3A_184] : memref<40x64xi32, #tpu.memory_space<vmem>> -> memref<1x64xi32, #tpu.memory_space<vmem>>
    %dma_start3A_186 = tpu.memref_squeeze %dma_start3A_185 : memref<1x64xi32, #tpu.memory_space<vmem>> -> memref<64xi32, #tpu.memory_space<vmem>>
    %dma_start3A_187 = arith.constant 0 : i32
    %dma_start3A_188 = arith.constant 0 : i32
    %dma_start3A_189 = tpu.memref_slice %arg2[%dma_start3A_187, %dma_start3A_188] : memref<10000x128xf32, #tpu.memory_space<hbm>> -> memref<10000x128xf32, #tpu.memory_space<hbm>>
    tpu.enqueue_indirect_dma source(%dma_start3A_189 : memref<10000x128xf32, #tpu.memory_space<hbm>>) target(%dma_start3A_183 : memref<64x128xf32, #tpu.memory_space<vmem>>) offsets(%dma_start3A_186 : memref<64xi32, #tpu.memory_space<vmem>>) semaphore(%arg16 : memref<!tpu.dma_semaphore, #tpu.memory_space<semaphore_mem>>)
    %dma_start3A_190 = arith.constant 3 : i32
    %dma_start3A_191 = arith.constant 3 : i32
    %dma_start3A_192 = arith.constant 0 : i32
    %dma_start3A_193 = arith.constant 0 : i32
    %dma_start3A_194 = tpu.memref_slice %arg9[%dma_start3A_191, %dma_start3A_192, %dma_start3A_193] : memref<4x64x128xf32, #tpu.memory_space<vmem>> -> memref<1x64x128xf32, #tpu.memory_space<vmem>>
    %dma_start3A_195 = tpu.memref_squeeze %dma_start3A_194 : memref<1x64x128xf32, #tpu.memory_space<vmem>> -> memref<64x128xf32, #tpu.memory_space<vmem>>
    %dma_start3A_196 = arith.constant 0 : i32
    %dma_start3A_197 = tpu.memref_slice %arg7[%dma_start3A_190, %dma_start3A_196] : memref<40x64xi32, #tpu.memory_space<vmem>> -> memref<1x64xi32, #tpu.memory_space<vmem>>
    %dma_start3A_198 = tpu.memref_squeeze %dma_start3A_197 : memref<1x64xi32, #tpu.memory_space<vmem>> -> memref<64xi32, #tpu.memory_space<vmem>>
    %dma_start3A_199 = arith.constant 0 : i32
    %dma_start3A_200 = arith.constant 0 : i32
    %dma_start3A_201 = tpu.memref_slice %arg2[%dma_start3A_199, %dma_start3A_200] : memref<10000x128xf32, #tpu.memory_space<hbm>> -> memref<10000x128xf32, #tpu.memory_space<hbm>>
    tpu.enqueue_indirect_dma source(%dma_start3A_201 : memref<10000x128xf32, #tpu.memory_space<hbm>>) target(%dma_start3A_195 : memref<64x128xf32, #tpu.memory_space<vmem>>) offsets(%dma_start3A_198 : memref<64xi32, #tpu.memory_space<vmem>>) semaphore(%arg17 : memref<!tpu.dma_semaphore, #tpu.memory_space<semaphore_mem>>)
    %scan3A_202 = arith.constant 0 : i32
    %scan3A_203 = arith.constant 10 : i32
    %scan3A_204 = arith.addi %scan3A_202, %scan3A_203 : i32
    %scan3A_205 = arith.constant 1 : i32
    scf.for %scan3A_276 = %scan3A_202 to %scan3A_204 step %scan3A_205  : i32 {
      %mul3A_277 = arith.constant 4 : i32
      %mul3A_278 = arith.muli %scan3A_276, %mul3A_277 : i32
      %add3A_279 = arith.constant 0 : i32
      %add3A_280 = arith.addi %mul3A_278, %add3A_279 : i32
      %dma_wait3A_281 = arith.constant 0 : i32
      %dma_wait3A_282 = arith.constant 0 : i32
      %dma_wait3A_283 = arith.constant 0 : i32
      %dma_wait3A_284 = tpu.memref_slice %arg9[%dma_wait3A_281, %dma_wait3A_282, %dma_wait3A_283] : memref<4x64x128xf32, #tpu.memory_space<vmem>> -> memref<1x64x128xf32, #tpu.memory_space<vmem>>
      %dma_wait3A_285 = tpu.memref_squeeze %dma_wait3A_284 : memref<1x64x128xf32, #tpu.memory_space<vmem>> -> memref<64x128xf32, #tpu.memory_space<vmem>>
      %dma_wait3A_286 = arith.constant 0 : i32
      %dma_wait3A_287 = tpu.memref_slice %arg7[%add3A_280, %dma_wait3A_286] : memref<40x64xi32, #tpu.memory_space<vmem>> -> memref<1x64xi32, #tpu.memory_space<vmem>>
      %dma_wait3A_288 = tpu.memref_squeeze %dma_wait3A_287 : memref<1x64xi32, #tpu.memory_space<vmem>> -> memref<64xi32, #tpu.memory_space<vmem>>
      %dma_wait3A_289 = arith.constant 0 : i32
      %dma_wait3A_290 = arith.constant 0 : i32
      %dma_wait3A_291 = tpu.memref_slice %arg2[%dma_wait3A_289, %dma_wait3A_290] : memref<10000x128xf32, #tpu.memory_space<hbm>> -> memref<10000x128xf32, #tpu.memory_space<hbm>>
      tpu.wait_indirect_dma semaphore(%arg14 : memref<!tpu.dma_semaphore, #tpu.memory_space<semaphore_mem>>) src(%dma_wait3A_291 : memref<10000x128xf32, #tpu.memory_space<hbm>>) dst(%dma_wait3A_285 : memref<64x128xf32, #tpu.memory_space<vmem>>)
      %dma_start3A_292 = arith.constant 0 : i32
      %dma_start3A_293 = arith.constant 0 : i32
      %dma_start3A_294 = arith.constant 0 : i32
      %dma_start3A_295 = tpu.memref_slice %arg9[%dma_start3A_292, %dma_start3A_293, %dma_start3A_294] : memref<4x64x128xf32, #tpu.memory_space<vmem>> -> memref<1x64x128xf32, #tpu.memory_space<vmem>>
      %dma_start3A_296 = tpu.memref_squeeze %dma_start3A_295 : memref<1x64x128xf32, #tpu.memory_space<vmem>> -> memref<64x128xf32, #tpu.memory_space<vmem>>
      %dma_start3A_297 = arith.constant 0 : i32
      %dma_start3A_298 = tpu.memref_slice %arg8[%add3A_280, %dma_start3A_297] : memref<40x64xi32, #tpu.memory_space<vmem>> -> memref<1x64xi32, #tpu.memory_space<vmem>>
      %dma_start3A_299 = tpu.memref_squeeze %dma_start3A_298 : memref<1x64xi32, #tpu.memory_space<vmem>> -> memref<64xi32, #tpu.memory_space<vmem>>
      %dma_start3A_300 = arith.constant 0 : i32
      %dma_start3A_301 = arith.constant 0 : i32
      %dma_start3A_302 = tpu.memref_slice %arg12[%dma_start3A_300, %dma_start3A_301] : memref<10240x128xf32, #tpu.memory_space<vmem_shared>> -> memref<10240x128xf32, #tpu.memory_space<vmem_shared>>
      tpu.enqueue_indirect_dma source(%dma_start3A_296 : memref<64x128xf32, #tpu.memory_space<vmem>>) target(%dma_start3A_302 : memref<10240x128xf32, #tpu.memory_space<vmem_shared>>) offsets(%dma_start3A_299 : memref<64xi32, #tpu.memory_space<vmem>>) semaphore(%arg18 : memref<!tpu.dma_semaphore, #tpu.memory_space<semaphore_mem>>) {add = true}
      %dma_start3A_303 = arith.constant 0 : i32
      %dma_start3A_304 = tpu.memref_slice %arg8[%add3A_280, %dma_start3A_303] : memref<40x64xi32, #tpu.memory_space<vmem>> -> memref<1x64xi32, #tpu.memory_space<vmem>>
      %dma_start3A_305 = tpu.memref_squeeze %dma_start3A_304 : memref<1x64xi32, #tpu.memory_space<vmem>> -> memref<64xi32, #tpu.memory_space<vmem>>
      %dma_start3A_306 = arith.constant 0 : i32
      %dma_start3A_307 = tpu.memref_slice %arg13[%dma_start3A_306] : memref<10240xf32, #tpu.memory_space<vmem_shared>> -> memref<10240xf32, #tpu.memory_space<vmem_shared>>
      tpu.enqueue_indirect_dma source(%arg10 : memref<64xf32, #tpu.memory_space<vmem>>) target(%dma_start3A_307 : memref<10240xf32, #tpu.memory_space<vmem_shared>>) offsets(%dma_start3A_305 : memref<64xi32, #tpu.memory_space<vmem>>) semaphore(%arg22 : memref<!tpu.dma_semaphore, #tpu.memory_space<semaphore_mem>>) {add = true}
      %dma_wait3A_308 = arith.constant 0 : i32
      %dma_wait3A_309 = arith.constant 0 : i32
      %dma_wait3A_310 = arith.constant 0 : i32
      %dma_wait3A_311 = tpu.memref_slice %arg9[%dma_wait3A_308, %dma_wait3A_309, %dma_wait3A_310] : memref<4x64x128xf32, #tpu.memory_space<vmem>> -> memref<1x64x128xf32, #tpu.memory_space<vmem>>
      %dma_wait3A_312 = tpu.memref_squeeze %dma_wait3A_311 : memref<1x64x128xf32, #tpu.memory_space<vmem>> -> memref<64x128xf32, #tpu.memory_space<vmem>>
      %dma_wait3A_313 = arith.constant 0 : i32
      %dma_wait3A_314 = tpu.memref_slice %arg8[%add3A_280, %dma_wait3A_313] : memref<40x64xi32, #tpu.memory_space<vmem>> -> memref<1x64xi32, #tpu.memory_space<vmem>>
      %dma_wait3A_315 = tpu.memref_squeeze %dma_wait3A_314 : memref<1x64xi32, #tpu.memory_space<vmem>> -> memref<64xi32, #tpu.memory_space<vmem>>
      %dma_wait3A_316 = arith.constant 0 : i32
      %dma_wait3A_317 = arith.constant 0 : i32
      %dma_wait3A_318 = tpu.memref_slice %arg12[%dma_wait3A_316, %dma_wait3A_317] : memref<10240x128xf32, #tpu.memory_space<vmem_shared>> -> memref<10240x128xf32, #tpu.memory_space<vmem_shared>>
      tpu.wait_indirect_dma semaphore(%arg18 : memref<!tpu.dma_semaphore, #tpu.memory_space<semaphore_mem>>) src(%dma_wait3A_312 : memref<64x128xf32, #tpu.memory_space<vmem>>) dst(%dma_wait3A_318 : memref<10240x128xf32, #tpu.memory_space<vmem_shared>>)
      %dma_wait3A_319 = arith.constant 0 : i32
      %dma_wait3A_320 = tpu.memref_slice %arg8[%add3A_280, %dma_wait3A_319] : memref<40x64xi32, #tpu.memory_space<vmem>> -> memref<1x64xi32, #tpu.memory_space<vmem>>
      %dma_wait3A_321 = tpu.memref_squeeze %dma_wait3A_320 : memref<1x64xi32, #tpu.memory_space<vmem>> -> memref<64xi32, #tpu.memory_space<vmem>>
      %dma_wait3A_322 = arith.constant 0 : i32
      %dma_wait3A_323 = tpu.memref_slice %arg13[%dma_wait3A_322] : memref<10240xf32, #tpu.memory_space<vmem_shared>> -> memref<10240xf32, #tpu.memory_space<vmem_shared>>
      tpu.wait_indirect_dma semaphore(%arg22 : memref<!tpu.dma_semaphore, #tpu.memory_space<semaphore_mem>>) src(%arg10 : memref<64xf32, #tpu.memory_space<vmem>>) dst(%dma_wait3A_323 : memref<10240xf32, #tpu.memory_space<vmem_shared>>)
      %lt3A = arith.constant 9 : i32
      %lt3A_324 = arith.cmpi slt, %scan3A_276, %lt3A : i32
      %convert_element_type3A = arith.extui %lt3A_324 : i1 to i32
      %cond3A = arith.constant 0 : i32
      %cond3A_325 = arith.cmpi ne, %convert_element_type3A, %cond3A : i32
      scf.if %cond3A_325 {
        %add3A_482 = arith.constant 4 : i32
        %add3A_483 = arith.addi %add3A_280, %add3A_482 : i32
        %dma_start3A_484 = arith.constant 0 : i32
        %dma_start3A_485 = arith.constant 0 : i32
        %dma_start3A_486 = arith.constant 0 : i32
        %dma_start3A_487 = tpu.memref_slice %arg9[%dma_start3A_484, %dma_start3A_485, %dma_start3A_486] : memref<4x64x128xf32, #tpu.memory_space<vmem>> -> memref<1x64x128xf32, #tpu.memory_space<vmem>>
        %dma_start3A_488 = tpu.memref_squeeze %dma_start3A_487 : memref<1x64x128xf32, #tpu.memory_space<vmem>> -> memref<64x128xf32, #tpu.memory_space<vmem>>
        %dma_start3A_489 = arith.constant 0 : i32
        %dma_start3A_490 = tpu.memref_slice %arg7[%add3A_483, %dma_start3A_489] : memref<40x64xi32, #tpu.memory_space<vmem>> -> memref<1x64xi32, #tpu.memory_space<vmem>>
        %dma_start3A_491 = tpu.memref_squeeze %dma_start3A_490 : memref<1x64xi32, #tpu.memory_space<vmem>> -> memref<64xi32, #tpu.memory_space<vmem>>
        %dma_start3A_492 = arith.constant 0 : i32
        %dma_start3A_493 = arith.constant 0 : i32
        %dma_start3A_494 = tpu.memref_slice %arg2[%dma_start3A_492, %dma_start3A_493] : memref<10000x128xf32, #tpu.memory_space<hbm>> -> memref<10000x128xf32, #tpu.memory_space<hbm>>
        tpu.enqueue_indirect_dma source(%dma_start3A_494 : memref<10000x128xf32, #tpu.memory_space<hbm>>) target(%dma_start3A_488 : memref<64x128xf32, #tpu.memory_space<vmem>>) offsets(%dma_start3A_491 : memref<64xi32, #tpu.memory_space<vmem>>) semaphore(%arg14 : memref<!tpu.dma_semaphore, #tpu.memory_space<semaphore_mem>>)
      } else {
      }
      %mul3A_326 = arith.constant 4 : i32
      %mul3A_327 = arith.muli %scan3A_276, %mul3A_326 : i32
      %add3A_328 = arith.constant 1 : i32
      %add3A_329 = arith.addi %mul3A_327, %add3A_328 : i32
      %dma_wait3A_330 = arith.constant 1 : i32
      %dma_wait3A_331 = arith.constant 0 : i32
      %dma_wait3A_332 = arith.constant 0 : i32
      %dma_wait3A_333 = tpu.memref_slice %arg9[%dma_wait3A_330, %dma_wait3A_331, %dma_wait3A_332] : memref<4x64x128xf32, #tpu.memory_space<vmem>> -> memref<1x64x128xf32, #tpu.memory_space<vmem>>
      %dma_wait3A_334 = tpu.memref_squeeze %dma_wait3A_333 : memref<1x64x128xf32, #tpu.memory_space<vmem>> -> memref<64x128xf32, #tpu.memory_space<vmem>>
      %dma_wait3A_335 = arith.constant 0 : i32
      %dma_wait3A_336 = tpu.memref_slice %arg7[%add3A_329, %dma_wait3A_335] : memref<40x64xi32, #tpu.memory_space<vmem>> -> memref<1x64xi32, #tpu.memory_space<vmem>>
      %dma_wait3A_337 = tpu.memref_squeeze %dma_wait3A_336 : memref<1x64xi32, #tpu.memory_space<vmem>> -> memref<64xi32, #tpu.memory_space<vmem>>
      %dma_wait3A_338 = arith.constant 0 : i32
      %dma_wait3A_339 = arith.constant 0 : i32
      %dma_wait3A_340 = tpu.memref_slice %arg2[%dma_wait3A_338, %dma_wait3A_339] : memref<10000x128xf32, #tpu.memory_space<hbm>> -> memref<10000x128xf32, #tpu.memory_space<hbm>>
      tpu.wait_indirect_dma semaphore(%arg15 : memref<!tpu.dma_semaphore, #tpu.memory_space<semaphore_mem>>) src(%dma_wait3A_340 : memref<10000x128xf32, #tpu.memory_space<hbm>>) dst(%dma_wait3A_334 : memref<64x128xf32, #tpu.memory_space<vmem>>)
      %dma_start3A_341 = arith.constant 1 : i32
      %dma_start3A_342 = arith.constant 0 : i32
      %dma_start3A_343 = arith.constant 0 : i32
      %dma_start3A_344 = tpu.memref_slice %arg9[%dma_start3A_341, %dma_start3A_342, %dma_start3A_343] : memref<4x64x128xf32, #tpu.memory_space<vmem>> -> memref<1x64x128xf32, #tpu.memory_space<vmem>>
      %dma_start3A_345 = tpu.memref_squeeze %dma_start3A_344 : memref<1x64x128xf32, #tpu.memory_space<vmem>> -> memref<64x128xf32, #tpu.memory_space<vmem>>
      %dma_start3A_346 = arith.constant 0 : i32
      %dma_start3A_347 = tpu.memref_slice %arg8[%add3A_329, %dma_start3A_346] : memref<40x64xi32, #tpu.memory_space<vmem>> -> memref<1x64xi32, #tpu.memory_space<vmem>>
      %dma_start3A_348 = tpu.memref_squeeze %dma_start3A_347 : memref<1x64xi32, #tpu.memory_space<vmem>> -> memref<64xi32, #tpu.memory_space<vmem>>
      %dma_start3A_349 = arith.constant 0 : i32
      %dma_start3A_350 = arith.constant 0 : i32
      %dma_start3A_351 = tpu.memref_slice %arg12[%dma_start3A_349, %dma_start3A_350] : memref<10240x128xf32, #tpu.memory_space<vmem_shared>> -> memref<10240x128xf32, #tpu.memory_space<vmem_shared>>
      tpu.enqueue_indirect_dma source(%dma_start3A_345 : memref<64x128xf32, #tpu.memory_space<vmem>>) target(%dma_start3A_351 : memref<10240x128xf32, #tpu.memory_space<vmem_shared>>) offsets(%dma_start3A_348 : memref<64xi32, #tpu.memory_space<vmem>>) semaphore(%arg19 : memref<!tpu.dma_semaphore, #tpu.memory_space<semaphore_mem>>) {add = true}
      %dma_start3A_352 = arith.constant 0 : i32
      %dma_start3A_353 = tpu.memref_slice %arg8[%add3A_329, %dma_start3A_352] : memref<40x64xi32, #tpu.memory_space<vmem>> -> memref<1x64xi32, #tpu.memory_space<vmem>>
      %dma_start3A_354 = tpu.memref_squeeze %dma_start3A_353 : memref<1x64xi32, #tpu.memory_space<vmem>> -> memref<64xi32, #tpu.memory_space<vmem>>
      %dma_start3A_355 = arith.constant 0 : i32
      %dma_start3A_356 = tpu.memref_slice %arg13[%dma_start3A_355] : memref<10240xf32, #tpu.memory_space<vmem_shared>> -> memref<10240xf32, #tpu.memory_space<vmem_shared>>
      tpu.enqueue_indirect_dma source(%arg10 : memref<64xf32, #tpu.memory_space<vmem>>) target(%dma_start3A_356 : memref<10240xf32, #tpu.memory_space<vmem_shared>>) offsets(%dma_start3A_354 : memref<64xi32, #tpu.memory_space<vmem>>) semaphore(%arg23 : memref<!tpu.dma_semaphore, #tpu.memory_space<semaphore_mem>>) {add = true}
      %dma_wait3A_357 = arith.constant 1 : i32
      %dma_wait3A_358 = arith.constant 0 : i32
      %dma_wait3A_359 = arith.constant 0 : i32
      %dma_wait3A_360 = tpu.memref_slice %arg9[%dma_wait3A_357, %dma_wait3A_358, %dma_wait3A_359] : memref<4x64x128xf32, #tpu.memory_space<vmem>> -> memref<1x64x128xf32, #tpu.memory_space<vmem>>
      %dma_wait3A_361 = tpu.memref_squeeze %dma_wait3A_360 : memref<1x64x128xf32, #tpu.memory_space<vmem>> -> memref<64x128xf32, #tpu.memory_space<vmem>>
      %dma_wait3A_362 = arith.constant 0 : i32
      %dma_wait3A_363 = tpu.memref_slice %arg8[%add3A_329, %dma_wait3A_362] : memref<40x64xi32, #tpu.memory_space<vmem>> -> memref<1x64xi32, #tpu.memory_space<vmem>>
      %dma_wait3A_364 = tpu.memref_squeeze %dma_wait3A_363 : memref<1x64xi32, #tpu.memory_space<vmem>> -> memref<64xi32, #tpu.memory_space<vmem>>
      %dma_wait3A_365 = arith.constant 0 : i32
      %dma_wait3A_366 = arith.constant 0 : i32
      %dma_wait3A_367 = tpu.memref_slice %arg12[%dma_wait3A_365, %dma_wait3A_366] : memref<10240x128xf32, #tpu.memory_space<vmem_shared>> -> memref<10240x128xf32, #tpu.memory_space<vmem_shared>>
      tpu.wait_indirect_dma semaphore(%arg19 : memref<!tpu.dma_semaphore, #tpu.memory_space<semaphore_mem>>) src(%dma_wait3A_361 : memref<64x128xf32, #tpu.memory_space<vmem>>) dst(%dma_wait3A_367 : memref<10240x128xf32, #tpu.memory_space<vmem_shared>>)
      %dma_wait3A_368 = arith.constant 0 : i32
      %dma_wait3A_369 = tpu.memref_slice %arg8[%add3A_329, %dma_wait3A_368] : memref<40x64xi32, #tpu.memory_space<vmem>> -> memref<1x64xi32, #tpu.memory_space<vmem>>
      %dma_wait3A_370 = tpu.memref_squeeze %dma_wait3A_369 : memref<1x64xi32, #tpu.memory_space<vmem>> -> memref<64xi32, #tpu.memory_space<vmem>>
      %dma_wait3A_371 = arith.constant 0 : i32
      %dma_wait3A_372 = tpu.memref_slice %arg13[%dma_wait3A_371] : memref<10240xf32, #tpu.memory_space<vmem_shared>> -> memref<10240xf32, #tpu.memory_space<vmem_shared>>
      tpu.wait_indirect_dma semaphore(%arg23 : memref<!tpu.dma_semaphore, #tpu.memory_space<semaphore_mem>>) src(%arg10 : memref<64xf32, #tpu.memory_space<vmem>>) dst(%dma_wait3A_372 : memref<10240xf32, #tpu.memory_space<vmem_shared>>)
      %lt3A_373 = arith.constant 9 : i32
      %lt3A_374 = arith.cmpi slt, %scan3A_276, %lt3A_373 : i32
      %convert_element_type3A_375 = arith.extui %lt3A_374 : i1 to i32
      %cond3A_376 = arith.constant 0 : i32
      %cond3A_377 = arith.cmpi ne, %convert_element_type3A_375, %cond3A_376 : i32
      scf.if %cond3A_377 {
        %add3A_482 = arith.constant 4 : i32
        %add3A_483 = arith.addi %add3A_329, %add3A_482 : i32
        %dma_start3A_484 = arith.constant 1 : i32
        %dma_start3A_485 = arith.constant 0 : i32
        %dma_start3A_486 = arith.constant 0 : i32
        %dma_start3A_487 = tpu.memref_slice %arg9[%dma_start3A_484, %dma_start3A_485, %dma_start3A_486] : memref<4x64x128xf32, #tpu.memory_space<vmem>> -> memref<1x64x128xf32, #tpu.memory_space<vmem>>
        %dma_start3A_488 = tpu.memref_squeeze %dma_start3A_487 : memref<1x64x128xf32, #tpu.memory_space<vmem>> -> memref<64x128xf32, #tpu.memory_space<vmem>>
        %dma_start3A_489 = arith.constant 0 : i32
        %dma_start3A_490 = tpu.memref_slice %arg7[%add3A_483, %dma_start3A_489] : memref<40x64xi32, #tpu.memory_space<vmem>> -> memref<1x64xi32, #tpu.memory_space<vmem>>
        %dma_start3A_491 = tpu.memref_squeeze %dma_start3A_490 : memref<1x64xi32, #tpu.memory_space<vmem>> -> memref<64xi32, #tpu.memory_space<vmem>>
        %dma_start3A_492 = arith.constant 0 : i32
        %dma_start3A_493 = arith.constant 0 : i32
        %dma_start3A_494 = tpu.memref_slice %arg2[%dma_start3A_492, %dma_start3A_493] : memref<10000x128xf32, #tpu.memory_space<hbm>> -> memref<10000x128xf32, #tpu.memory_space<hbm>>
        tpu.enqueue_indirect_dma source(%dma_start3A_494 : memref<10000x128xf32, #tpu.memory_space<hbm>>) target(%dma_start3A_488 : memref<64x128xf32, #tpu.memory_space<vmem>>) offsets(%dma_start3A_491 : memref<64xi32, #tpu.memory_space<vmem>>) semaphore(%arg15 : memref<!tpu.dma_semaphore, #tpu.memory_space<semaphore_mem>>)
      } else {
      }
      %mul3A_378 = arith.constant 4 : i32
      %mul3A_379 = arith.muli %scan3A_276, %mul3A_378 : i32
      %add3A_380 = arith.constant 2 : i32
      %add3A_381 = arith.addi %mul3A_379, %add3A_380 : i32
      %dma_wait3A_382 = arith.constant 2 : i32
      %dma_wait3A_383 = arith.constant 0 : i32
      %dma_wait3A_384 = arith.constant 0 : i32
      %dma_wait3A_385 = tpu.memref_slice %arg9[%dma_wait3A_382, %dma_wait3A_383, %dma_wait3A_384] : memref<4x64x128xf32, #tpu.memory_space<vmem>> -> memref<1x64x128xf32, #tpu.memory_space<vmem>>
      %dma_wait3A_386 = tpu.memref_squeeze %dma_wait3A_385 : memref<1x64x128xf32, #tpu.memory_space<vmem>> -> memref<64x128xf32, #tpu.memory_space<vmem>>
      %dma_wait3A_387 = arith.constant 0 : i32
      %dma_wait3A_388 = tpu.memref_slice %arg7[%add3A_381, %dma_wait3A_387] : memref<40x64xi32, #tpu.memory_space<vmem>> -> memref<1x64xi32, #tpu.memory_space<vmem>>
      %dma_wait3A_389 = tpu.memref_squeeze %dma_wait3A_388 : memref<1x64xi32, #tpu.memory_space<vmem>> -> memref<64xi32, #tpu.memory_space<vmem>>
      %dma_wait3A_390 = arith.constant 0 : i32
      %dma_wait3A_391 = arith.constant 0 : i32
      %dma_wait3A_392 = tpu.memref_slice %arg2[%dma_wait3A_390, %dma_wait3A_391] : memref<10000x128xf32, #tpu.memory_space<hbm>> -> memref<10000x128xf32, #tpu.memory_space<hbm>>
      tpu.wait_indirect_dma semaphore(%arg16 : memref<!tpu.dma_semaphore, #tpu.memory_space<semaphore_mem>>) src(%dma_wait3A_392 : memref<10000x128xf32, #tpu.memory_space<hbm>>) dst(%dma_wait3A_386 : memref<64x128xf32, #tpu.memory_space<vmem>>)
      %dma_start3A_393 = arith.constant 2 : i32
      %dma_start3A_394 = arith.constant 0 : i32
      %dma_start3A_395 = arith.constant 0 : i32
      %dma_start3A_396 = tpu.memref_slice %arg9[%dma_start3A_393, %dma_start3A_394, %dma_start3A_395] : memref<4x64x128xf32, #tpu.memory_space<vmem>> -> memref<1x64x128xf32, #tpu.memory_space<vmem>>
      %dma_start3A_397 = tpu.memref_squeeze %dma_start3A_396 : memref<1x64x128xf32, #tpu.memory_space<vmem>> -> memref<64x128xf32, #tpu.memory_space<vmem>>
      %dma_start3A_398 = arith.constant 0 : i32
      %dma_start3A_399 = tpu.memref_slice %arg8[%add3A_381, %dma_start3A_398] : memref<40x64xi32, #tpu.memory_space<vmem>> -> memref<1x64xi32, #tpu.memory_space<vmem>>
      %dma_start3A_400 = tpu.memref_squeeze %dma_start3A_399 : memref<1x64xi32, #tpu.memory_space<vmem>> -> memref<64xi32, #tpu.memory_space<vmem>>
      %dma_start3A_401 = arith.constant 0 : i32
      %dma_start3A_402 = arith.constant 0 : i32
      %dma_start3A_403 = tpu.memref_slice %arg12[%dma_start3A_401, %dma_start3A_402] : memref<10240x128xf32, #tpu.memory_space<vmem_shared>> -> memref<10240x128xf32, #tpu.memory_space<vmem_shared>>
      tpu.enqueue_indirect_dma source(%dma_start3A_397 : memref<64x128xf32, #tpu.memory_space<vmem>>) target(%dma_start3A_403 : memref<10240x128xf32, #tpu.memory_space<vmem_shared>>) offsets(%dma_start3A_400 : memref<64xi32, #tpu.memory_space<vmem>>) semaphore(%arg20 : memref<!tpu.dma_semaphore, #tpu.memory_space<semaphore_mem>>) {add = true}
      %dma_start3A_404 = arith.constant 0 : i32
      %dma_start3A_405 = tpu.memref_slice %arg8[%add3A_381, %dma_start3A_404] : memref<40x64xi32, #tpu.memory_space<vmem>> -> memref<1x64xi32, #tpu.memory_space<vmem>>
      %dma_start3A_406 = tpu.memref_squeeze %dma_start3A_405 : memref<1x64xi32, #tpu.memory_space<vmem>> -> memref<64xi32, #tpu.memory_space<vmem>>
      %dma_start3A_407 = arith.constant 0 : i32
      %dma_start3A_408 = tpu.memref_slice %arg13[%dma_start3A_407] : memref<10240xf32, #tpu.memory_space<vmem_shared>> -> memref<10240xf32, #tpu.memory_space<vmem_shared>>
      tpu.enqueue_indirect_dma source(%arg10 : memref<64xf32, #tpu.memory_space<vmem>>) target(%dma_start3A_408 : memref<10240xf32, #tpu.memory_space<vmem_shared>>) offsets(%dma_start3A_406 : memref<64xi32, #tpu.memory_space<vmem>>) semaphore(%arg24 : memref<!tpu.dma_semaphore, #tpu.memory_space<semaphore_mem>>) {add = true}
      %dma_wait3A_409 = arith.constant 2 : i32
      %dma_wait3A_410 = arith.constant 0 : i32
      %dma_wait3A_411 = arith.constant 0 : i32
      %dma_wait3A_412 = tpu.memref_slice %arg9[%dma_wait3A_409, %dma_wait3A_410, %dma_wait3A_411] : memref<4x64x128xf32, #tpu.memory_space<vmem>> -> memref<1x64x128xf32, #tpu.memory_space<vmem>>
      %dma_wait3A_413 = tpu.memref_squeeze %dma_wait3A_412 : memref<1x64x128xf32, #tpu.memory_space<vmem>> -> memref<64x128xf32, #tpu.memory_space<vmem>>
      %dma_wait3A_414 = arith.constant 0 : i32
      %dma_wait3A_415 = tpu.memref_slice %arg8[%add3A_381, %dma_wait3A_414] : memref<40x64xi32, #tpu.memory_space<vmem>> -> memref<1x64xi32, #tpu.memory_space<vmem>>
      %dma_wait3A_416 = tpu.memref_squeeze %dma_wait3A_415 : memref<1x64xi32, #tpu.memory_space<vmem>> -> memref<64xi32, #tpu.memory_space<vmem>>
      %dma_wait3A_417 = arith.constant 0 : i32
      %dma_wait3A_418 = arith.constant 0 : i32
      %dma_wait3A_419 = tpu.memref_slice %arg12[%dma_wait3A_417, %dma_wait3A_418] : memref<10240x128xf32, #tpu.memory_space<vmem_shared>> -> memref<10240x128xf32, #tpu.memory_space<vmem_shared>>
      tpu.wait_indirect_dma semaphore(%arg20 : memref<!tpu.dma_semaphore, #tpu.memory_space<semaphore_mem>>) src(%dma_wait3A_413 : memref<64x128xf32, #tpu.memory_space<vmem>>) dst(%dma_wait3A_419 : memref<10240x128xf32, #tpu.memory_space<vmem_shared>>)
      %dma_wait3A_420 = arith.constant 0 : i32
      %dma_wait3A_421 = tpu.memref_slice %arg8[%add3A_381, %dma_wait3A_420] : memref<40x64xi32, #tpu.memory_space<vmem>> -> memref<1x64xi32, #tpu.memory_space<vmem>>
      %dma_wait3A_422 = tpu.memref_squeeze %dma_wait3A_421 : memref<1x64xi32, #tpu.memory_space<vmem>> -> memref<64xi32, #tpu.memory_space<vmem>>
      %dma_wait3A_423 = arith.constant 0 : i32
      %dma_wait3A_424 = tpu.memref_slice %arg13[%dma_wait3A_423] : memref<10240xf32, #tpu.memory_space<vmem_shared>> -> memref<10240xf32, #tpu.memory_space<vmem_shared>>
      tpu.wait_indirect_dma semaphore(%arg24 : memref<!tpu.dma_semaphore, #tpu.memory_space<semaphore_mem>>) src(%arg10 : memref<64xf32, #tpu.memory_space<vmem>>) dst(%dma_wait3A_424 : memref<10240xf32, #tpu.memory_space<vmem_shared>>)
      %lt3A_425 = arith.constant 9 : i32
      %lt3A_426 = arith.cmpi slt, %scan3A_276, %lt3A_425 : i32
      %convert_element_type3A_427 = arith.extui %lt3A_426 : i1 to i32
      %cond3A_428 = arith.constant 0 : i32
      %cond3A_429 = arith.cmpi ne, %convert_element_type3A_427, %cond3A_428 : i32
      scf.if %cond3A_429 {
        %add3A_482 = arith.constant 4 : i32
        %add3A_483 = arith.addi %add3A_381, %add3A_482 : i32
        %dma_start3A_484 = arith.constant 2 : i32
        %dma_start3A_485 = arith.constant 0 : i32
        %dma_start3A_486 = arith.constant 0 : i32
        %dma_start3A_487 = tpu.memref_slice %arg9[%dma_start3A_484, %dma_start3A_485, %dma_start3A_486] : memref<4x64x128xf32, #tpu.memory_space<vmem>> -> memref<1x64x128xf32, #tpu.memory_space<vmem>>
        %dma_start3A_488 = tpu.memref_squeeze %dma_start3A_487 : memref<1x64x128xf32, #tpu.memory_space<vmem>> -> memref<64x128xf32, #tpu.memory_space<vmem>>
        %dma_start3A_489 = arith.constant 0 : i32
        %dma_start3A_490 = tpu.memref_slice %arg7[%add3A_483, %dma_start3A_489] : memref<40x64xi32, #tpu.memory_space<vmem>> -> memref<1x64xi32, #tpu.memory_space<vmem>>
        %dma_start3A_491 = tpu.memref_squeeze %dma_start3A_490 : memref<1x64xi32, #tpu.memory_space<vmem>> -> memref<64xi32, #tpu.memory_space<vmem>>
        %dma_start3A_492 = arith.constant 0 : i32
        %dma_start3A_493 = arith.constant 0 : i32
        %dma_start3A_494 = tpu.memref_slice %arg2[%dma_start3A_492, %dma_start3A_493] : memref<10000x128xf32, #tpu.memory_space<hbm>> -> memref<10000x128xf32, #tpu.memory_space<hbm>>
        tpu.enqueue_indirect_dma source(%dma_start3A_494 : memref<10000x128xf32, #tpu.memory_space<hbm>>) target(%dma_start3A_488 : memref<64x128xf32, #tpu.memory_space<vmem>>) offsets(%dma_start3A_491 : memref<64xi32, #tpu.memory_space<vmem>>) semaphore(%arg16 : memref<!tpu.dma_semaphore, #tpu.memory_space<semaphore_mem>>)
      } else {
      }
      %mul3A_430 = arith.constant 4 : i32
      %mul3A_431 = arith.muli %scan3A_276, %mul3A_430 : i32
      %add3A_432 = arith.constant 3 : i32
      %add3A_433 = arith.addi %mul3A_431, %add3A_432 : i32
      %dma_wait3A_434 = arith.constant 3 : i32
      %dma_wait3A_435 = arith.constant 0 : i32
      %dma_wait3A_436 = arith.constant 0 : i32
      %dma_wait3A_437 = tpu.memref_slice %arg9[%dma_wait3A_434, %dma_wait3A_435, %dma_wait3A_436] : memref<4x64x128xf32, #tpu.memory_space<vmem>> -> memref<1x64x128xf32, #tpu.memory_space<vmem>>
      %dma_wait3A_438 = tpu.memref_squeeze %dma_wait3A_437 : memref<1x64x128xf32, #tpu.memory_space<vmem>> -> memref<64x128xf32, #tpu.memory_space<vmem>>
      %dma_wait3A_439 = arith.constant 0 : i32
      %dma_wait3A_440 = tpu.memref_slice %arg7[%add3A_433, %dma_wait3A_439] : memref<40x64xi32, #tpu.memory_space<vmem>> -> memref<1x64xi32, #tpu.memory_space<vmem>>
      %dma_wait3A_441 = tpu.memref_squeeze %dma_wait3A_440 : memref<1x64xi32, #tpu.memory_space<vmem>> -> memref<64xi32, #tpu.memory_space<vmem>>
      %dma_wait3A_442 = arith.constant 0 : i32
      %dma_wait3A_443 = arith.constant 0 : i32
      %dma_wait3A_444 = tpu.memref_slice %arg2[%dma_wait3A_442, %dma_wait3A_443] : memref<10000x128xf32, #tpu.memory_space<hbm>> -> memref<10000x128xf32, #tpu.memory_space<hbm>>
      tpu.wait_indirect_dma semaphore(%arg17 : memref<!tpu.dma_semaphore, #tpu.memory_space<semaphore_mem>>) src(%dma_wait3A_444 : memref<10000x128xf32, #tpu.memory_space<hbm>>) dst(%dma_wait3A_438 : memref<64x128xf32, #tpu.memory_space<vmem>>)
      %dma_start3A_445 = arith.constant 3 : i32
      %dma_start3A_446 = arith.constant 0 : i32
      %dma_start3A_447 = arith.constant 0 : i32
      %dma_start3A_448 = tpu.memref_slice %arg9[%dma_start3A_445, %dma_start3A_446, %dma_start3A_447] : memref<4x64x128xf32, #tpu.memory_space<vmem>> -> memref<1x64x128xf32, #tpu.memory_space<vmem>>
      %dma_start3A_449 = tpu.memref_squeeze %dma_start3A_448 : memref<1x64x128xf32, #tpu.memory_space<vmem>> -> memref<64x128xf32, #tpu.memory_space<vmem>>
      %dma_start3A_450 = arith.constant 0 : i32
      %dma_start3A_451 = tpu.memref_slice %arg8[%add3A_433, %dma_start3A_450] : memref<40x64xi32, #tpu.memory_space<vmem>> -> memref<1x64xi32, #tpu.memory_space<vmem>>
      %dma_start3A_452 = tpu.memref_squeeze %dma_start3A_451 : memref<1x64xi32, #tpu.memory_space<vmem>> -> memref<64xi32, #tpu.memory_space<vmem>>
      %dma_start3A_453 = arith.constant 0 : i32
      %dma_start3A_454 = arith.constant 0 : i32
      %dma_start3A_455 = tpu.memref_slice %arg12[%dma_start3A_453, %dma_start3A_454] : memref<10240x128xf32, #tpu.memory_space<vmem_shared>> -> memref<10240x128xf32, #tpu.memory_space<vmem_shared>>
      tpu.enqueue_indirect_dma source(%dma_start3A_449 : memref<64x128xf32, #tpu.memory_space<vmem>>) target(%dma_start3A_455 : memref<10240x128xf32, #tpu.memory_space<vmem_shared>>) offsets(%dma_start3A_452 : memref<64xi32, #tpu.memory_space<vmem>>) semaphore(%arg21 : memref<!tpu.dma_semaphore, #tpu.memory_space<semaphore_mem>>) {add = true}
      %dma_start3A_456 = arith.constant 0 : i32
      %dma_start3A_457 = tpu.memref_slice %arg8[%add3A_433, %dma_start3A_456] : memref<40x64xi32, #tpu.memory_space<vmem>> -> memref<1x64xi32, #tpu.memory_space<vmem>>
      %dma_start3A_458 = tpu.memref_squeeze %dma_start3A_457 : memref<1x64xi32, #tpu.memory_space<vmem>> -> memref<64xi32, #tpu.memory_space<vmem>>
      %dma_start3A_459 = arith.constant 0 : i32
      %dma_start3A_460 = tpu.memref_slice %arg13[%dma_start3A_459] : memref<10240xf32, #tpu.memory_space<vmem_shared>> -> memref<10240xf32, #tpu.memory_space<vmem_shared>>
      tpu.enqueue_indirect_dma source(%arg10 : memref<64xf32, #tpu.memory_space<vmem>>) target(%dma_start3A_460 : memref<10240xf32, #tpu.memory_space<vmem_shared>>) offsets(%dma_start3A_458 : memref<64xi32, #tpu.memory_space<vmem>>) semaphore(%arg25 : memref<!tpu.dma_semaphore, #tpu.memory_space<semaphore_mem>>) {add = true}
      %dma_wait3A_461 = arith.constant 3 : i32
      %dma_wait3A_462 = arith.constant 0 : i32
      %dma_wait3A_463 = arith.constant 0 : i32
      %dma_wait3A_464 = tpu.memref_slice %arg9[%dma_wait3A_461, %dma_wait3A_462, %dma_wait3A_463] : memref<4x64x128xf32, #tpu.memory_space<vmem>> -> memref<1x64x128xf32, #tpu.memory_space<vmem>>
      %dma_wait3A_465 = tpu.memref_squeeze %dma_wait3A_464 : memref<1x64x128xf32, #tpu.memory_space<vmem>> -> memref<64x128xf32, #tpu.memory_space<vmem>>
      %dma_wait3A_466 = arith.constant 0 : i32
      %dma_wait3A_467 = tpu.memref_slice %arg8[%add3A_433, %dma_wait3A_466] : memref<40x64xi32, #tpu.memory_space<vmem>> -> memref<1x64xi32, #tpu.memory_space<vmem>>
      %dma_wait3A_468 = tpu.memref_squeeze %dma_wait3A_467 : memref<1x64xi32, #tpu.memory_space<vmem>> -> memref<64xi32, #tpu.memory_space<vmem>>
      %dma_wait3A_469 = arith.constant 0 : i32
      %dma_wait3A_470 = arith.constant 0 : i32
      %dma_wait3A_471 = tpu.memref_slice %arg12[%dma_wait3A_469, %dma_wait3A_470] : memref<10240x128xf32, #tpu.memory_space<vmem_shared>> -> memref<10240x128xf32, #tpu.memory_space<vmem_shared>>
      tpu.wait_indirect_dma semaphore(%arg21 : memref<!tpu.dma_semaphore, #tpu.memory_space<semaphore_mem>>) src(%dma_wait3A_465 : memref<64x128xf32, #tpu.memory_space<vmem>>) dst(%dma_wait3A_471 : memref<10240x128xf32, #tpu.memory_space<vmem_shared>>)
      %dma_wait3A_472 = arith.constant 0 : i32
      %dma_wait3A_473 = tpu.memref_slice %arg8[%add3A_433, %dma_wait3A_472] : memref<40x64xi32, #tpu.memory_space<vmem>> -> memref<1x64xi32, #tpu.memory_space<vmem>>
      %dma_wait3A_474 = tpu.memref_squeeze %dma_wait3A_473 : memref<1x64xi32, #tpu.memory_space<vmem>> -> memref<64xi32, #tpu.memory_space<vmem>>
      %dma_wait3A_475 = arith.constant 0 : i32
      %dma_wait3A_476 = tpu.memref_slice %arg13[%dma_wait3A_475] : memref<10240xf32, #tpu.memory_space<vmem_shared>> -> memref<10240xf32, #tpu.memory_space<vmem_shared>>
      tpu.wait_indirect_dma semaphore(%arg25 : memref<!tpu.dma_semaphore, #tpu.memory_space<semaphore_mem>>) src(%arg10 : memref<64xf32, #tpu.memory_space<vmem>>) dst(%dma_wait3A_476 : memref<10240xf32, #tpu.memory_space<vmem_shared>>)
      %lt3A_477 = arith.constant 9 : i32
      %lt3A_478 = arith.cmpi slt, %scan3A_276, %lt3A_477 : i32
      %convert_element_type3A_479 = arith.extui %lt3A_478 : i1 to i32
      %cond3A_480 = arith.constant 0 : i32
      %cond3A_481 = arith.cmpi ne, %convert_element_type3A_479, %cond3A_480 : i32
      scf.if %cond3A_481 {
        %add3A_482 = arith.constant 4 : i32
        %add3A_483 = arith.addi %add3A_433, %add3A_482 : i32
        %dma_start3A_484 = arith.constant 3 : i32
        %dma_start3A_485 = arith.constant 0 : i32
        %dma_start3A_486 = arith.constant 0 : i32
        %dma_start3A_487 = tpu.memref_slice %arg9[%dma_start3A_484, %dma_start3A_485, %dma_start3A_486] : memref<4x64x128xf32, #tpu.memory_space<vmem>> -> memref<1x64x128xf32, #tpu.memory_space<vmem>>
        %dma_start3A_488 = tpu.memref_squeeze %dma_start3A_487 : memref<1x64x128xf32, #tpu.memory_space<vmem>> -> memref<64x128xf32, #tpu.memory_space<vmem>>
        %dma_start3A_489 = arith.constant 0 : i32
        %dma_start3A_490 = tpu.memref_slice %arg7[%add3A_483, %dma_start3A_489] : memref<40x64xi32, #tpu.memory_space<vmem>> -> memref<1x64xi32, #tpu.memory_space<vmem>>
        %dma_start3A_491 = tpu.memref_squeeze %dma_start3A_490 : memref<1x64xi32, #tpu.memory_space<vmem>> -> memref<64xi32, #tpu.memory_space<vmem>>
        %dma_start3A_492 = arith.constant 0 : i32
        %dma_start3A_493 = arith.constant 0 : i32
        %dma_start3A_494 = tpu.memref_slice %arg2[%dma_start3A_492, %dma_start3A_493] : memref<10000x128xf32, #tpu.memory_space<hbm>> -> memref<10000x128xf32, #tpu.memory_space<hbm>>
        tpu.enqueue_indirect_dma source(%dma_start3A_494 : memref<10000x128xf32, #tpu.memory_space<hbm>>) target(%dma_start3A_488 : memref<64x128xf32, #tpu.memory_space<vmem>>) offsets(%dma_start3A_491 : memref<64xi32, #tpu.memory_space<vmem>>) semaphore(%arg17 : memref<!tpu.dma_semaphore, #tpu.memory_space<semaphore_mem>>)
      } else {
      }
    }
    %scan3A_206 = arith.constant 10 : i32
    "tpu.region"() ({
      %run_scoped3A_276 = tpu.sem_alloc : memref<!tpu.dma_semaphore, #tpu.memory_space<semaphore_mem>>
      %dma_start3A_277 = arith.constant 120 : i32
      %dma_start3A_278 = arith.constant 0 : i32
      %dma_start3A_279 = tpu.memref_slice %arg3[%add3A, %dma_start3A_277, %dma_start3A_278] : memref<32x160x64xi32, #tpu.memory_space<hbm>> -> memref<1x40x64xi32, #tpu.memory_space<hbm>>
      %dma_start3A_280 = tpu.memref_squeeze %dma_start3A_279 : memref<1x40x64xi32, #tpu.memory_space<hbm>> -> memref<40x64xi32, #tpu.memory_space<hbm>>
      %dma_start3A_281 = arith.constant 120 : i32
      %dma_start3A_282 = arith.constant 0 : i32
      %dma_start3A_283 = tpu.memref_slice %arg3[%add3A, %dma_start3A_281, %dma_start3A_282] : memref<32x160x64xi32, #tpu.memory_space<hbm>> -> memref<1x40x64xi32, #tpu.memory_space<hbm>>
      %dma_start3A_284 = tpu.memref_squeeze %dma_start3A_283 : memref<1x40x64xi32, #tpu.memory_space<hbm>> -> memref<40x64xi32, #tpu.memory_space<hbm>>
      tpu.enqueue_dma source(%dma_start3A_284 : memref<40x64xi32, #tpu.memory_space<hbm>>) target(%arg7 : memref<40x64xi32, #tpu.memory_space<vmem>>) target_semaphore(%run_scoped3A_276 : memref<!tpu.dma_semaphore, #tpu.memory_space<semaphore_mem>>)
      %dma_wait3A_285 = arith.constant 120 : i32
      %dma_wait3A_286 = arith.constant 0 : i32
      %dma_wait3A_287 = tpu.memref_slice %arg3[%add3A, %dma_wait3A_285, %dma_wait3A_286] : memref<32x160x64xi32, #tpu.memory_space<hbm>> -> memref<1x40x64xi32, #tpu.memory_space<hbm>>
      %dma_wait3A_288 = tpu.memref_squeeze %dma_wait3A_287 : memref<1x40x64xi32, #tpu.memory_space<hbm>> -> memref<40x64xi32, #tpu.memory_space<hbm>>
      %dma_wait3A_289 = arith.constant 120 : i32
      %dma_wait3A_290 = arith.constant 0 : i32
      %dma_wait3A_291 = tpu.memref_slice %arg3[%add3A, %dma_wait3A_289, %dma_wait3A_290] : memref<32x160x64xi32, #tpu.memory_space<hbm>> -> memref<1x40x64xi32, #tpu.memory_space<hbm>>
      %dma_wait3A_292 = tpu.memref_squeeze %dma_wait3A_291 : memref<1x40x64xi32, #tpu.memory_space<hbm>> -> memref<40x64xi32, #tpu.memory_space<hbm>>
      tpu.wait_dma2 semaphore(%run_scoped3A_276 : memref<!tpu.dma_semaphore, #tpu.memory_space<semaphore_mem>>) src(%dma_wait3A_292 : memref<40x64xi32, #tpu.memory_space<hbm>>) dst(%arg7 : memref<40x64xi32, #tpu.memory_space<vmem>>)
      tpu.yield
    }) : () -> ()
    "tpu.region"() ({
      %run_scoped3A_276 = tpu.sem_alloc : memref<!tpu.dma_semaphore, #tpu.memory_space<semaphore_mem>>
      %dma_start3A_277 = arith.constant 120 : i32
      %dma_start3A_278 = arith.constant 0 : i32
      %dma_start3A_279 = tpu.memref_slice %arg4[%add3A, %dma_start3A_277, %dma_start3A_278] : memref<32x160x64xi32, #tpu.memory_space<hbm>> -> memref<1x40x64xi32, #tpu.memory_space<hbm>>
      %dma_start3A_280 = tpu.memref_squeeze %dma_start3A_279 : memref<1x40x64xi32, #tpu.memory_space<hbm>> -> memref<40x64xi32, #tpu.memory_space<hbm>>
      %dma_start3A_281 = arith.constant 120 : i32
      %dma_start3A_282 = arith.constant 0 : i32
      %dma_start3A_283 = tpu.memref_slice %arg4[%add3A, %dma_start3A_281, %dma_start3A_282] : memref<32x160x64xi32, #tpu.memory_space<hbm>> -> memref<1x40x64xi32, #tpu.memory_space<hbm>>
      %dma_start3A_284 = tpu.memref_squeeze %dma_start3A_283 : memref<1x40x64xi32, #tpu.memory_space<hbm>> -> memref<40x64xi32, #tpu.memory_space<hbm>>
      tpu.enqueue_dma source(%dma_start3A_284 : memref<40x64xi32, #tpu.memory_space<hbm>>) target(%arg8 : memref<40x64xi32, #tpu.memory_space<vmem>>) target_semaphore(%run_scoped3A_276 : memref<!tpu.dma_semaphore, #tpu.memory_space<semaphore_mem>>)
      %dma_wait3A_285 = arith.constant 120 : i32
      %dma_wait3A_286 = arith.constant 0 : i32
      %dma_wait3A_287 = tpu.memref_slice %arg4[%add3A, %dma_wait3A_285, %dma_wait3A_286] : memref<32x160x64xi32, #tpu.memory_space<hbm>> -> memref<1x40x64xi32, #tpu.memory_space<hbm>>
      %dma_wait3A_288 = tpu.memref_squeeze %dma_wait3A_287 : memref<1x40x64xi32, #tpu.memory_space<hbm>> -> memref<40x64xi32, #tpu.memory_space<hbm>>
      %dma_wait3A_289 = arith.constant 120 : i32
      %dma_wait3A_290 = arith.constant 0 : i32
      %dma_wait3A_291 = tpu.memref_slice %arg4[%add3A, %dma_wait3A_289, %dma_wait3A_290] : memref<32x160x64xi32, #tpu.memory_space<hbm>> -> memref<1x40x64xi32, #tpu.memory_space<hbm>>
      %dma_wait3A_292 = tpu.memref_squeeze %dma_wait3A_291 : memref<1x40x64xi32, #tpu.memory_space<hbm>> -> memref<40x64xi32, #tpu.memory_space<hbm>>
      tpu.wait_dma2 semaphore(%run_scoped3A_276 : memref<!tpu.dma_semaphore, #tpu.memory_space<semaphore_mem>>) src(%dma_wait3A_292 : memref<40x64xi32, #tpu.memory_space<hbm>>) dst(%arg8 : memref<40x64xi32, #tpu.memory_space<vmem>>)
      tpu.yield
    }) : () -> ()
    %dma_start3A_207 = arith.constant 0 : i32
    %dma_start3A_208 = arith.constant 0 : i32
    %dma_start3A_209 = arith.constant 0 : i32
    %dma_start3A_210 = arith.constant 0 : i32
    %dma_start3A_211 = tpu.memref_slice %arg9[%dma_start3A_208, %dma_start3A_209, %dma_start3A_210] : memref<4x64x128xf32, #tpu.memory_space<vmem>> -> memref<1x64x128xf32, #tpu.memory_space<vmem>>
    %dma_start3A_212 = tpu.memref_squeeze %dma_start3A_211 : memref<1x64x128xf32, #tpu.memory_space<vmem>> -> memref<64x128xf32, #tpu.memory_space<vmem>>
    %dma_start3A_213 = arith.constant 0 : i32
    %dma_start3A_214 = tpu.memref_slice %arg7[%dma_start3A_207, %dma_start3A_213] : memref<40x64xi32, #tpu.memory_space<vmem>> -> memref<1x64xi32, #tpu.memory_space<vmem>>
    %dma_start3A_215 = tpu.memref_squeeze %dma_start3A_214 : memref<1x64xi32, #tpu.memory_space<vmem>> -> memref<64xi32, #tpu.memory_space<vmem>>
    %dma_start3A_216 = arith.constant 0 : i32
    %dma_start3A_217 = arith.constant 0 : i32
    %dma_start3A_218 = tpu.memref_slice %arg2[%dma_start3A_216, %dma_start3A_217] : memref<10000x128xf32, #tpu.memory_space<hbm>> -> memref<10000x128xf32, #tpu.memory_space<hbm>>
    tpu.enqueue_indirect_dma source(%dma_start3A_218 : memref<10000x128xf32, #tpu.memory_space<hbm>>) target(%dma_start3A_212 : memref<64x128xf32, #tpu.memory_space<vmem>>) offsets(%dma_start3A_215 : memref<64xi32, #tpu.memory_space<vmem>>) semaphore(%arg14 : memref<!tpu.dma_semaphore, #tpu.memory_space<semaphore_mem>>)
    %dma_start3A_219 = arith.constant 1 : i32
    %dma_start3A_220 = arith.constant 1 : i32
    %dma_start3A_221 = arith.constant 0 : i32
    %dma_start3A_222 = arith.constant 0 : i32
    %dma_start3A_223 = tpu.memref_slice %arg9[%dma_start3A_220, %dma_start3A_221, %dma_start3A_222] : memref<4x64x128xf32, #tpu.memory_space<vmem>> -> memref<1x64x128xf32, #tpu.memory_space<vmem>>
    %dma_start3A_224 = tpu.memref_squeeze %dma_start3A_223 : memref<1x64x128xf32, #tpu.memory_space<vmem>> -> memref<64x128xf32, #tpu.memory_space<vmem>>
    %dma_start3A_225 = arith.constant 0 : i32
    %dma_start3A_226 = tpu.memref_slice %arg7[%dma_start3A_219, %dma_start3A_225] : memref<40x64xi32, #tpu.memory_space<vmem>> -> memref<1x64xi32, #tpu.memory_space<vmem>>
    %dma_start3A_227 = tpu.memref_squeeze %dma_start3A_226 : memref<1x64xi32, #tpu.memory_space<vmem>> -> memref<64xi32, #tpu.memory_space<vmem>>
    %dma_start3A_228 = arith.constant 0 : i32
    %dma_start3A_229 = arith.constant 0 : i32
    %dma_start3A_230 = tpu.memref_slice %arg2[%dma_start3A_228, %dma_start3A_229] : memref<10000x128xf32, #tpu.memory_space<hbm>> -> memref<10000x128xf32, #tpu.memory_space<hbm>>
    tpu.enqueue_indirect_dma source(%dma_start3A_230 : memref<10000x128xf32, #tpu.memory_space<hbm>>) target(%dma_start3A_224 : memref<64x128xf32, #tpu.memory_space<vmem>>) offsets(%dma_start3A_227 : memref<64xi32, #tpu.memory_space<vmem>>) semaphore(%arg15 : memref<!tpu.dma_semaphore, #tpu.memory_space<semaphore_mem>>)
    %dma_start3A_231 = arith.constant 2 : i32
    %dma_start3A_232 = arith.constant 2 : i32
    %dma_start3A_233 = arith.constant 0 : i32
    %dma_start3A_234 = arith.constant 0 : i32
    %dma_start3A_235 = tpu.memref_slice %arg9[%dma_start3A_232, %dma_start3A_233, %dma_start3A_234] : memref<4x64x128xf32, #tpu.memory_space<vmem>> -> memref<1x64x128xf32, #tpu.memory_space<vmem>>
    %dma_start3A_236 = tpu.memref_squeeze %dma_start3A_235 : memref<1x64x128xf32, #tpu.memory_space<vmem>> -> memref<64x128xf32, #tpu.memory_space<vmem>>
    %dma_start3A_237 = arith.constant 0 : i32
    %dma_start3A_238 = tpu.memref_slice %arg7[%dma_start3A_231, %dma_start3A_237] : memref<40x64xi32, #tpu.memory_space<vmem>> -> memref<1x64xi32, #tpu.memory_space<vmem>>
    %dma_start3A_239 = tpu.memref_squeeze %dma_start3A_238 : memref<1x64xi32, #tpu.memory_space<vmem>> -> memref<64xi32, #tpu.memory_space<vmem>>
    %dma_start3A_240 = arith.constant 0 : i32
    %dma_start3A_241 = arith.constant 0 : i32
    %dma_start3A_242 = tpu.memref_slice %arg2[%dma_start3A_240, %dma_start3A_241] : memref<10000x128xf32, #tpu.memory_space<hbm>> -> memref<10000x128xf32, #tpu.memory_space<hbm>>
    tpu.enqueue_indirect_dma source(%dma_start3A_242 : memref<10000x128xf32, #tpu.memory_space<hbm>>) target(%dma_start3A_236 : memref<64x128xf32, #tpu.memory_space<vmem>>) offsets(%dma_start3A_239 : memref<64xi32, #tpu.memory_space<vmem>>) semaphore(%arg16 : memref<!tpu.dma_semaphore, #tpu.memory_space<semaphore_mem>>)
    %dma_start3A_243 = arith.constant 3 : i32
    %dma_start3A_244 = arith.constant 3 : i32
    %dma_start3A_245 = arith.constant 0 : i32
    %dma_start3A_246 = arith.constant 0 : i32
    %dma_start3A_247 = tpu.memref_slice %arg9[%dma_start3A_244, %dma_start3A_245, %dma_start3A_246] : memref<4x64x128xf32, #tpu.memory_space<vmem>> -> memref<1x64x128xf32, #tpu.memory_space<vmem>>
    %dma_start3A_248 = tpu.memref_squeeze %dma_start3A_247 : memref<1x64x128xf32, #tpu.memory_space<vmem>> -> memref<64x128xf32, #tpu.memory_space<vmem>>
    %dma_start3A_249 = arith.constant 0 : i32
    %dma_start3A_250 = tpu.memref_slice %arg7[%dma_start3A_243, %dma_start3A_249] : memref<40x64xi32, #tpu.memory_space<vmem>> -> memref<1x64xi32, #tpu.memory_space<vmem>>
    %dma_start3A_251 = tpu.memref_squeeze %dma_start3A_250 : memref<1x64xi32, #tpu.memory_space<vmem>> -> memref<64xi32, #tpu.memory_space<vmem>>
    %dma_start3A_252 = arith.constant 0 : i32
    %dma_start3A_253 = arith.constant 0 : i32
    %dma_start3A_254 = tpu.memref_slice %arg2[%dma_start3A_252, %dma_start3A_253] : memref<10000x128xf32, #tpu.memory_space<hbm>> -> memref<10000x128xf32, #tpu.memory_space<hbm>>
    tpu.enqueue_indirect_dma source(%dma_start3A_254 : memref<10000x128xf32, #tpu.memory_space<hbm>>) target(%dma_start3A_248 : memref<64x128xf32, #tpu.memory_space<vmem>>) offsets(%dma_start3A_251 : memref<64xi32, #tpu.memory_space<vmem>>) semaphore(%arg17 : memref<!tpu.dma_semaphore, #tpu.memory_space<semaphore_mem>>)
    %scan3A_255 = arith.constant 0 : i32
    %scan3A_256 = arith.constant 10 : i32
    %scan3A_257 = arith.addi %scan3A_255, %scan3A_256 : i32
    %scan3A_258 = arith.constant 1 : i32
    scf.for %scan3A_276 = %scan3A_255 to %scan3A_257 step %scan3A_258  : i32 {
      %mul3A_277 = arith.constant 4 : i32
      %mul3A_278 = arith.muli %scan3A_276, %mul3A_277 : i32
      %add3A_279 = arith.constant 0 : i32
      %add3A_280 = arith.addi %mul3A_278, %add3A_279 : i32
      %dma_wait3A_281 = arith.constant 0 : i32
      %dma_wait3A_282 = arith.constant 0 : i32
      %dma_wait3A_283 = arith.constant 0 : i32
      %dma_wait3A_284 = tpu.memref_slice %arg9[%dma_wait3A_281, %dma_wait3A_282, %dma_wait3A_283] : memref<4x64x128xf32, #tpu.memory_space<vmem>> -> memref<1x64x128xf32, #tpu.memory_space<vmem>>
      %dma_wait3A_285 = tpu.memref_squeeze %dma_wait3A_284 : memref<1x64x128xf32, #tpu.memory_space<vmem>> -> memref<64x128xf32, #tpu.memory_space<vmem>>
      %dma_wait3A_286 = arith.constant 0 : i32
      %dma_wait3A_287 = tpu.memref_slice %arg7[%add3A_280, %dma_wait3A_286] : memref<40x64xi32, #tpu.memory_space<vmem>> -> memref<1x64xi32, #tpu.memory_space<vmem>>
      %dma_wait3A_288 = tpu.memref_squeeze %dma_wait3A_287 : memref<1x64xi32, #tpu.memory_space<vmem>> -> memref<64xi32, #tpu.memory_space<vmem>>
      %dma_wait3A_289 = arith.constant 0 : i32
      %dma_wait3A_290 = arith.constant 0 : i32
      %dma_wait3A_291 = tpu.memref_slice %arg2[%dma_wait3A_289, %dma_wait3A_290] : memref<10000x128xf32, #tpu.memory_space<hbm>> -> memref<10000x128xf32, #tpu.memory_space<hbm>>
      tpu.wait_indirect_dma semaphore(%arg14 : memref<!tpu.dma_semaphore, #tpu.memory_space<semaphore_mem>>) src(%dma_wait3A_291 : memref<10000x128xf32, #tpu.memory_space<hbm>>) dst(%dma_wait3A_285 : memref<64x128xf32, #tpu.memory_space<vmem>>)
      %dma_start3A_292 = arith.constant 0 : i32
      %dma_start3A_293 = arith.constant 0 : i32
      %dma_start3A_294 = arith.constant 0 : i32
      %dma_start3A_295 = tpu.memref_slice %arg9[%dma_start3A_292, %dma_start3A_293, %dma_start3A_294] : memref<4x64x128xf32, #tpu.memory_space<vmem>> -> memref<1x64x128xf32, #tpu.memory_space<vmem>>
      %dma_start3A_296 = tpu.memref_squeeze %dma_start3A_295 : memref<1x64x128xf32, #tpu.memory_space<vmem>> -> memref<64x128xf32, #tpu.memory_space<vmem>>
      %dma_start3A_297 = arith.constant 0 : i32
      %dma_start3A_298 = tpu.memref_slice %arg8[%add3A_280, %dma_start3A_297] : memref<40x64xi32, #tpu.memory_space<vmem>> -> memref<1x64xi32, #tpu.memory_space<vmem>>
      %dma_start3A_299 = tpu.memref_squeeze %dma_start3A_298 : memref<1x64xi32, #tpu.memory_space<vmem>> -> memref<64xi32, #tpu.memory_space<vmem>>
      %dma_start3A_300 = arith.constant 0 : i32
      %dma_start3A_301 = arith.constant 0 : i32
      %dma_start3A_302 = tpu.memref_slice %arg12[%dma_start3A_300, %dma_start3A_301] : memref<10240x128xf32, #tpu.memory_space<vmem_shared>> -> memref<10240x128xf32, #tpu.memory_space<vmem_shared>>
      tpu.enqueue_indirect_dma source(%dma_start3A_296 : memref<64x128xf32, #tpu.memory_space<vmem>>) target(%dma_start3A_302 : memref<10240x128xf32, #tpu.memory_space<vmem_shared>>) offsets(%dma_start3A_299 : memref<64xi32, #tpu.memory_space<vmem>>) semaphore(%arg18 : memref<!tpu.dma_semaphore, #tpu.memory_space<semaphore_mem>>) {add = true}
      %dma_start3A_303 = arith.constant 0 : i32
      %dma_start3A_304 = tpu.memref_slice %arg8[%add3A_280, %dma_start3A_303] : memref<40x64xi32, #tpu.memory_space<vmem>> -> memref<1x64xi32, #tpu.memory_space<vmem>>
      %dma_start3A_305 = tpu.memref_squeeze %dma_start3A_304 : memref<1x64xi32, #tpu.memory_space<vmem>> -> memref<64xi32, #tpu.memory_space<vmem>>
      %dma_start3A_306 = arith.constant 0 : i32
      %dma_start3A_307 = tpu.memref_slice %arg13[%dma_start3A_306] : memref<10240xf32, #tpu.memory_space<vmem_shared>> -> memref<10240xf32, #tpu.memory_space<vmem_shared>>
      tpu.enqueue_indirect_dma source(%arg10 : memref<64xf32, #tpu.memory_space<vmem>>) target(%dma_start3A_307 : memref<10240xf32, #tpu.memory_space<vmem_shared>>) offsets(%dma_start3A_305 : memref<64xi32, #tpu.memory_space<vmem>>) semaphore(%arg22 : memref<!tpu.dma_semaphore, #tpu.memory_space<semaphore_mem>>) {add = true}
      %dma_wait3A_308 = arith.constant 0 : i32
      %dma_wait3A_309 = arith.constant 0 : i32
      %dma_wait3A_310 = arith.constant 0 : i32
      %dma_wait3A_311 = tpu.memref_slice %arg9[%dma_wait3A_308, %dma_wait3A_309, %dma_wait3A_310] : memref<4x64x128xf32, #tpu.memory_space<vmem>> -> memref<1x64x128xf32, #tpu.memory_space<vmem>>
      %dma_wait3A_312 = tpu.memref_squeeze %dma_wait3A_311 : memref<1x64x128xf32, #tpu.memory_space<vmem>> -> memref<64x128xf32, #tpu.memory_space<vmem>>
      %dma_wait3A_313 = arith.constant 0 : i32
      %dma_wait3A_314 = tpu.memref_slice %arg8[%add3A_280, %dma_wait3A_313] : memref<40x64xi32, #tpu.memory_space<vmem>> -> memref<1x64xi32, #tpu.memory_space<vmem>>
      %dma_wait3A_315 = tpu.memref_squeeze %dma_wait3A_314 : memref<1x64xi32, #tpu.memory_space<vmem>> -> memref<64xi32, #tpu.memory_space<vmem>>
      %dma_wait3A_316 = arith.constant 0 : i32
      %dma_wait3A_317 = arith.constant 0 : i32
      %dma_wait3A_318 = tpu.memref_slice %arg12[%dma_wait3A_316, %dma_wait3A_317] : memref<10240x128xf32, #tpu.memory_space<vmem_shared>> -> memref<10240x128xf32, #tpu.memory_space<vmem_shared>>
      tpu.wait_indirect_dma semaphore(%arg18 : memref<!tpu.dma_semaphore, #tpu.memory_space<semaphore_mem>>) src(%dma_wait3A_312 : memref<64x128xf32, #tpu.memory_space<vmem>>) dst(%dma_wait3A_318 : memref<10240x128xf32, #tpu.memory_space<vmem_shared>>)
      %dma_wait3A_319 = arith.constant 0 : i32
      %dma_wait3A_320 = tpu.memref_slice %arg8[%add3A_280, %dma_wait3A_319] : memref<40x64xi32, #tpu.memory_space<vmem>> -> memref<1x64xi32, #tpu.memory_space<vmem>>
      %dma_wait3A_321 = tpu.memref_squeeze %dma_wait3A_320 : memref<1x64xi32, #tpu.memory_space<vmem>> -> memref<64xi32, #tpu.memory_space<vmem>>
      %dma_wait3A_322 = arith.constant 0 : i32
      %dma_wait3A_323 = tpu.memref_slice %arg13[%dma_wait3A_322] : memref<10240xf32, #tpu.memory_space<vmem_shared>> -> memref<10240xf32, #tpu.memory_space<vmem_shared>>
      tpu.wait_indirect_dma semaphore(%arg22 : memref<!tpu.dma_semaphore, #tpu.memory_space<semaphore_mem>>) src(%arg10 : memref<64xf32, #tpu.memory_space<vmem>>) dst(%dma_wait3A_323 : memref<10240xf32, #tpu.memory_space<vmem_shared>>)
      %lt3A = arith.constant 9 : i32
      %lt3A_324 = arith.cmpi slt, %scan3A_276, %lt3A : i32
      %convert_element_type3A = arith.extui %lt3A_324 : i1 to i32
      %cond3A = arith.constant 0 : i32
      %cond3A_325 = arith.cmpi ne, %convert_element_type3A, %cond3A : i32
      scf.if %cond3A_325 {
        %add3A_482 = arith.constant 4 : i32
        %add3A_483 = arith.addi %add3A_280, %add3A_482 : i32
        %dma_start3A_484 = arith.constant 0 : i32
        %dma_start3A_485 = arith.constant 0 : i32
        %dma_start3A_486 = arith.constant 0 : i32
        %dma_start3A_487 = tpu.memref_slice %arg9[%dma_start3A_484, %dma_start3A_485, %dma_start3A_486] : memref<4x64x128xf32, #tpu.memory_space<vmem>> -> memref<1x64x128xf32, #tpu.memory_space<vmem>>
        %dma_start3A_488 = tpu.memref_squeeze %dma_start3A_487 : memref<1x64x128xf32, #tpu.memory_space<vmem>> -> memref<64x128xf32, #tpu.memory_space<vmem>>
        %dma_start3A_489 = arith.constant 0 : i32
        %dma_start3A_490 = tpu.memref_slice %arg7[%add3A_483, %dma_start3A_489] : memref<40x64xi32, #tpu.memory_space<vmem>> -> memref<1x64xi32, #tpu.memory_space<vmem>>
        %dma_start3A_491 = tpu.memref_squeeze %dma_start3A_490 : memref<1x64xi32, #tpu.memory_space<vmem>> -> memref<64xi32, #tpu.memory_space<vmem>>
        %dma_start3A_492 = arith.constant 0 : i32
        %dma_start3A_493 = arith.constant 0 : i32
        %dma_start3A_494 = tpu.memref_slice %arg2[%dma_start3A_492, %dma_start3A_493] : memref<10000x128xf32, #tpu.memory_space<hbm>> -> memref<10000x128xf32, #tpu.memory_space<hbm>>
        tpu.enqueue_indirect_dma source(%dma_start3A_494 : memref<10000x128xf32, #tpu.memory_space<hbm>>) target(%dma_start3A_488 : memref<64x128xf32, #tpu.memory_space<vmem>>) offsets(%dma_start3A_491 : memref<64xi32, #tpu.memory_space<vmem>>) semaphore(%arg14 : memref<!tpu.dma_semaphore, #tpu.memory_space<semaphore_mem>>)
      } else {
      }
      %mul3A_326 = arith.constant 4 : i32
      %mul3A_327 = arith.muli %scan3A_276, %mul3A_326 : i32
      %add3A_328 = arith.constant 1 : i32
      %add3A_329 = arith.addi %mul3A_327, %add3A_328 : i32
      %dma_wait3A_330 = arith.constant 1 : i32
      %dma_wait3A_331 = arith.constant 0 : i32
      %dma_wait3A_332 = arith.constant 0 : i32
      %dma_wait3A_333 = tpu.memref_slice %arg9[%dma_wait3A_330, %dma_wait3A_331, %dma_wait3A_332] : memref<4x64x128xf32, #tpu.memory_space<vmem>> -> memref<1x64x128xf32, #tpu.memory_space<vmem>>
      %dma_wait3A_334 = tpu.memref_squeeze %dma_wait3A_333 : memref<1x64x128xf32, #tpu.memory_space<vmem>> -> memref<64x128xf32, #tpu.memory_space<vmem>>
      %dma_wait3A_335 = arith.constant 0 : i32
      %dma_wait3A_336 = tpu.memref_slice %arg7[%add3A_329, %dma_wait3A_335] : memref<40x64xi32, #tpu.memory_space<vmem>> -> memref<1x64xi32, #tpu.memory_space<vmem>>
      %dma_wait3A_337 = tpu.memref_squeeze %dma_wait3A_336 : memref<1x64xi32, #tpu.memory_space<vmem>> -> memref<64xi32, #tpu.memory_space<vmem>>
      %dma_wait3A_338 = arith.constant 0 : i32
      %dma_wait3A_339 = arith.constant 0 : i32
      %dma_wait3A_340 = tpu.memref_slice %arg2[%dma_wait3A_338, %dma_wait3A_339] : memref<10000x128xf32, #tpu.memory_space<hbm>> -> memref<10000x128xf32, #tpu.memory_space<hbm>>
      tpu.wait_indirect_dma semaphore(%arg15 : memref<!tpu.dma_semaphore, #tpu.memory_space<semaphore_mem>>) src(%dma_wait3A_340 : memref<10000x128xf32, #tpu.memory_space<hbm>>) dst(%dma_wait3A_334 : memref<64x128xf32, #tpu.memory_space<vmem>>)
      %dma_start3A_341 = arith.constant 1 : i32
      %dma_start3A_342 = arith.constant 0 : i32
      %dma_start3A_343 = arith.constant 0 : i32
      %dma_start3A_344 = tpu.memref_slice %arg9[%dma_start3A_341, %dma_start3A_342, %dma_start3A_343] : memref<4x64x128xf32, #tpu.memory_space<vmem>> -> memref<1x64x128xf32, #tpu.memory_space<vmem>>
      %dma_start3A_345 = tpu.memref_squeeze %dma_start3A_344 : memref<1x64x128xf32, #tpu.memory_space<vmem>> -> memref<64x128xf32, #tpu.memory_space<vmem>>
      %dma_start3A_346 = arith.constant 0 : i32
      %dma_start3A_347 = tpu.memref_slice %arg8[%add3A_329, %dma_start3A_346] : memref<40x64xi32, #tpu.memory_space<vmem>> -> memref<1x64xi32, #tpu.memory_space<vmem>>
      %dma_start3A_348 = tpu.memref_squeeze %dma_start3A_347 : memref<1x64xi32, #tpu.memory_space<vmem>> -> memref<64xi32, #tpu.memory_space<vmem>>
      %dma_start3A_349 = arith.constant 0 : i32
      %dma_start3A_350 = arith.constant 0 : i32
      %dma_start3A_351 = tpu.memref_slice %arg12[%dma_start3A_349, %dma_start3A_350] : memref<10240x128xf32, #tpu.memory_space<vmem_shared>> -> memref<10240x128xf32, #tpu.memory_space<vmem_shared>>
      tpu.enqueue_indirect_dma source(%dma_start3A_345 : memref<64x128xf32, #tpu.memory_space<vmem>>) target(%dma_start3A_351 : memref<10240x128xf32, #tpu.memory_space<vmem_shared>>) offsets(%dma_start3A_348 : memref<64xi32, #tpu.memory_space<vmem>>) semaphore(%arg19 : memref<!tpu.dma_semaphore, #tpu.memory_space<semaphore_mem>>) {add = true}
      %dma_start3A_352 = arith.constant 0 : i32
      %dma_start3A_353 = tpu.memref_slice %arg8[%add3A_329, %dma_start3A_352] : memref<40x64xi32, #tpu.memory_space<vmem>> -> memref<1x64xi32, #tpu.memory_space<vmem>>
      %dma_start3A_354 = tpu.memref_squeeze %dma_start3A_353 : memref<1x64xi32, #tpu.memory_space<vmem>> -> memref<64xi32, #tpu.memory_space<vmem>>
      %dma_start3A_355 = arith.constant 0 : i32
      %dma_start3A_356 = tpu.memref_slice %arg13[%dma_start3A_355] : memref<10240xf32, #tpu.memory_space<vmem_shared>> -> memref<10240xf32, #tpu.memory_space<vmem_shared>>
      tpu.enqueue_indirect_dma source(%arg10 : memref<64xf32, #tpu.memory_space<vmem>>) target(%dma_start3A_356 : memref<10240xf32, #tpu.memory_space<vmem_shared>>) offsets(%dma_start3A_354 : memref<64xi32, #tpu.memory_space<vmem>>) semaphore(%arg23 : memref<!tpu.dma_semaphore, #tpu.memory_space<semaphore_mem>>) {add = true}
      %dma_wait3A_357 = arith.constant 1 : i32
      %dma_wait3A_358 = arith.constant 0 : i32
      %dma_wait3A_359 = arith.constant 0 : i32
      %dma_wait3A_360 = tpu.memref_slice %arg9[%dma_wait3A_357, %dma_wait3A_358, %dma_wait3A_359] : memref<4x64x128xf32, #tpu.memory_space<vmem>> -> memref<1x64x128xf32, #tpu.memory_space<vmem>>
      %dma_wait3A_361 = tpu.memref_squeeze %dma_wait3A_360 : memref<1x64x128xf32, #tpu.memory_space<vmem>> -> memref<64x128xf32, #tpu.memory_space<vmem>>
      %dma_wait3A_362 = arith.constant 0 : i32
      %dma_wait3A_363 = tpu.memref_slice %arg8[%add3A_329, %dma_wait3A_362] : memref<40x64xi32, #tpu.memory_space<vmem>> -> memref<1x64xi32, #tpu.memory_space<vmem>>
      %dma_wait3A_364 = tpu.memref_squeeze %dma_wait3A_363 : memref<1x64xi32, #tpu.memory_space<vmem>> -> memref<64xi32, #tpu.memory_space<vmem>>
      %dma_wait3A_365 = arith.constant 0 : i32
      %dma_wait3A_366 = arith.constant 0 : i32
      %dma_wait3A_367 = tpu.memref_slice %arg12[%dma_wait3A_365, %dma_wait3A_366] : memref<10240x128xf32, #tpu.memory_space<vmem_shared>> -> memref<10240x128xf32, #tpu.memory_space<vmem_shared>>
      tpu.wait_indirect_dma semaphore(%arg19 : memref<!tpu.dma_semaphore, #tpu.memory_space<semaphore_mem>>) src(%dma_wait3A_361 : memref<64x128xf32, #tpu.memory_space<vmem>>) dst(%dma_wait3A_367 : memref<10240x128xf32, #tpu.memory_space<vmem_shared>>)
      %dma_wait3A_368 = arith.constant 0 : i32
      %dma_wait3A_369 = tpu.memref_slice %arg8[%add3A_329, %dma_wait3A_368] : memref<40x64xi32, #tpu.memory_space<vmem>> -> memref<1x64xi32, #tpu.memory_space<vmem>>
      %dma_wait3A_370 = tpu.memref_squeeze %dma_wait3A_369 : memref<1x64xi32, #tpu.memory_space<vmem>> -> memref<64xi32, #tpu.memory_space<vmem>>
      %dma_wait3A_371 = arith.constant 0 : i32
      %dma_wait3A_372 = tpu.memref_slice %arg13[%dma_wait3A_371] : memref<10240xf32, #tpu.memory_space<vmem_shared>> -> memref<10240xf32, #tpu.memory_space<vmem_shared>>
      tpu.wait_indirect_dma semaphore(%arg23 : memref<!tpu.dma_semaphore, #tpu.memory_space<semaphore_mem>>) src(%arg10 : memref<64xf32, #tpu.memory_space<vmem>>) dst(%dma_wait3A_372 : memref<10240xf32, #tpu.memory_space<vmem_shared>>)
      %lt3A_373 = arith.constant 9 : i32
      %lt3A_374 = arith.cmpi slt, %scan3A_276, %lt3A_373 : i32
      %convert_element_type3A_375 = arith.extui %lt3A_374 : i1 to i32
      %cond3A_376 = arith.constant 0 : i32
      %cond3A_377 = arith.cmpi ne, %convert_element_type3A_375, %cond3A_376 : i32
      scf.if %cond3A_377 {
        %add3A_482 = arith.constant 4 : i32
        %add3A_483 = arith.addi %add3A_329, %add3A_482 : i32
        %dma_start3A_484 = arith.constant 1 : i32
        %dma_start3A_485 = arith.constant 0 : i32
        %dma_start3A_486 = arith.constant 0 : i32
        %dma_start3A_487 = tpu.memref_slice %arg9[%dma_start3A_484, %dma_start3A_485, %dma_start3A_486] : memref<4x64x128xf32, #tpu.memory_space<vmem>> -> memref<1x64x128xf32, #tpu.memory_space<vmem>>
        %dma_start3A_488 = tpu.memref_squeeze %dma_start3A_487 : memref<1x64x128xf32, #tpu.memory_space<vmem>> -> memref<64x128xf32, #tpu.memory_space<vmem>>
        %dma_start3A_489 = arith.constant 0 : i32
        %dma_start3A_490 = tpu.memref_slice %arg7[%add3A_483, %dma_start3A_489] : memref<40x64xi32, #tpu.memory_space<vmem>> -> memref<1x64xi32, #tpu.memory_space<vmem>>
        %dma_start3A_491 = tpu.memref_squeeze %dma_start3A_490 : memref<1x64xi32, #tpu.memory_space<vmem>> -> memref<64xi32, #tpu.memory_space<vmem>>
        %dma_start3A_492 = arith.constant 0 : i32
        %dma_start3A_493 = arith.constant 0 : i32
        %dma_start3A_494 = tpu.memref_slice %arg2[%dma_start3A_492, %dma_start3A_493] : memref<10000x128xf32, #tpu.memory_space<hbm>> -> memref<10000x128xf32, #tpu.memory_space<hbm>>
        tpu.enqueue_indirect_dma source(%dma_start3A_494 : memref<10000x128xf32, #tpu.memory_space<hbm>>) target(%dma_start3A_488 : memref<64x128xf32, #tpu.memory_space<vmem>>) offsets(%dma_start3A_491 : memref<64xi32, #tpu.memory_space<vmem>>) semaphore(%arg15 : memref<!tpu.dma_semaphore, #tpu.memory_space<semaphore_mem>>)
      } else {
      }
      %mul3A_378 = arith.constant 4 : i32
      %mul3A_379 = arith.muli %scan3A_276, %mul3A_378 : i32
      %add3A_380 = arith.constant 2 : i32
      %add3A_381 = arith.addi %mul3A_379, %add3A_380 : i32
      %dma_wait3A_382 = arith.constant 2 : i32
      %dma_wait3A_383 = arith.constant 0 : i32
      %dma_wait3A_384 = arith.constant 0 : i32
      %dma_wait3A_385 = tpu.memref_slice %arg9[%dma_wait3A_382, %dma_wait3A_383, %dma_wait3A_384] : memref<4x64x128xf32, #tpu.memory_space<vmem>> -> memref<1x64x128xf32, #tpu.memory_space<vmem>>
      %dma_wait3A_386 = tpu.memref_squeeze %dma_wait3A_385 : memref<1x64x128xf32, #tpu.memory_space<vmem>> -> memref<64x128xf32, #tpu.memory_space<vmem>>
      %dma_wait3A_387 = arith.constant 0 : i32
      %dma_wait3A_388 = tpu.memref_slice %arg7[%add3A_381, %dma_wait3A_387] : memref<40x64xi32, #tpu.memory_space<vmem>> -> memref<1x64xi32, #tpu.memory_space<vmem>>
      %dma_wait3A_389 = tpu.memref_squeeze %dma_wait3A_388 : memref<1x64xi32, #tpu.memory_space<vmem>> -> memref<64xi32, #tpu.memory_space<vmem>>
      %dma_wait3A_390 = arith.constant 0 : i32
      %dma_wait3A_391 = arith.constant 0 : i32
      %dma_wait3A_392 = tpu.memref_slice %arg2[%dma_wait3A_390, %dma_wait3A_391] : memref<10000x128xf32, #tpu.memory_space<hbm>> -> memref<10000x128xf32, #tpu.memory_space<hbm>>
      tpu.wait_indirect_dma semaphore(%arg16 : memref<!tpu.dma_semaphore, #tpu.memory_space<semaphore_mem>>) src(%dma_wait3A_392 : memref<10000x128xf32, #tpu.memory_space<hbm>>) dst(%dma_wait3A_386 : memref<64x128xf32, #tpu.memory_space<vmem>>)
      %dma_start3A_393 = arith.constant 2 : i32
      %dma_start3A_394 = arith.constant 0 : i32
      %dma_start3A_395 = arith.constant 0 : i32
      %dma_start3A_396 = tpu.memref_slice %arg9[%dma_start3A_393, %dma_start3A_394, %dma_start3A_395] : memref<4x64x128xf32, #tpu.memory_space<vmem>> -> memref<1x64x128xf32, #tpu.memory_space<vmem>>
      %dma_start3A_397 = tpu.memref_squeeze %dma_start3A_396 : memref<1x64x128xf32, #tpu.memory_space<vmem>> -> memref<64x128xf32, #tpu.memory_space<vmem>>
      %dma_start3A_398 = arith.constant 0 : i32
      %dma_start3A_399 = tpu.memref_slice %arg8[%add3A_381, %dma_start3A_398] : memref<40x64xi32, #tpu.memory_space<vmem>> -> memref<1x64xi32, #tpu.memory_space<vmem>>
      %dma_start3A_400 = tpu.memref_squeeze %dma_start3A_399 : memref<1x64xi32, #tpu.memory_space<vmem>> -> memref<64xi32, #tpu.memory_space<vmem>>
      %dma_start3A_401 = arith.constant 0 : i32
      %dma_start3A_402 = arith.constant 0 : i32
      %dma_start3A_403 = tpu.memref_slice %arg12[%dma_start3A_401, %dma_start3A_402] : memref<10240x128xf32, #tpu.memory_space<vmem_shared>> -> memref<10240x128xf32, #tpu.memory_space<vmem_shared>>
      tpu.enqueue_indirect_dma source(%dma_start3A_397 : memref<64x128xf32, #tpu.memory_space<vmem>>) target(%dma_start3A_403 : memref<10240x128xf32, #tpu.memory_space<vmem_shared>>) offsets(%dma_start3A_400 : memref<64xi32, #tpu.memory_space<vmem>>) semaphore(%arg20 : memref<!tpu.dma_semaphore, #tpu.memory_space<semaphore_mem>>) {add = true}
      %dma_start3A_404 = arith.constant 0 : i32
      %dma_start3A_405 = tpu.memref_slice %arg8[%add3A_381, %dma_start3A_404] : memref<40x64xi32, #tpu.memory_space<vmem>> -> memref<1x64xi32, #tpu.memory_space<vmem>>
      %dma_start3A_406 = tpu.memref_squeeze %dma_start3A_405 : memref<1x64xi32, #tpu.memory_space<vmem>> -> memref<64xi32, #tpu.memory_space<vmem>>
      %dma_start3A_407 = arith.constant 0 : i32
      %dma_start3A_408 = tpu.memref_slice %arg13[%dma_start3A_407] : memref<10240xf32, #tpu.memory_space<vmem_shared>> -> memref<10240xf32, #tpu.memory_space<vmem_shared>>
      tpu.enqueue_indirect_dma source(%arg10 : memref<64xf32, #tpu.memory_space<vmem>>) target(%dma_start3A_408 : memref<10240xf32, #tpu.memory_space<vmem_shared>>) offsets(%dma_start3A_406 : memref<64xi32, #tpu.memory_space<vmem>>) semaphore(%arg24 : memref<!tpu.dma_semaphore, #tpu.memory_space<semaphore_mem>>) {add = true}
      %dma_wait3A_409 = arith.constant 2 : i32
      %dma_wait3A_410 = arith.constant 0 : i32
      %dma_wait3A_411 = arith.constant 0 : i32
      %dma_wait3A_412 = tpu.memref_slice %arg9[%dma_wait3A_409, %dma_wait3A_410, %dma_wait3A_411] : memref<4x64x128xf32, #tpu.memory_space<vmem>> -> memref<1x64x128xf32, #tpu.memory_space<vmem>>
      %dma_wait3A_413 = tpu.memref_squeeze %dma_wait3A_412 : memref<1x64x128xf32, #tpu.memory_space<vmem>> -> memref<64x128xf32, #tpu.memory_space<vmem>>
      %dma_wait3A_414 = arith.constant 0 : i32
      %dma_wait3A_415 = tpu.memref_slice %arg8[%add3A_381, %dma_wait3A_414] : memref<40x64xi32, #tpu.memory_space<vmem>> -> memref<1x64xi32, #tpu.memory_space<vmem>>
      %dma_wait3A_416 = tpu.memref_squeeze %dma_wait3A_415 : memref<1x64xi32, #tpu.memory_space<vmem>> -> memref<64xi32, #tpu.memory_space<vmem>>
      %dma_wait3A_417 = arith.constant 0 : i32
      %dma_wait3A_418 = arith.constant 0 : i32
      %dma_wait3A_419 = tpu.memref_slice %arg12[%dma_wait3A_417, %dma_wait3A_418] : memref<10240x128xf32, #tpu.memory_space<vmem_shared>> -> memref<10240x128xf32, #tpu.memory_space<vmem_shared>>
      tpu.wait_indirect_dma semaphore(%arg20 : memref<!tpu.dma_semaphore, #tpu.memory_space<semaphore_mem>>) src(%dma_wait3A_413 : memref<64x128xf32, #tpu.memory_space<vmem>>) dst(%dma_wait3A_419 : memref<10240x128xf32, #tpu.memory_space<vmem_shared>>)
      %dma_wait3A_420 = arith.constant 0 : i32
      %dma_wait3A_421 = tpu.memref_slice %arg8[%add3A_381, %dma_wait3A_420] : memref<40x64xi32, #tpu.memory_space<vmem>> -> memref<1x64xi32, #tpu.memory_space<vmem>>
      %dma_wait3A_422 = tpu.memref_squeeze %dma_wait3A_421 : memref<1x64xi32, #tpu.memory_space<vmem>> -> memref<64xi32, #tpu.memory_space<vmem>>
      %dma_wait3A_423 = arith.constant 0 : i32
      %dma_wait3A_424 = tpu.memref_slice %arg13[%dma_wait3A_423] : memref<10240xf32, #tpu.memory_space<vmem_shared>> -> memref<10240xf32, #tpu.memory_space<vmem_shared>>
      tpu.wait_indirect_dma semaphore(%arg24 : memref<!tpu.dma_semaphore, #tpu.memory_space<semaphore_mem>>) src(%arg10 : memref<64xf32, #tpu.memory_space<vmem>>) dst(%dma_wait3A_424 : memref<10240xf32, #tpu.memory_space<vmem_shared>>)
      %lt3A_425 = arith.constant 9 : i32
      %lt3A_426 = arith.cmpi slt, %scan3A_276, %lt3A_425 : i32
      %convert_element_type3A_427 = arith.extui %lt3A_426 : i1 to i32
      %cond3A_428 = arith.constant 0 : i32
      %cond3A_429 = arith.cmpi ne, %convert_element_type3A_427, %cond3A_428 : i32
      scf.if %cond3A_429 {
        %add3A_482 = arith.constant 4 : i32
        %add3A_483 = arith.addi %add3A_381, %add3A_482 : i32
        %dma_start3A_484 = arith.constant 2 : i32
        %dma_start3A_485 = arith.constant 0 : i32
        %dma_start3A_486 = arith.constant 0 : i32
        %dma_start3A_487 = tpu.memref_slice %arg9[%dma_start3A_484, %dma_start3A_485, %dma_start3A_486] : memref<4x64x128xf32, #tpu.memory_space<vmem>> -> memref<1x64x128xf32, #tpu.memory_space<vmem>>
        %dma_start3A_488 = tpu.memref_squeeze %dma_start3A_487 : memref<1x64x128xf32, #tpu.memory_space<vmem>> -> memref<64x128xf32, #tpu.memory_space<vmem>>
        %dma_start3A_489 = arith.constant 0 : i32
        %dma_start3A_490 = tpu.memref_slice %arg7[%add3A_483, %dma_start3A_489] : memref<40x64xi32, #tpu.memory_space<vmem>> -> memref<1x64xi32, #tpu.memory_space<vmem>>
        %dma_start3A_491 = tpu.memref_squeeze %dma_start3A_490 : memref<1x64xi32, #tpu.memory_space<vmem>> -> memref<64xi32, #tpu.memory_space<vmem>>
        %dma_start3A_492 = arith.constant 0 : i32
        %dma_start3A_493 = arith.constant 0 : i32
        %dma_start3A_494 = tpu.memref_slice %arg2[%dma_start3A_492, %dma_start3A_493] : memref<10000x128xf32, #tpu.memory_space<hbm>> -> memref<10000x128xf32, #tpu.memory_space<hbm>>
        tpu.enqueue_indirect_dma source(%dma_start3A_494 : memref<10000x128xf32, #tpu.memory_space<hbm>>) target(%dma_start3A_488 : memref<64x128xf32, #tpu.memory_space<vmem>>) offsets(%dma_start3A_491 : memref<64xi32, #tpu.memory_space<vmem>>) semaphore(%arg16 : memref<!tpu.dma_semaphore, #tpu.memory_space<semaphore_mem>>)
      } else {
      }
      %mul3A_430 = arith.constant 4 : i32
      %mul3A_431 = arith.muli %scan3A_276, %mul3A_430 : i32
      %add3A_432 = arith.constant 3 : i32
      %add3A_433 = arith.addi %mul3A_431, %add3A_432 : i32
      %dma_wait3A_434 = arith.constant 3 : i32
      %dma_wait3A_435 = arith.constant 0 : i32
      %dma_wait3A_436 = arith.constant 0 : i32
      %dma_wait3A_437 = tpu.memref_slice %arg9[%dma_wait3A_434, %dma_wait3A_435, %dma_wait3A_436] : memref<4x64x128xf32, #tpu.memory_space<vmem>> -> memref<1x64x128xf32, #tpu.memory_space<vmem>>
      %dma_wait3A_438 = tpu.memref_squeeze %dma_wait3A_437 : memref<1x64x128xf32, #tpu.memory_space<vmem>> -> memref<64x128xf32, #tpu.memory_space<vmem>>
      %dma_wait3A_439 = arith.constant 0 : i32
      %dma_wait3A_440 = tpu.memref_slice %arg7[%add3A_433, %dma_wait3A_439] : memref<40x64xi32, #tpu.memory_space<vmem>> -> memref<1x64xi32, #tpu.memory_space<vmem>>
      %dma_wait3A_441 = tpu.memref_squeeze %dma_wait3A_440 : memref<1x64xi32, #tpu.memory_space<vmem>> -> memref<64xi32, #tpu.memory_space<vmem>>
      %dma_wait3A_442 = arith.constant 0 : i32
      %dma_wait3A_443 = arith.constant 0 : i32
      %dma_wait3A_444 = tpu.memref_slice %arg2[%dma_wait3A_442, %dma_wait3A_443] : memref<10000x128xf32, #tpu.memory_space<hbm>> -> memref<10000x128xf32, #tpu.memory_space<hbm>>
      tpu.wait_indirect_dma semaphore(%arg17 : memref<!tpu.dma_semaphore, #tpu.memory_space<semaphore_mem>>) src(%dma_wait3A_444 : memref<10000x128xf32, #tpu.memory_space<hbm>>) dst(%dma_wait3A_438 : memref<64x128xf32, #tpu.memory_space<vmem>>)
      %dma_start3A_445 = arith.constant 3 : i32
      %dma_start3A_446 = arith.constant 0 : i32
      %dma_start3A_447 = arith.constant 0 : i32
      %dma_start3A_448 = tpu.memref_slice %arg9[%dma_start3A_445, %dma_start3A_446, %dma_start3A_447] : memref<4x64x128xf32, #tpu.memory_space<vmem>> -> memref<1x64x128xf32, #tpu.memory_space<vmem>>
      %dma_start3A_449 = tpu.memref_squeeze %dma_start3A_448 : memref<1x64x128xf32, #tpu.memory_space<vmem>> -> memref<64x128xf32, #tpu.memory_space<vmem>>
      %dma_start3A_450 = arith.constant 0 : i32
      %dma_start3A_451 = tpu.memref_slice %arg8[%add3A_433, %dma_start3A_450] : memref<40x64xi32, #tpu.memory_space<vmem>> -> memref<1x64xi32, #tpu.memory_space<vmem>>
      %dma_start3A_452 = tpu.memref_squeeze %dma_start3A_451 : memref<1x64xi32, #tpu.memory_space<vmem>> -> memref<64xi32, #tpu.memory_space<vmem>>
      %dma_start3A_453 = arith.constant 0 : i32
      %dma_start3A_454 = arith.constant 0 : i32
      %dma_start3A_455 = tpu.memref_slice %arg12[%dma_start3A_453, %dma_start3A_454] : memref<10240x128xf32, #tpu.memory_space<vmem_shared>> -> memref<10240x128xf32, #tpu.memory_space<vmem_shared>>
      tpu.enqueue_indirect_dma source(%dma_start3A_449 : memref<64x128xf32, #tpu.memory_space<vmem>>) target(%dma_start3A_455 : memref<10240x128xf32, #tpu.memory_space<vmem_shared>>) offsets(%dma_start3A_452 : memref<64xi32, #tpu.memory_space<vmem>>) semaphore(%arg21 : memref<!tpu.dma_semaphore, #tpu.memory_space<semaphore_mem>>) {add = true}
      %dma_start3A_456 = arith.constant 0 : i32
      %dma_start3A_457 = tpu.memref_slice %arg8[%add3A_433, %dma_start3A_456] : memref<40x64xi32, #tpu.memory_space<vmem>> -> memref<1x64xi32, #tpu.memory_space<vmem>>
      %dma_start3A_458 = tpu.memref_squeeze %dma_start3A_457 : memref<1x64xi32, #tpu.memory_space<vmem>> -> memref<64xi32, #tpu.memory_space<vmem>>
      %dma_start3A_459 = arith.constant 0 : i32
      %dma_start3A_460 = tpu.memref_slice %arg13[%dma_start3A_459] : memref<10240xf32, #tpu.memory_space<vmem_shared>> -> memref<10240xf32, #tpu.memory_space<vmem_shared>>
      tpu.enqueue_indirect_dma source(%arg10 : memref<64xf32, #tpu.memory_space<vmem>>) target(%dma_start3A_460 : memref<10240xf32, #tpu.memory_space<vmem_shared>>) offsets(%dma_start3A_458 : memref<64xi32, #tpu.memory_space<vmem>>) semaphore(%arg25 : memref<!tpu.dma_semaphore, #tpu.memory_space<semaphore_mem>>) {add = true}
      %dma_wait3A_461 = arith.constant 3 : i32
      %dma_wait3A_462 = arith.constant 0 : i32
      %dma_wait3A_463 = arith.constant 0 : i32
      %dma_wait3A_464 = tpu.memref_slice %arg9[%dma_wait3A_461, %dma_wait3A_462, %dma_wait3A_463] : memref<4x64x128xf32, #tpu.memory_space<vmem>> -> memref<1x64x128xf32, #tpu.memory_space<vmem>>
      %dma_wait3A_465 = tpu.memref_squeeze %dma_wait3A_464 : memref<1x64x128xf32, #tpu.memory_space<vmem>> -> memref<64x128xf32, #tpu.memory_space<vmem>>
      %dma_wait3A_466 = arith.constant 0 : i32
      %dma_wait3A_467 = tpu.memref_slice %arg8[%add3A_433, %dma_wait3A_466] : memref<40x64xi32, #tpu.memory_space<vmem>> -> memref<1x64xi32, #tpu.memory_space<vmem>>
      %dma_wait3A_468 = tpu.memref_squeeze %dma_wait3A_467 : memref<1x64xi32, #tpu.memory_space<vmem>> -> memref<64xi32, #tpu.memory_space<vmem>>
      %dma_wait3A_469 = arith.constant 0 : i32
      %dma_wait3A_470 = arith.constant 0 : i32
      %dma_wait3A_471 = tpu.memref_slice %arg12[%dma_wait3A_469, %dma_wait3A_470] : memref<10240x128xf32, #tpu.memory_space<vmem_shared>> -> memref<10240x128xf32, #tpu.memory_space<vmem_shared>>
      tpu.wait_indirect_dma semaphore(%arg21 : memref<!tpu.dma_semaphore, #tpu.memory_space<semaphore_mem>>) src(%dma_wait3A_465 : memref<64x128xf32, #tpu.memory_space<vmem>>) dst(%dma_wait3A_471 : memref<10240x128xf32, #tpu.memory_space<vmem_shared>>)
      %dma_wait3A_472 = arith.constant 0 : i32
      %dma_wait3A_473 = tpu.memref_slice %arg8[%add3A_433, %dma_wait3A_472] : memref<40x64xi32, #tpu.memory_space<vmem>> -> memref<1x64xi32, #tpu.memory_space<vmem>>
      %dma_wait3A_474 = tpu.memref_squeeze %dma_wait3A_473 : memref<1x64xi32, #tpu.memory_space<vmem>> -> memref<64xi32, #tpu.memory_space<vmem>>
      %dma_wait3A_475 = arith.constant 0 : i32
      %dma_wait3A_476 = tpu.memref_slice %arg13[%dma_wait3A_475] : memref<10240xf32, #tpu.memory_space<vmem_shared>> -> memref<10240xf32, #tpu.memory_space<vmem_shared>>
      tpu.wait_indirect_dma semaphore(%arg25 : memref<!tpu.dma_semaphore, #tpu.memory_space<semaphore_mem>>) src(%arg10 : memref<64xf32, #tpu.memory_space<vmem>>) dst(%dma_wait3A_476 : memref<10240xf32, #tpu.memory_space<vmem_shared>>)
      %lt3A_477 = arith.constant 9 : i32
      %lt3A_478 = arith.cmpi slt, %scan3A_276, %lt3A_477 : i32
      %convert_element_type3A_479 = arith.extui %lt3A_478 : i1 to i32
      %cond3A_480 = arith.constant 0 : i32
      %cond3A_481 = arith.cmpi ne, %convert_element_type3A_479, %cond3A_480 : i32
      scf.if %cond3A_481 {
        %add3A_482 = arith.constant 4 : i32
        %add3A_483 = arith.addi %add3A_433, %add3A_482 : i32
        %dma_start3A_484 = arith.constant 3 : i32
        %dma_start3A_485 = arith.constant 0 : i32
        %dma_start3A_486 = arith.constant 0 : i32
        %dma_start3A_487 = tpu.memref_slice %arg9[%dma_start3A_484, %dma_start3A_485, %dma_start3A_486] : memref<4x64x128xf32, #tpu.memory_space<vmem>> -> memref<1x64x128xf32, #tpu.memory_space<vmem>>
        %dma_start3A_488 = tpu.memref_squeeze %dma_start3A_487 : memref<1x64x128xf32, #tpu.memory_space<vmem>> -> memref<64x128xf32, #tpu.memory_space<vmem>>
        %dma_start3A_489 = arith.constant 0 : i32
        %dma_start3A_490 = tpu.memref_slice %arg7[%add3A_483, %dma_start3A_489] : memref<40x64xi32, #tpu.memory_space<vmem>> -> memref<1x64xi32, #tpu.memory_space<vmem>>
        %dma_start3A_491 = tpu.memref_squeeze %dma_start3A_490 : memref<1x64xi32, #tpu.memory_space<vmem>> -> memref<64xi32, #tpu.memory_space<vmem>>
        %dma_start3A_492 = arith.constant 0 : i32
        %dma_start3A_493 = arith.constant 0 : i32
        %dma_start3A_494 = tpu.memref_slice %arg2[%dma_start3A_492, %dma_start3A_493] : memref<10000x128xf32, #tpu.memory_space<hbm>> -> memref<10000x128xf32, #tpu.memory_space<hbm>>
        tpu.enqueue_indirect_dma source(%dma_start3A_494 : memref<10000x128xf32, #tpu.memory_space<hbm>>) target(%dma_start3A_488 : memref<64x128xf32, #tpu.memory_space<vmem>>) offsets(%dma_start3A_491 : memref<64xi32, #tpu.memory_space<vmem>>) semaphore(%arg17 : memref<!tpu.dma_semaphore, #tpu.memory_space<semaphore_mem>>)
      } else {
      }
    }
    %scan3A_259 = arith.constant 10 : i32
    %barrier3A_260 = arith.constant 0 : index
    tpu.barrier barrier_id(%barrier3A_260)
    %dma_start3A_261 = arith.constant 0 : i32
    %dma_start3A_262 = tpu.memref_slice %arg5[%arg0, %mul3A_19, %dma_start3A_261] : memref<2x10240x128xf32, #tpu.memory_space<hbm>> -> memref<1x640x128xf32, #tpu.memory_space<hbm>>
    %dma_start3A_263 = tpu.memref_squeeze %dma_start3A_262 : memref<1x640x128xf32, #tpu.memory_space<hbm>> -> memref<640x128xf32, #tpu.memory_space<hbm>>
    %dma_start3A_264 = arith.constant 0 : i32
    %dma_start3A_265 = tpu.memref_slice %arg12[%mul3A_19, %dma_start3A_264] : memref<10240x128xf32, #tpu.memory_space<vmem_shared>> -> memref<640x128xf32, #tpu.memory_space<vmem_shared>>
    tpu.enqueue_dma source(%dma_start3A_265 : memref<640x128xf32, #tpu.memory_space<vmem_shared>>) target(%dma_start3A_263 : memref<640x128xf32, #tpu.memory_space<hbm>>) target_semaphore(%arg14 : memref<!tpu.dma_semaphore, #tpu.memory_space<semaphore_mem>>)
    %dma_start3A_266 = tpu.memref_slice %arg6[%arg0, %mul3A_19] : memref<2x10240xf32, #tpu.memory_space<hbm>> -> memref<1x640xf32, #tpu.memory_space<hbm>>
    %dma_start3A_267 = tpu.memref_squeeze %dma_start3A_266 : memref<1x640xf32, #tpu.memory_space<hbm>> -> memref<640xf32, #tpu.memory_space<hbm>>
    %dma_start3A_268 = tpu.memref_slice %arg13[%mul3A_19] : memref<10240xf32, #tpu.memory_space<vmem_shared>> -> memref<640xf32, #tpu.memory_space<vmem_shared>>
    tpu.enqueue_dma source(%dma_start3A_268 : memref<640xf32, #tpu.memory_space<vmem_shared>>) target(%dma_start3A_267 : memref<640xf32, #tpu.memory_space<hbm>>) target_semaphore(%arg15 : memref<!tpu.dma_semaphore, #tpu.memory_space<semaphore_mem>>)
    %dma_wait3A = arith.constant 0 : i32
    %dma_wait3A_269 = tpu.memref_slice %arg5[%arg0, %mul3A_19, %dma_wait3A] : memref<2x10240x128xf32, #tpu.memory_space<hbm>> -> memref<1x640x128xf32, #tpu.memory_space<hbm>>
    %dma_wait3A_270 = tpu.memref_squeeze %dma_wait3A_269 : memref<1x640x128xf32, #tpu.memory_space<hbm>> -> memref<640x128xf32, #tpu.memory_space<hbm>>
    %dma_wait3A_271 = arith.constant 0 : i32
    %dma_wait3A_272 = tpu.memref_slice %arg12[%mul3A_19, %dma_wait3A_271] : memref<10240x128xf32, #tpu.memory_space<vmem_shared>> -> memref<640x128xf32, #tpu.memory_space<vmem_shared>>
    tpu.wait_dma2 semaphore(%arg14 : memref<!tpu.dma_semaphore, #tpu.memory_space<semaphore_mem>>) src(%dma_wait3A_272 : memref<640x128xf32, #tpu.memory_space<vmem_shared>>) dst(%dma_wait3A_270 : memref<640x128xf32, #tpu.memory_space<hbm>>)
    %dma_wait3A_273 = tpu.memref_slice %arg6[%arg0, %mul3A_19] : memref<2x10240xf32, #tpu.memory_space<hbm>> -> memref<1x640xf32, #tpu.memory_space<hbm>>
    %dma_wait3A_274 = tpu.memref_squeeze %dma_wait3A_273 : memref<1x640xf32, #tpu.memory_space<hbm>> -> memref<640xf32, #tpu.memory_space<hbm>>
    %dma_wait3A_275 = tpu.memref_slice %arg13[%mul3A_19] : memref<10240xf32, #tpu.memory_space<vmem_shared>> -> memref<640xf32, #tpu.memory_space<vmem_shared>>
    tpu.wait_dma2 semaphore(%arg15 : memref<!tpu.dma_semaphore, #tpu.memory_space<semaphore_mem>>) src(%dma_wait3A_275 : memref<640xf32, #tpu.memory_space<vmem_shared>>) dst(%dma_wait3A_274 : memref<640xf32, #tpu.memory_space<hbm>>)
    return
  }
}

module attributes {stable_mosaic.version = 14 : i64} {
  func.func @body(%arg0: i32, %arg1: memref<2x1000x128xf32, #tpu.memory_space<vmem>>, %arg2: memref<2x1000x1xf32, #tpu.memory_space<vmem>>, %arg3: memref<1000x128xf32, #tpu.memory_space<vmem>>, %arg4: memref<128x128xf32, #tpu.memory_space<vmem>>, %arg5: memref<128x128xf32, #tpu.memory_space<vmem>>, %arg6: memref<1000x128xf32, #tpu.memory_space<vmem>>) attributes {dimension_semantics = [#tpu.dimension_semantics<arbitrary>], iteration_bounds = array<i64: 10>, scalar_prefetch = 0 : i64, scratch_operands = 0 : i64, tpu.core_type = #tpu.core_type<tc>, window_params = [{transform_indices = @transform_0, window_bounds = array<i64: 2, 1000, 128>}, {transform_indices = @transform_1, window_bounds = array<i64: 2, 1000, 1>}, {transform_indices = @transform_2, window_bounds = array<i64: 1000, 128>}, {pipeline_mode = #tpu.pipeline_mode<synchronous>, transform_indices = @transform_3, window_bounds = array<i64: 128, 128>}, {pipeline_mode = #tpu.pipeline_mode<synchronous>, transform_indices = @transform_4, window_bounds = array<i64: 128, 128>}, {transform_indices = @transform_5, window_bounds = array<i64: 1000, 128>}]} {
    %get3A = arith.constant 0 : index
    %get3A_0 = arith.constant 0 : index
    %get3A_1 = arith.constant 0 : index
    %get3A_2 = vector.load %arg1[%get3A, %get3A_0, %get3A_1] : memref<2x1000x128xf32, #tpu.memory_space<vmem>>, vector<1x1000x128xf32>
    %get3A_3 = vector.shape_cast %get3A_2 : vector<1x1000x128xf32> to vector<1000x128xf32>
    %get3A_4 = arith.constant 1 : index
    %get3A_5 = arith.constant 0 : index
    %get3A_6 = arith.constant 0 : index
    %get3A_7 = vector.load %arg1[%get3A_4, %get3A_5, %get3A_6] : memref<2x1000x128xf32, #tpu.memory_space<vmem>>, vector<1x1000x128xf32>
    %get3A_8 = vector.shape_cast %get3A_7 : vector<1x1000x128xf32> to vector<1000x128xf32>
    %add3A = arith.addf %get3A_3, %get3A_8 : vector<1000x128xf32>
    %get3A_9 = arith.constant 0 : index
    %get3A_10 = arith.constant 0 : index
    %get3A_11 = arith.constant 0 : index
    %get3A_12 = vector.load %arg2[%get3A_9, %get3A_10, %get3A_11] : memref<2x1000x1xf32, #tpu.memory_space<vmem>>, vector<1x1000x1xf32>
    %get3A_13 = vector.shape_cast %get3A_12 : vector<1x1000x1xf32> to vector<1000x1xf32>
    %get3A_14 = arith.constant 1 : index
    %get3A_15 = arith.constant 0 : index
    %get3A_16 = arith.constant 0 : index
    %get3A_17 = vector.load %arg2[%get3A_14, %get3A_15, %get3A_16] : memref<2x1000x1xf32, #tpu.memory_space<vmem>>, vector<1x1000x1xf32>
    %get3A_18 = vector.shape_cast %get3A_17 : vector<1x1000x1xf32> to vector<1000x1xf32>
    %add3A_19 = arith.addf %get3A_13, %get3A_18 : vector<1000x1xf32>
    %eq3A = arith.constant 0.000000e+00 : f32
    %eq3A_20 = vector.broadcast %eq3A : f32 to vector<1000x1xf32>
    %eq3A_21 = arith.cmpf oeq, %add3A_19, %eq3A_20 : vector<1000x1xf32>
    %jit3A = arith.constant 1.000000e+00 : f32
    %broadcast_in_dim3A = vector.broadcast %jit3A : f32 to vector<1000x1xf32>
    %select_n3A = arith.select %eq3A_21, %broadcast_in_dim3A, %add3A_19 : vector<1000x1xi1>, vector<1000x1xf32>
    %div3A = vector.broadcast %select_n3A : vector<1000x1xf32> to vector<1000x128xf32>
    %div3A_22 = arith.divf %add3A, %div3A : vector<1000x128xf32>
    %get3A_23 = arith.constant 0 : index
    %get3A_24 = arith.constant 0 : index
    %get3A_25 = vector.load %arg4[%get3A_23, %get3A_24] : memref<128x128xf32, #tpu.memory_space<vmem>>, vector<128x128xf32>
    %dot_general3A = arith.constant dense<0.000000e+00> : vector<1000x128xf32>
    %dot_general3A_26 = tpu.matmul %div3A_22, %get3A_25, %dot_general3A {dimension_numbers = #tpu.dot_dimension_numbers<[1], [0], [0], [1], [0, 0, 1, 1], [], []>, transpose_lhs_hint = false} : vector<1000x128xf32>, vector<128x128xf32>, vector<1000x128xf32> -> vector<1000x128xf32>
    %get3A_27 = arith.constant 0 : index
    %get3A_28 = arith.constant 0 : index
    %get3A_29 = vector.load %arg3[%get3A_27, %get3A_28] : memref<1000x128xf32, #tpu.memory_space<vmem>>, vector<1000x128xf32>
    %get3A_30 = arith.constant 0 : index
    %get3A_31 = arith.constant 0 : index
    %get3A_32 = vector.load %arg5[%get3A_30, %get3A_31] : memref<128x128xf32, #tpu.memory_space<vmem>>, vector<128x128xf32>
    %dot_general3A_33 = arith.constant dense<0.000000e+00> : vector<1000x128xf32>
    %dot_general3A_34 = tpu.matmul %get3A_29, %get3A_32, %dot_general3A_33 {dimension_numbers = #tpu.dot_dimension_numbers<[1], [0], [0], [1], [0, 0, 1, 1], [], []>, transpose_lhs_hint = false} : vector<1000x128xf32>, vector<128x128xf32>, vector<1000x128xf32> -> vector<1000x128xf32>
    %add3A_35 = arith.addf %dot_general3A_26, %dot_general3A_34 : vector<1000x128xf32>
    %swap3A = arith.constant 0 : index
    %swap3A_36 = arith.constant 0 : index
    %swap3A_37 = vector.load %arg6[%swap3A, %swap3A_36] : memref<1000x128xf32, #tpu.memory_space<vmem>>, vector<1000x128xf32>
    tpu.vector_store %arg6[%swap3A, %swap3A_36], %add3A_35 {strides = array<i32>} : memref<1000x128xf32, #tpu.memory_space<vmem>>, vector<1000x128xf32>,
    return
  }
  func.func @transform_0(%arg0: i32) -> (i32, i32, i32) {
    %c0_i32 = arith.constant 0 : i32
    %c0_i32_0 = arith.constant 0 : i32
    %c0_i32_1 = arith.constant 0 : i32
    return %c0_i32, %arg0, %c0_i32_0 : i32, i32, i32
  }
  func.func @transform_1(%arg0: i32) -> (i32, i32, i32) {
    %c0_i32 = arith.constant 0 : i32
    %c0_i32_0 = arith.constant 0 : i32
    %c0_i32_1 = arith.constant 0 : i32
    return %c0_i32, %arg0, %c0_i32_0 : i32, i32, i32
  }
  func.func @transform_2(%arg0: i32) -> (i32, i32) {
    %c0_i32 = arith.constant 0 : i32
    %c0_i32_0 = arith.constant 0 : i32
    return %arg0, %c0_i32 : i32, i32
  }
  func.func @transform_3(%arg0: i32) -> (i32, i32) {
    %c0_i32 = arith.constant 0 : i32
    %c0_i32_0 = arith.constant 0 : i32
    %c0_i32_1 = arith.constant 0 : i32
    return %c0_i32, %c0_i32_0 : i32, i32
  }
  func.func @transform_4(%arg0: i32) -> (i32, i32) {
    %c0_i32 = arith.constant 0 : i32
    %c0_i32_0 = arith.constant 0 : i32
    %c0_i32_1 = arith.constant 0 : i32
    return %c0_i32, %c0_i32_0 : i32, i32
  }
  func.func @transform_5(%arg0: i32) -> (i32, i32) {
    %c0_i32 = arith.constant 0 : i32
    %c0_i32_0 = arith.constant 0 : i32
    return %arg0, %c0_i32 : i32, i32
  }
}

</mosaic_0001>

<sc_bundles>
// kernel: kernel.4.cloned.1.call-start
scs
__scs_entry_jumppad:
0x0: {  	(pc) =	sbr.rel $0x88, $3  }
0x1: {  	(tag) =	ssettag $0x0;
	lr =	simm.s32 $0x1  }
0x2: {  	[smem:$0x3F9D] =	sst lr;
	_ =	strace $0xD0000000  }
0x3: {  	_ = 	snop  }
0x4: {  	_ = 	snop  }
0x5: {  	_ = 	snop  }
0x6: {  	_ = 	snop  }
0x7: {  	_ = 	snop  }
__scs_overlays_trampoline_lowered:
0x8: {  	[smem:$0x3FAC] =	sst s0  }
0x9: {  	[smem:$0x3FAD] =	sst s1  }
0xa: {  	[smem:$0x3FAE] =	sst s2  }
0xb: {  	[smem:$0x3FAF] =	sst s3  }
0xc: {  	[smem:$0x3FB0] =	sst s4  }
0xd: {  	[smem:$0x3FB1] =	sst s5  }
0xe: {  	[smem:$0x3FB2] =	sst s6  }
0xf: {  	[smem:$0x3FB3] =	sst s7  }
0x10: {  	[smem:$0x3FB4] =	sst s8  }
0x11: {  	[smem:$0x3FB5] =	sst s9;
	s0 =	simm.s32 @!p0 $0x0  }
0x12: {  	s1 =	sld [smem:$0x3F9B];
	s0 =	simm.s32 @p0 $0x1  }
0x13: {  	[smem:$0x3FB6] =	sst s0;
	s0 =	simm.s32 @!p1 $0x0  }
0x14: {  	s2 =	sld [smem:$0x3F9A];
	s0 =	simm.s32 @p1 $0x1  }
0x15: {  	[smem:$0x3FB7] =	sst s0;
	s0 =	simm.s32 @!p2 $0x0  }
0x16: {  	s3 =	sld [smem:$0x3FDB];
	s0 =	simm.s32 @p2 $0x1  }
0x17: {  	s4 =	simm.s32 $0x1BF5;
	[smem:$0x3FB9] =	sst s0  }
0x18: {  	s0 =	sld [smem:$0x3F9C];
	_ =	swait.ge [sflag:s4], $0x0  }
0x19: {  	s7 =	sld [smem:$0x3F9D]  }
0x1a: {  	s8 =	sadd.s32 $0xFFFFE003, lr  }
0x1b: {  	s9 =	sadd.s32 $0xFFFFFEF7, lr;
	s5 =	simm.s32 $0xFFFFFFFF;
	p2 =	slt.u32 s8, $0xFFFFF086  }
0x1c: {  	p1 =	slt.u32 s9, $0xF7A;
	s5 =	simm.s32 @!p2 $0x0  }
0x1d: {  	s5 =	simm.s32 @p1 $0x1;
	p0 =	seq.s32 s7, s2  }
0x1e: {  	s7 =	smul.u32 @!p0 $0xF7A, s2;
	p2 =	seq.s32 @!p0 s5, $0x0  }
0x1f: {  	s9 =	smul.u32 $0xF7A, s1;
	s8 =	simm.s32 @!p0 $0x1BF5;
	p2 =	por !p2, p0  }
0x20: {  	[sflag:s8] =	ssyncset.s32 @!p0 $0xFFFFF086;
	s6 =	sadd.s32 @!p0 s3, s7;
	s7 =	simm.s32 @!p0 $0x108  }
0x21: {  	s3 =	sadd.s32 s3, s9;
	s6 =	sadd.s32 @!p0 $0x88, s6;
	s7 =	simm.s32 @p2 $0x1082  }
0x22: {  	[simem:s7], [sflag:s8] =	dma.local @!p0 [hbm:s6], $0xF7A  }
0x23: {  	s9 =	sor.u32 $0xD0000000, s2;
	s6 =	simm.s32 $0x108;
	_ =	swait.ge @!p0 [sflag:s8], $0x0  }
0x24: {  	s3 =	sadd.s32 $0x88, s3;
	s6 =	simm.s32 @!p1 $0x1082;
	[sflag:s4] =	ssyncset.s32 $0xFFFFF086  }
0x25: {  	[simem:s6], [sflag:s4] =	dma.local [hbm:s3], $0xF7A  }
0x26: {  	[smem:$0x3F9D] =	sst s1;
	(tag) =	ssettag s2;
	_ =	strace s9  }
0x27: {  	s1 =	sld [smem:$0x3FAD]  }
0x28: {  	s2 =	sld [smem:$0x3FAE]  }
0x29: {  	s4 =	sld [smem:$0x3FB0]  }
0x2a: {  	p0 =	seq.s32 s5, $0x0;
	s5 =	sld [smem:$0x3FB1]  }
0x2b: {  	s6 =	sld [smem:$0x3FB2]  }
0x2c: {  	s7 =	sld [smem:$0x3FB3]  }
0x2d: {  	s3 =	simm.s32 $0x108;
	s8 =	sld [smem:$0x3FB4]  }
0x2e: {  	s3 =	simm.s32 @!p0 $0x1082;
	s9 =	sld [smem:$0x3FB5]  }
0x2f: {  	lr =	sadd.s32 s0, s3;
	s0 =	sld [smem:$0x3FAC]  }
0x30: {  	s3 =	sld [smem:$0x3FAF]  }
0x31: {  	[smem:$0x3FB8] =	sst s10  }
0x32: {  	s10 =	sld [smem:$0x3FB6];
	_ =	sdelay $0x3  }
0x33: {  	p0 =	seq.s32 s10, $0x1;
	s10 =	sld [smem:$0x3FB8];
	_ =	sdelay $0x3  }
0x34: {  	[smem:$0x3FB8] =	sst s10  }
0x35: {  	s10 =	sld [smem:$0x3FB7];
	_ =	sdelay $0x3  }
0x36: {  	p1 =	seq.s32 s10, $0x1;
	s10 =	sld [smem:$0x3FB8];
	_ =	sdelay $0x3  }
0x37: {  	[smem:$0x3FB8] =	sst s10  }
0x38: {  	s10 =	sld [smem:$0x3FB9]  }
0x39: {  	_ = 	snop;
	(pc) =	sbr.ind lr, $3  }
0x3a: {  	_ = 	snop  }
0x3b: {  	_ = 	snop  }
0x3c: {  	p2 =	seq.s32 s10, $0x1;
	s10 =	sld [smem:$0x3FB8]  }
0x3d: {  	_ =	shalt  }
0x3e: {  	_ =	shalt  }
0x3f: {  	_ =	shalt  }
0x40: {  	_ =	shalt  }
0x41: {  	_ =	shalt  }
0x42: {  	_ =	shalt  }
0x43: {  	_ =	shalt  }
0x44: {  	_ =	shalt  }
0x45: {  	_ =	shalt  }
0x46: {  	_ =	shalt  }
0x47: {  	_ =	shalt  }
0x48: {  	_ =	shalt  }
0x49: {  	_ =	shalt  }
0x4a: {  	_ =	shalt  }
0x4b: {  	_ =	shalt  }
0x4c: {  	_ =	shalt  }
0x4d: {  	_ =	shalt  }
0x4e: {  	_ =	shalt  }
0x4f: {  	_ =	shalt  }
0x50: {  	_ =	shalt  }
0x51: {  	_ =	shalt  }
0x52: {  	_ =	shalt  }
0x53: {  	_ =	shalt  }
0x54: {  	_ =	shalt  }
0x55: {  	_ =	shalt  }
0x56: {  	_ =	shalt  }
0x57: {  	_ =	shalt  }
0x58: {  	_ =	shalt  }
0x59: {  	_ =	shalt  }
0x5a: {  	_ =	shalt  }
0x5b: {  	_ =	shalt  }
0x5c: {  	_ =	shalt  }
0x5d: {  	_ =	shalt  }
0x5e: {  	_ =	shalt  }
0x5f: {  	_ =	shalt  }
0x60: {  	_ =	shalt  }
0x61: {  	_ =	shalt  }
0x62: {  	_ =	shalt  }
0x63: {  	_ =	shalt  }
0x64: {  	_ =	shalt  }
0x65: {  	_ =	shalt  }
0x66: {  	_ =	shalt  }
0x67: {  	_ =	shalt  }
0x68: {  	_ =	shalt  }
0x69: {  	_ =	shalt  }
0x6a: {  	_ =	shalt  }
0x6b: {  	_ =	shalt  }
0x6c: {  	_ =	shalt  }
0x6d: {  	_ =	shalt  }
0x6e: {  	_ =	shalt  }
0x6f: {  	_ =	shalt  }
0x70: {  	_ =	shalt  }
0x71: {  	_ =	shalt  }
0x72: {  	_ =	shalt  }
0x73: {  	_ =	shalt  }
0x74: {  	_ =	shalt  }
0x75: {  	_ =	shalt  }
0x76: {  	_ =	shalt  }
0x77: {  	_ =	shalt  }
0x78: {  	_ =	shalt  }
0x79: {  	_ =	shalt  }
0x7a: {  	_ =	shalt  }
0x7b: {  	_ =	shalt  }
0x7c: {  	_ =	shalt  }
0x7d: {  	_ =	shalt  }
0x7e: {  	_ =	shalt  }
0x7f: {  	_ =	shalt  }
0x80: {  	_ =	shalt  }
0x81: {  	_ =	shalt  }
0x82: {  	_ =	shalt  }
0x83: {  	_ =	shalt  }
0x84: {  	_ =	shalt  }
0x85: {  	_ =	shalt  }
0x86: {  	_ =	shalt  }
0x87: {  	_ =	shalt  }
.Lfunc_end0:
.L_simem_size_0:
called_computation_lowered:
.L_overlay_start_0:
0x88: {  	s2 =	sld [smem:$0x3FD9]  }
0x89: {  	s3 =	sld [smem:$0x3FFE];
	_ =	sdelay $0x1  }
0x8a: {  	s1 =	srdreg.scid  }
0x8b: {  	s0 =	sand.u32 $0x1, s1  }
0x8c: {  	s17 =	sshll.u32 s0, $0xA;
	s2 =	sadd.s32 s3, s2  }
0x8d: {  	s2 =	sadd.s32 s2, s17  }
0x8e: {  	[smem:$0x3FC4] =	sst s2  }
0x8f: {  	_ = 	snop  }
0x90: {  	s2 =	sld [smem:$0x3FC9]  }
0x91: {  	s18 =	sld [smem:$0x3FD0];
	(tm) =	ssettm $0x1  }
0x92: {  	s4 =	sld [smem:$0x3FFB];
	_ =	sdelay $0x3  }
0x93: {  	_ =	strace s4  }
0x94: {  	s4 =	sld [smem:$0x3FFC];
	_ =	sdelay $0x3  }
0x95: {  	_ =	strace s4  }
0x96: {  	s4 =	sld [smem:$0x3FFD];
	_ =	sdelay $0x3  }
0x97: {  	_ =	strace s4  }
0x98: {  	_ =	strace $0x8FFFFFFF  }
0x99: {  	s19 =	sld [smem:$0x3FDB];
	_ =	sdelay $0x1  }
0x9a: {  	s5 =	simm.s32 $_scs_section_size  }
0x9b: {  	s6 =	simm.s32 $_size__tile_overlayer_lowered;
	s7 =	simm.s32 $_tile_overlayer_lowered  }
0x9c: {  	s22 =	simm.s32 $0x1BFF;
	s21 =	sshll.u32 s7, $0x1;
	s4 =	sadd.s32 s5, s19  }
0x9d: {  	s8 =	simm.s32 $0x0;
	s20 =	sshll.u32 s6, $0x1;
	s6 =	sadd.s32 s21, s4  }
0x9e: {  	[timem:s8], [sflag:s22] =	dma.local [hbm:s6], s20  }
0x9f: {  	_ =	swait.ge [sflag:s22], s20  }
0xa0: {  	s5 =	ssub.s32 $0x0, s20;
	[sflag:s22] =	ssyncset.done $0x0  }
0xa1: {  	[sflag:s22] =	ssyncadd.s32 s5;
	_ =	sdelay $0x1  }
0xa2: {  	s23 =	simm.s32 $0x1B8B  }
0xa3: {  	_ =	swait.ge [sflag:s23], $0x1  }
0xa4: {  	[sflag:s23] =	ssyncset.done $0x0  }
0xa5: {  	s25 =	simm.s32 $0x1B8E;
	s24 =	sld [smem:$0x3FFE];
	[sflag:s23] =	ssyncadd.s32 $0xFFFFFFFF  }
0xa6: {  	s26 =	simm.s32 $execute0_lowered;
	[smem:$0x3FD2] =	sst s25  }
0xa7: {  	s6 =	sshll.u32 s26, $0x1;
	_ =	strace $0x80000046;
	[dreg:$0x1] =	wrdreg $0xFFFFFFFF  }
0xa8: {  	s28 =	simm.s32 $_size_execute0_lowered;
	s4 =	sadd.s32 s4, s6;
	[dreg:$0x0] =	wrdreg $0x0  }
0xa9: {  	s6 =	sshll.u32 s28, $0x1;
	[dreg:$0x2] =	wrdreg s4  }
0xaa: {  	[dreg:$0x3] =	wrdreg s6  }
0xab: {  	[dreg:$0x4] =	wrdreg $0xC0  }
0xac: {  	_ =	task [dreg:s8], $0x5FFFF  }
0xad: {  	[dreg:$0x1] =	wrdreg $0xFFFFFFFF  }
0xae: {  	[dreg:$0x0] =	wrdreg $0x60  }
0xaf: {  	[dreg:$0x2] =	wrdreg s2  }
0xb0: {  	[dreg:$0x3] =	wrdreg s18  }
0xb1: {  	[dreg:$0x4] =	wrdreg s24  }
0xb2: {  	[dreg:$0x5] =	wrdreg $0xAB000  }
0xb3: {  	[dreg:$0x6] =	wrdreg $0x1EB000  }
0xb4: {  	[dreg:$0x7] =	wrdreg $0x9  }
0xb5: {  	_ =	task.clear_ibuf [dreg:s8], $0x8FFFF;
	_ =	strace $0x90000046  }
0xb6: {  	s29 =	simm.s32 $0x9;
	_ =	strace $0x80000048  }
0xb7: {  	_ =	swait.ge [sflag:s29], $0x1  }
0xb8: {  	[sflag:s29] =	ssyncadd.s32 $0xFFFFFFFF  }
0xb9: {  	_ =	strace $0x90000048  }
0xba: {  	_ =	sfence  }
0xbb: {  	s30 =	sld [smem:$0x0];
	_ =	sdelay $0x2  }
0xbc: {  	s31 =	sshll.u32 s1, $0xD;
	s1 =	sshrl.u32 s1, $0x2  }
0xbd: {  	s3 =	sand.u32 $0x4000, s31;
	s1 =	sadd.s32 s1, s30  }
0xbe: {  	s0 =	sor.u32 s3, s0;
	s1 =	sshll.u32 s1, $0x11  }
0xbf: {  	s0 =	sor.u32 s1, s0  }
0xc0: {  	s0 =	sadd.s32 $0x8F2B, s0  }
0xc1: {  	[sflag:s0] =	ssyncadd.remote.s32 $0x1  }
0xc2: {  	_ =	sfence.sel $0xFFFF  }
0xc3: {  	[dreg:$0x0] =	wrdreg $0xFFFFFFFF;
	(pc) =	sbr.abs _section_cstart, $3  }
0xc4: {  	[dreg:$0x1] =	wrdreg $0xFFFFFFFF  }
0xc5: {  	_ =	task.clear_ibuf [dreg:s8], $0x2FFFF;
	_ =	strace $0x9FFFFFFF  }
0xc6: {  	(tm) =	ssettm $0x7FFFFFFF  }
0xc7: {  	_ =	shalt  }
tec
execute0_lowered:
.L_overlay_start_1:
0x0: {  	(tag) =	ssettag $0x1  }
0x1: {  	s0 =	rddreg [dreg:$0x0]  }
0x2: {  	s1 =	rddreg [dreg:$0x1]  }
0x3: {  	s2 =	rddreg [dreg:$0x2]  }
0x4: {  	s4 =	srdreg.scid;
	s12 =	stileid.u32  }
0x5: {  	s3 =	rddreg [dreg:$0x3];
	s7 =	smul.u32 $0x14000, s12  }
0x6: {  	s9 =	simm.s32 $0x0;
	s29 =	simm.s32 $0x2800;
	s8 =	smul.u32 $0x500, s12  }
0x7: {  	s30 =	simm.s32 $0xD;
	s5 =	sand.u32 $0x1, s4;
	s20 =	smul.u32 $0x50000, s12  }
0x8: {  	s4 =	rddreg [dreg:$0x4];
	s23 =	sshll.u32 s12, $0x1;
	s6 =	smul.u32 $0x140000, s5  }
0x9: {  	s18 =	sshll.u32 s5, $0x7;
	s22 =	ssub.s32 $0x2, s5;
	s5 =	sor.u32 s5, s23  }
0xa: {  	s28 =	simm.s32 $0x2700;
	[smem:$0x7FF] =	sst s9;
	s5 =	smul.u32 $0x5000, s5  }
0xb: {  	s21 =	sadd.s32 $0x1000, s2;
	s26 =	smul.u32 $0xA00, s12;
	_ =	strace $0x80000047  }
0xc: {  	s19 =	sor.u32 s18, s8;
	s8 =	sshrl.u32 s20, $0x2;
	s5 =	sshrl.u32 s5, $0x3  }
0xd: {  	s11 =	sshrl.u32 s22, $0x1;
	s6 =	sadd.s32 s7, s6;
	s15 =	sadd.s32 s1, s5  }
0xe: {  	s6 =	sshrl.u32 s6, $0x3;
	s16 =	sadd.s32 s21, s5;
	[dreg:$0xc] =	wrdreg s15  }
0xf: {  	s10 =	sadd.s32 s6, s2;
	s6 =	sadd.s32 s8, s3;
	[dreg:$0xd] =	wrdreg s16  }
0x10: {  	s7 =	sshrl.u32 s19, $0x3;
	s8 =	sadd.s32 $0x2000, s6;
	[dreg:$0x17] =	wrdreg s6  }
0x11: {  	s2 =	sadd.s32 s7, s2;
	s24 =	sadd.s32 $0x4000, s6;
	[dreg:$0x6] =	wrdreg s8  }
0x12: {  	s7 =	ssub.s32 s22, s11;
	s25 =	sadd.s32 $0x6000, s6;
	[dreg:$0x7] =	wrdreg s24  }
0x13: {  	s14 =	sadd.s32 $0x280, s5;
	s31 =	sadd.s32 $0x8000, s6;
	[dreg:$0x8] =	wrdreg s25  }
0x14: {  	s18 =	sadd.s32 $0x500, s5;
	s12 =	sadd.s32 $0xA000, s6;
	[dreg:$0x9] =	wrdreg s31  }
0x15: {  	s5 =	sadd.s32 $0x780, s5;
	s13 =	sadd.s32 $0xC000, s6;
	[dreg:$0xa] =	wrdreg s12  }
0x16: {  	s17 =	sadd.s32 s1, s14;
	s11 =	sadd.s32 s21, s14;
	[dreg:$0xb] =	wrdreg s13  }
0x17: {  	s19 =	sadd.s32 s1, s18;
	s1 =	sadd.s32 s1, s5;
	[dreg:$0xe] =	wrdreg s17  }
0x18: {  	s20 =	sadd.s32 s21, s5;
	s23 =	sadd.s32 $0x15A00, s10;
	[dreg:$0xf] =	wrdreg s11  }
0x19: {  	s5 =	simm.s32 $0x40;
	s10 =	simm.s32 $0x8800;
	[dreg:$0x10] =	wrdreg s19  }
0x1a: {  	s14 =	simm.s32 $0x9;
	s15 =	simm.s32 $0x2;
	[dreg:$0x12] =	wrdreg s1  }
0x1b: {  	s16 =	simm.s32 $0x6;
	s8 =	sshrl.u32 s26, $0x2;
	[dreg:$0x13] =	wrdreg s20  }
0x1c: {  	s11 =	sadd.s32 s21, s18;
	s21 =	sadd.s32 $0xE000, s6;
	[dreg:$0x16] =	wrdreg s23  }
0x1d: {  	s24 =	sadd.s32 $0x15000, s2;
	s25 =	smax.u32 s7, $0x1;
	s26 =	sadd.s32 $0x10000, s6  }
0x1e: {  	s31 =	sadd.s32 $0x12000, s6;
	s1 =	simm.s32 $0x4800;
	[dreg:$0x11] =	wrdreg s11  }
0x1f: {  	s12 =	simm.s32 $0xA800;
	s13 =	simm.s32 $0x5;
	[dreg:$0x14] =	wrdreg s21  }
0x20: {  	s17 =	simm.s32 $0xA;
	s18 =	simm.s32 $0x3;
	[dreg:$0x18] =	wrdreg s24  }
0x21: {  	s19 =	simm.s32 $0x7;
	s20 =	simm.s32 $0xB;
	[dreg:$0x19] =	wrdreg s25  }
0x22: {  	s23 =	simm.s32 $0x8;
	s2 =	simm.s32 $0x0;
	[dreg:$0x1a] =	wrdreg s26  }
0x23: {  	s22 =	sadd.s32 s8, s4;
	[dreg:$0x1b] =	wrdreg s31;
	s8 =	simm.s32 $0x6800  }
0x24: {  	s11 =	simm.s32 $0x1;
	s21 =	simm.s32 $0x4;
	s24 =	simm.s32 $0xC  }
0x25: {  	v0 =	vimm.f32 $0.0e+00;
	v1 =	vimm.f32 $1.000000000e+00;
	s26 =	simm.s32 $0x2680;
	[dreg:$0x15] =	wrdreg s22;
	s22 =	simm.s32 $0x2780  }
.LBB2_1:
0x26: {  	s9 =	simm.s32 $0x0  }
0x27: {  	s7 =	simm.s32 $0x10;
	s31 =	sand.u32 $0x1FF0, s9  }
.LBB2_2:
0x28: {  	p0 =	sne.s32 s7, $0x1FF0;
	[tilespmem:s31+$0x2800] =	vst v0;
	s31 =	smov.u32 s7;
	s7 =	sadd.s32 $0x10, s7  }
.Ltmp0:
0x29: {  	(pc) =	sbr.rel @p0 .LBB2_2-.Ltmp0, $2  }
0x2a: {  	_ =	sdelay $0x2  }
0x2b: {  	s31 =	sand.u32 $0x1FF0, s31  }
0x2c: {  	[tilespmem:s31+$0x2800] =	vst v0  }
0x2d: {  	[tilespmem:$0xA800] =	vst v1  }
0x2e: {  	[tilespmem:$0xA810] =	vst v1  }
0x2f: {  	[tilespmem:$0xA820] =	vst v1  }
0x30: {  	[tilespmem:$0xA830] =	vst v1  }
0x31: {  	[tilespmem:$0xA880] =	vst v0  }
0x32: {  	[tilespmem:$0xA890] =	vst v0  }
0x33: {  	[tilespmem:$0xA8A0] =	vst v0  }
0x34: {  	[tilespmem:$0xA8B0] =	vst v0  }
0x35: {  	[tilespmem:$0xA8C0] =	vst v0  }
0x36: {  	[tilespmem:$0xA8D0] =	vst v0  }
0x37: {  	[tilespmem:$0xA8E0] =	vst v0  }
0x38: {  	[tilespmem:$0xA8F0] =	vst v0  }
0x39: {  	[tilespmem:$0xA900] =	vst v0  }
0x3a: {  	[tilespmem:$0xA910] =	vst v0  }
0x3b: {  	[tilespmem:$0xA920] =	vst v0  }
0x3c: {  	[tilespmem:$0xA930] =	vst v0  }
0x3d: {  	[tilespmem:$0xA940] =	vst v0  }
0x3e: {  	[tilespmem:$0xA950] =	vst v0  }
0x3f: {  	[tilespmem:$0xA960] =	vst v0  }
0x40: {  	[tilespmem:$0xA970] =	vst v0  }
0x41: {  	[tilespmem:$0xA980] =	vst v0  }
0x42: {  	[tilespmem:$0xA990] =	vst v0  }
0x43: {  	[tilespmem:$0xA9A0] =	vst v0  }
0x44: {  	[tilespmem:$0xA9B0] =	vst v0  }
0x45: {  	[tilespmem:$0xA9C0] =	vst v0  }
0x46: {  	[tilespmem:$0xA9D0] =	vst v0  }
0x47: {  	[tilespmem:$0xA9E0] =	vst v0  }
0x48: {  	[tilespmem:$0xA9F0] =	vst v0  }
0x49: {  	[tilespmem:$0xAA00] =	vst v0  }
0x4a: {  	[tilespmem:$0xAA10] =	vst v0  }
0x4b: {  	[tilespmem:$0xAA20] =	vst v0  }
0x4c: {  	[tilespmem:$0xAA30] =	vst v0  }
0x4d: {  	[tilespmem:$0xAA40] =	vst v0  }
0x4e: {  	[tilespmem:$0xAA50] =	vst v0  }
0x4f: {  	[tilespmem:$0xAA60] =	vst v0  }
0x50: {  	[tilespmem:$0xAA70] =	vst v0  }
0x51: {  	[tilespmem:$0xAA80] =	vst v0  }
0x52: {  	[tilespmem:$0xAA90] =	vst v0  }
0x53: {  	[tilespmem:$0xAAA0] =	vst v0  }
0x54: {  	[tilespmem:$0xAAB0] =	vst v0  }
0x55: {  	[tilespmem:$0xAAC0] =	vst v0  }
0x56: {  	[tilespmem:$0xAAD0] =	vst v0  }
0x57: {  	[tilespmem:$0xAAE0] =	vst v0  }
0x58: {  	s6 =	rddreg [dreg:$0x17];
	[tilespmem:$0xAAF0] =	vst v0  }
0x59: {  	[spmem:s6] =	stream.linear.scatter [tilespmem:s29], [sflag:$0xD], $0x2000, $0x38;
	[tilespmem:$0x1ED80] =	vst v63  }
0x5a: {  	_ =	swait.ge [sflag:s30], $0x2000  }
0x5b: {  	[sflag:s30] =	ssyncset.done $0x0  }
0x5c: {  	s7 =	rddreg [dreg:$0x6];
	[sflag:s30] =	ssyncadd.s32 $0xFFFFE000  }
0x5d: {  	[spmem:s7] =	stream.linear.scatter [tilespmem:s29], [sflag:$0xD], $0x2000, $0x38;
	[tilespmem:$0x1ED80] =	vst v63  }
0x5e: {  	_ =	swait.ge [sflag:s30], $0x2000  }
0x5f: {  	[sflag:s30] =	ssyncset.done $0x0  }
0x60: {  	s9 =	rddreg [dreg:$0x7];
	[sflag:s30] =	ssyncadd.s32 $0xFFFFE000  }
0x61: {  	[spmem:s9] =	stream.linear.scatter [tilespmem:s29], [sflag:$0xD], $0x2000, $0x38;
	[tilespmem:$0x1ED80] =	vst v63  }
0x62: {  	_ =	swait.ge [sflag:s30], $0x2000  }
0x63: {  	[sflag:s30] =	ssyncset.done $0x0  }
0x64: {  	s25 =	rddreg [dreg:$0x8];
	[sflag:s30] =	ssyncadd.s32 $0xFFFFE000  }
0x65: {  	[spmem:s25] =	stream.linear.scatter [tilespmem:s29], [sflag:$0xD], $0x2000, $0x38;
	[tilespmem:$0x1ED80] =	vst v63  }
0x66: {  	_ =	swait.ge [sflag:s30], $0x2000  }
0x67: {  	[sflag:s30] =	ssyncset.done $0x0  }
0x68: {  	s6 =	rddreg [dreg:$0x9];
	[sflag:s30] =	ssyncadd.s32 $0xFFFFE000  }
0x69: {  	[spmem:s6] =	stream.linear.scatter [tilespmem:s29], [sflag:$0xD], $0x2000, $0x38;
	[tilespmem:$0x1ED80] =	vst v63  }
0x6a: {  	_ =	swait.ge [sflag:s30], $0x2000  }
0x6b: {  	[sflag:s30] =	ssyncset.done $0x0  }
0x6c: {  	s9 =	rddreg [dreg:$0xa];
	[sflag:s30] =	ssyncadd.s32 $0xFFFFE000  }
0x6d: {  	[spmem:s9] =	stream.linear.scatter [tilespmem:s29], [sflag:$0xD], $0x2000, $0x38;
	[tilespmem:$0x1ED80] =	vst v63  }
0x6e: {  	_ =	swait.ge [sflag:s30], $0x2000  }
0x6f: {  	[sflag:s30] =	ssyncset.done $0x0  }
0x70: {  	s25 =	rddreg [dreg:$0xb];
	[sflag:s30] =	ssyncadd.s32 $0xFFFFE000  }
0x71: {  	[spmem:s25] =	stream.linear.scatter [tilespmem:s29], [sflag:$0xD], $0x2000, $0x38;
	[tilespmem:$0x1ED80] =	vst v63  }
0x72: {  	_ =	swait.ge [sflag:s30], $0x2000  }
0x73: {  	[sflag:s30] =	ssyncset.done $0x0  }
0x74: {  	s6 =	rddreg [dreg:$0x14];
	[sflag:s30] =	ssyncadd.s32 $0xFFFFE000  }
0x75: {  	[spmem:s6] =	stream.linear.scatter [tilespmem:s29], [sflag:$0xD], $0x2000, $0x38;
	[tilespmem:$0x1ED80] =	vst v63  }
0x76: {  	_ =	swait.ge [sflag:s30], $0x2000  }
0x77: {  	[sflag:s30] =	ssyncset.done $0x0  }
0x78: {  	s9 =	rddreg [dreg:$0x1a];
	[sflag:s30] =	ssyncadd.s32 $0xFFFFE000  }
0x79: {  	[spmem:s9] =	stream.linear.scatter [tilespmem:s29], [sflag:$0xD], $0x2000, $0x38;
	[tilespmem:$0x1ED80] =	vst v63  }
0x7a: {  	_ =	swait.ge [sflag:s30], $0x2000  }
0x7b: {  	[sflag:s30] =	ssyncset.done $0x0  }
0x7c: {  	s25 =	rddreg [dreg:$0x1b];
	[sflag:s30] =	ssyncadd.s32 $0xFFFFE000  }
0x7d: {  	[spmem:s25] =	stream.linear.scatter [tilespmem:s29], [sflag:$0xD], $0x2000, $0x38;
	[tilespmem:$0x1ED80] =	vst v63  }
0x7e: {  	_ =	swait.ge [sflag:s30], $0x2000  }
0x7f: {  	[sflag:s30] =	ssyncset.done $0x0  }
0x80: {  	s9 =	simm.s32 $0xA880;
	s6 =	rddreg [dreg:$0x15];
	[sflag:s30] =	ssyncadd.s32 $0xFFFFE000  }
0x81: {  	[spmem:s6] =	stream.linear.scatter [tilespmem:s9], [sflag:$0xD], $0x280, $0x38;
	[tilespmem:$0x1ED80] =	vst v63  }
0x82: {  	_ =	swait.ge [sflag:s30], $0x280  }
0x83: {  	[sflag:s30] =	ssyncset.done $0x0  }
0x84: {  	[sflag:s30] =	ssyncadd.s32 $0xFFFFFD80  }
0x85: {  	[bflag:$0x0] =	sbarrier.arrive $0xFFFF  }
0x86: {  	s7 =	simm.s32 $0x0;
	s9 =	rddreg [dreg:$0xc]  }
0x87: {  	[tilespmem:s7], [sflag:$0xD] =	stream.linear.gather [hbm4b:s9+s7], $0x1400, $0x38;
	[tilespmem:$0x1ED80] =	vst v63  }
0x88: {  	_ =	swait.ge [sflag:s30], $0x1400  }
0x89: {  	[sflag:s30] =	ssyncset.done $0x0  }
0x8a: {  	s6 =	simm.s32 $0x1400;
	s25 =	rddreg [dreg:$0xd];
	[sflag:s30] =	ssyncadd.s32 $0xFFFFEC00  }
0x8b: {  	[tilespmem:s6], [sflag:$0xD] =	stream.linear.gather [hbm4b:s25+s7], $0x1400, $0x38;
	[tilespmem:$0x1ED80] =	vst v63  }
0x8c: {  	_ =	swait.ge [sflag:s30], $0x1400  }
0x8d: {  	[sflag:s30] =	ssyncset.done $0x0  }
0x8e: {  	[sflag:s30] =	ssyncadd.s32 $0xFFFFEC00  }
0x8f: {  	[tilespmem:s29], [sflag:$0x1] =	stream.indirect.gather [hbm4b:s0+s5], $0x80, s7, s5, $0xb8;
	[tilespmem:$0x1ED80] =	vst v63  }
0x90: {  	s9 =	simm.s32 $0x80  }
0x91: {  	[tilespmem:s1], [sflag:$0x2] =	stream.indirect.gather [hbm4b:s0+s5], $0x80, s9, s5, $0xb8;
	[tilespmem:$0x1ED80] =	vst v63  }
0x92: {  	s25 =	simm.s32 $0x100  }
0x93: {  	[tilespmem:s8], [sflag:$0x3] =	stream.indirect.gather [hbm4b:s0+s5], $0x80, s25, s5, $0xb8;
	[tilespmem:$0x1ED80] =	vst v63  }
0x94: {  	s9 =	simm.s32 $0x180  }
0x95: {  	[tilespmem:s10], [sflag:$0x4] =	stream.indirect.gather [hbm4b:s0+s5], $0x80, s9, s5, $0xb8;
	[tilespmem:$0x1ED80] =	vst v63  }
0x96: {  	_ =	swait.ge [sflag:s11], $0x2000  }
0x97: {  	[sflag:s11] =	ssyncset.done $0x0  }
0x98: {  	s25 =	simm.s32 $0x1400;
	[sflag:s11] =	ssyncadd.s32 $0xFFFFE000  }
0x99: {  	[spmem:s3] =	stream.indirect.scatter.add.f32 [tilespmem:s29], [sflag:$0x5], $0x80, s25, s5, $0xb8;
	[tilespmem:$0x1ED80] =	vst v63  }
0x9a: {  	_ = 	snop  }
0x9b: {  	[spmem:s4] =	stream.indirect.scatter.add.f32 [tilespmem:s12], [sflag:$0x9], $0x1, s25, s5, $0xb8;
	[tilespmem:$0x1ED80] =	vst v63  }
0x9c: {  	_ =	swait.ge [sflag:s13], $0x2000  }
0x9d: {  	[sflag:s13] =	ssyncset.done $0x0  }
0x9e: {  	[sflag:s13] =	ssyncadd.s32 $0xFFFFE000  }
0x9f: {  	_ =	swait.ge [sflag:s14], $0x40  }
0xa0: {  	[sflag:s14] =	ssyncset.done $0x0  }
0xa1: {  	s9 =	simm.s32 $0x200;
	[sflag:s14] =	ssyncadd.s32 $0xFFFFFFC0  }
0xa2: {  	[tilespmem:s29], [sflag:$0x1] =	stream.indirect.gather [hbm4b:s0+s5], $0x80, s9, s5, $0xb8;
	[tilespmem:$0x1ED80] =	vst v63  }
0xa3: {  	_ =	swait.ge [sflag:s15], $0x2000  }
0xa4: {  	[sflag:s15] =	ssyncset.done $0x0  }
0xa5: {  	s25 =	simm.s32 $0x1480;
	[sflag:s15] =	ssyncadd.s32 $0xFFFFE000  }
0xa6: {  	[spmem:s3] =	stream.indirect.scatter.add.f32 [tilespmem:s1], [sflag:$0x6], $0x80, s25, s5, $0xb8;
	[tilespmem:$0x1ED80] =	vst v63  }
0xa7: {  	_ = 	snop  }
0xa8: {  	[spmem:s4] =	stream.indirect.scatter.add.f32 [tilespmem:s12], [sflag:$0xA], $0x1, s25, s5, $0xb8;
	[tilespmem:$0x1ED80] =	vst v63  }
0xa9: {  	_ =	swait.ge [sflag:s16], $0x2000  }
0xaa: {  	[sflag:s16] =	ssyncset.done $0x0  }
0xab: {  	[sflag:s16] =	ssyncadd.s32 $0xFFFFE000  }
0xac: {  	_ =	swait.ge [sflag:s17], $0x40  }
0xad: {  	[sflag:s17] =	ssyncset.done $0x0  }
0xae: {  	s9 =	simm.s32 $0x280;
	[sflag:s17] =	ssyncadd.s32 $0xFFFFFFC0  }
0xaf: {  	[tilespmem:s1], [sflag:$0x2] =	stream.indirect.gather [hbm4b:s0+s5], $0x80, s9, s5, $0xb8;
	[tilespmem:$0x1ED80] =	vst v63  }
0xb0: {  	_ =	swait.ge [sflag:s18], $0x2000  }
0xb1: {  	[sflag:s18] =	ssyncset.done $0x0  }
0xb2: {  	s25 =	simm.s32 $0x1500;
	[sflag:s18] =	ssyncadd.s32 $0xFFFFE000  }
0xb3: {  	[spmem:s3] =	stream.indirect.scatter.add.f32 [tilespmem:s8], [sflag:$0x7], $0x80, s25, s5, $0xb8;
	[tilespmem:$0x1ED80] =	vst v63  }
0xb4: {  	_ = 	snop  }
0xb5: {  	[spmem:s4] =	stream.indirect.scatter.add.f32 [tilespmem:s12], [sflag:$0xB], $0x1, s25, s5, $0xb8;
	[tilespmem:$0x1ED80] =	vst v63  }
0xb6: {  	_ =	swait.ge [sflag:s19], $0x2000  }
0xb7: {  	[sflag:s19] =	ssyncset.done $0x0  }
0xb8: {  	[sflag:s19] =	ssyncadd.s32 $0xFFFFE000  }
0xb9: {  	_ =	swait.ge [sflag:s20], $0x40  }
0xba: {  	[sflag:s20] =	ssyncset.done $0x0  }
0xbb: {  	s9 =	simm.s32 $0x300;
	[sflag:s20] =	ssyncadd.s32 $0xFFFFFFC0  }
0xbc: {  	[tilespmem:s8], [sflag:$0x3] =	stream.indirect.gather [hbm4b:s0+s5], $0x80, s9, s5, $0xb8;
	[tilespmem:$0x1ED80] =	vst v63  }
0xbd: {  	_ =	swait.ge [sflag:s21], $0x2000  }
0xbe: {  	[sflag:s21] =	ssyncset.done $0x0  }
0xbf: {  	s25 =	simm.s32 $0x1580;
	[sflag:s21] =	ssyncadd.s32 $0xFFFFE000  }
0xc0: {  	[spmem:s3] =	stream.indirect.scatter.add.f32 [tilespmem:s10], [sflag:$0x8], $0x80, s25, s5, $0xb8;
	[tilespmem:$0x1ED80] =	vst v63  }
0xc1: {  	_ = 	snop  }
0xc2: {  	[spmem:s4] =	stream.indirect.scatter.add.f32 [tilespmem:s12], [sflag:$0xC], $0x1, s25, s5, $0xb8;
	[tilespmem:$0x1ED80] =	vst v63  }
0xc3: {  	_ =	swait.ge [sflag:s23], $0x2000  }
0xc4: {  	[sflag:s23] =	ssyncset.done $0x0  }
0xc5: {  	[sflag:s23] =	ssyncadd.s32 $0xFFFFE000  }
0xc6: {  	_ =	swait.ge [sflag:s24], $0x40  }
0xc7: {  	s31 =	simm.s32 $0x800;
	[sflag:s24] =	ssyncset.done $0x0  }
0xc8: {  	s7 =	simm.s32 $0x380;
	s25 =	simm.s32 $0x2600;
	[sflag:s24] =	ssyncadd.s32 $0xFFFFFFC0  }
.LBB2_4:
0xc9: {  	[tilespmem:s10], [sflag:$0x4] =	stream.indirect.gather [hbm4b:s0+s5], $0x80, s7, s5, $0xb8;
	[tilespmem:$0x1ED80] =	vst v63  }
0xca: {  	s7 =	smov.u32 s31  }
0xcb: {  	p0 =	sne.s32 s31, $0x4000;
	s31 =	sadd.s32 $0x800, s31;
	_ =	swait.ge [sflag:s11], $0x2000  }
0xcc: {  	s7 =	sshra.s32 s7, $0x2;
	[sflag:s11] =	ssyncset.done $0x0  }
0xcd: {  	s9 =	sadd.s32 $0x1400, s7;
	[sflag:s11] =	ssyncadd.s32 $0xFFFFE000  }
0xce: {  	[spmem:s3] =	stream.indirect.scatter.add.f32 [tilespmem:s29], [sflag:$0x5], $0x80, s9, s5, $0xb8;
	[tilespmem:$0x1ED80] =	vst v63  }
0xcf: {  	_ = 	snop  }
0xd0: {  	[spmem:s4] =	stream.indirect.scatter.add.f32 [tilespmem:s12], [sflag:$0x9], $0x1, s9, s5, $0xb8;
	[tilespmem:$0x1ED80] =	vst v63  }
0xd1: {  	_ =	swait.ge [sflag:s13], $0x2000  }
0xd2: {  	[sflag:s13] =	ssyncset.done $0x0  }
0xd3: {  	[sflag:s13] =	ssyncadd.s32 $0xFFFFE000  }
0xd4: {  	_ =	swait.ge [sflag:s14], $0x40  }
0xd5: {  	[sflag:s14] =	ssyncset.done $0x0  }
0xd6: {  	s9 =	sadd.s32 $0x200, s7;
	[sflag:s14] =	ssyncadd.s32 $0xFFFFFFC0  }
0xd7: {  	[tilespmem:s29], [sflag:$0x1] =	stream.indirect.gather [hbm4b:s0+s5], $0x80, s9, s5, $0xb8;
	[tilespmem:$0x1ED80] =	vst v63  }
0xd8: {  	_ =	swait.ge [sflag:s15], $0x2000  }
0xd9: {  	[sflag:s15] =	ssyncset.done $0x0  }
0xda: {  	s9 =	sadd.s32 $0x1480, s7;
	[sflag:s15] =	ssyncadd.s32 $0xFFFFE000  }
0xdb: {  	[spmem:s3] =	stream.indirect.scatter.add.f32 [tilespmem:s1], [sflag:$0x6], $0x80, s9, s5, $0xb8;
	[tilespmem:$0x1ED80] =	vst v63  }
0xdc: {  	_ = 	snop  }
0xdd: {  	[spmem:s4] =	stream.indirect.scatter.add.f32 [tilespmem:s12], [sflag:$0xA], $0x1, s9, s5, $0xb8;
	[tilespmem:$0x1ED80] =	vst v63  }
0xde: {  	_ =	swait.ge [sflag:s16], $0x2000  }
0xdf: {  	[sflag:s16] =	ssyncset.done $0x0  }
0xe0: {  	[sflag:s16] =	ssyncadd.s32 $0xFFFFE000  }
0xe1: {  	_ =	swait.ge [sflag:s17], $0x40  }
0xe2: {  	[sflag:s17] =	ssyncset.done $0x0  }
0xe3: {  	s9 =	sadd.s32 $0x280, s7;
	[sflag:s17] =	ssyncadd.s32 $0xFFFFFFC0  }
0xe4: {  	[tilespmem:s1], [sflag:$0x2] =	stream.indirect.gather [hbm4b:s0+s5], $0x80, s9, s5, $0xb8;
	[tilespmem:$0x1ED80] =	vst v63  }
0xe5: {  	_ =	swait.ge [sflag:s18], $0x2000  }
0xe6: {  	[sflag:s18] =	ssyncset.done $0x0  }
0xe7: {  	s9 =	sadd.s32 $0x1500, s7;
	[sflag:s18] =	ssyncadd.s32 $0xFFFFE000  }
0xe8: {  	[spmem:s3] =	stream.indirect.scatter.add.f32 [tilespmem:s8], [sflag:$0x7], $0x80, s9, s5, $0xb8;
	[tilespmem:$0x1ED80] =	vst v63  }
0xe9: {  	_ = 	snop  }
0xea: {  	[spmem:s4] =	stream.indirect.scatter.add.f32 [tilespmem:s12], [sflag:$0xB], $0x1, s9, s5, $0xb8;
	[tilespmem:$0x1ED80] =	vst v63  }
0xeb: {  	_ =	swait.ge [sflag:s19], $0x2000  }
0xec: {  	[sflag:s19] =	ssyncset.done $0x0  }
0xed: {  	[sflag:s19] =	ssyncadd.s32 $0xFFFFE000  }
0xee: {  	_ =	swait.ge [sflag:s20], $0x40  }
0xef: {  	[sflag:s20] =	ssyncset.done $0x0  }
0xf0: {  	s9 =	sadd.s32 $0x300, s7;
	[sflag:s20] =	ssyncadd.s32 $0xFFFFFFC0  }
0xf1: {  	[tilespmem:s8], [sflag:$0x3] =	stream.indirect.gather [hbm4b:s0+s5], $0x80, s9, s5, $0xb8;
	[tilespmem:$0x1ED80] =	vst v63  }
0xf2: {  	_ =	swait.ge [sflag:s21], $0x2000  }
0xf3: {  	[sflag:s21] =	ssyncset.done $0x0  }
0xf4: {  	s9 =	sadd.s32 $0x1580, s7;
	[sflag:s21] =	ssyncadd.s32 $0xFFFFE000  }
0xf5: {  	[spmem:s3] =	stream.indirect.scatter.add.f32 [tilespmem:s10], [sflag:$0x8], $0x80, s9, s5, $0xb8;
	[tilespmem:$0x1ED80] =	vst v63  }
0xf6: {  	_ = 	snop  }
0xf7: {  	[spmem:s4] =	stream.indirect.scatter.add.f32 [tilespmem:s12], [sflag:$0xC], $0x1, s9, s5, $0xb8;
	[tilespmem:$0x1ED80] =	vst v63  }
0xf8: {  	_ =	swait.ge [sflag:s23], $0x2000  }
.Ltmp1:
0xf9: {  	[sflag:s23] =	ssyncset.done $0x0;
	(pc) =	sbr.rel @p0 .LBB2_4-.Ltmp1, $4  }
0xfa: {  	[sflag:s23] =	ssyncadd.s32 $0xFFFFE000  }
0xfb: {  	_ =	swait.ge [sflag:s24], $0x40  }
0xfc: {  	[sflag:s24] =	ssyncset.done $0x0  }
0xfd: {  	s7 =	sadd.s32 $0x380, s7;
	[sflag:s24] =	ssyncadd.s32 $0xFFFFFFC0  }
0xfe: {  	[tilespmem:s10], [sflag:$0x4] =	stream.indirect.gather [hbm4b:s0+s5], $0x80, s7, s5, $0xb8;
	[tilespmem:$0x1ED80] =	vst v63  }
0xff: {  	_ =	swait.ge [sflag:s11], $0x2000  }
0x100: {  	[sflag:s11] =	ssyncset.done $0x0  }
0x101: {  	[sflag:s11] =	ssyncadd.s32 $0xFFFFE000  }
0x102: {  	[spmem:s3] =	stream.indirect.scatter.add.f32 [tilespmem:s29], [sflag:$0x5], $0x80, s25, s5, $0xb8;
	[tilespmem:$0x1ED80] =	vst v63  }
0x103: {  	_ = 	snop  }
0x104: {  	[spmem:s4] =	stream.indirect.scatter.add.f32 [tilespmem:s12], [sflag:$0x9], $0x1, s25, s5, $0xb8;
	[tilespmem:$0x1ED80] =	vst v63  }
0x105: {  	_ =	swait.ge [sflag:s13], $0x2000  }
0x106: {  	[sflag:s13] =	ssyncset.done $0x0  }
0x107: {  	[sflag:s13] =	ssyncadd.s32 $0xFFFFE000  }
0x108: {  	_ =	swait.ge [sflag:s14], $0x40  }
0x109: {  	[sflag:s14] =	ssyncset.done $0x0  }
0x10a: {  	[sflag:s14] =	ssyncadd.s32 $0xFFFFFFC0  }
0x10b: {  	_ =	swait.ge [sflag:s15], $0x2000  }
0x10c: {  	[sflag:s15] =	ssyncset.done $0x0  }
0x10d: {  	[sflag:s15] =	ssyncadd.s32 $0xFFFFE000  }
0x10e: {  	[spmem:s3] =	stream.indirect.scatter.add.f32 [tilespmem:s1], [sflag:$0x6], $0x80, s26, s5, $0xb8;
	[tilespmem:$0x1ED80] =	vst v63  }
0x10f: {  	_ = 	snop  }
0x110: {  	[spmem:s4] =	stream.indirect.scatter.add.f32 [tilespmem:s12], [sflag:$0xA], $0x1, s26, s5, $0xb8;
	[tilespmem:$0x1ED80] =	vst v63  }
0x111: {  	_ =	swait.ge [sflag:s16], $0x2000  }
0x112: {  	[sflag:s16] =	ssyncset.done $0x0  }
0x113: {  	[sflag:s16] =	ssyncadd.s32 $0xFFFFE000  }
0x114: {  	_ =	swait.ge [sflag:s17], $0x40  }
0x115: {  	[sflag:s17] =	ssyncset.done $0x0  }
0x116: {  	[sflag:s17] =	ssyncadd.s32 $0xFFFFFFC0  }
0x117: {  	_ =	swait.ge [sflag:s18], $0x2000  }
0x118: {  	[sflag:s18] =	ssyncset.done $0x0  }
0x119: {  	[sflag:s18] =	ssyncadd.s32 $0xFFFFE000  }
0x11a: {  	[spmem:s3] =	stream.indirect.scatter.add.f32 [tilespmem:s8], [sflag:$0x7], $0x80, s28, s5, $0xb8;
	[tilespmem:$0x1ED80] =	vst v63  }
0x11b: {  	_ = 	snop  }
0x11c: {  	[spmem:s4] =	stream.indirect.scatter.add.f32 [tilespmem:s12], [sflag:$0xB], $0x1, s28, s5, $0xb8;
	[tilespmem:$0x1ED80] =	vst v63  }
0x11d: {  	_ =	swait.ge [sflag:s19], $0x2000  }
0x11e: {  	[sflag:s19] =	ssyncset.done $0x0  }
0x11f: {  	[sflag:s19] =	ssyncadd.s32 $0xFFFFE000  }
0x120: {  	_ =	swait.ge [sflag:s20], $0x40  }
0x121: {  	[sflag:s20] =	ssyncset.done $0x0  }
0x122: {  	[sflag:s20] =	ssyncadd.s32 $0xFFFFFFC0  }
0x123: {  	_ =	swait.ge [sflag:s21], $0x2000  }
0x124: {  	[sflag:s21] =	ssyncset.done $0x0  }
0x125: {  	[sflag:s21] =	ssyncadd.s32 $0xFFFFE000  }
0x126: {  	[spmem:s3] =	stream.indirect.scatter.add.f32 [tilespmem:s10], [sflag:$0x8], $0x80, s22, s5, $0xb8;
	[tilespmem:$0x1ED80] =	vst v63  }
0x127: {  	_ = 	snop  }
0x128: {  	[spmem:s4] =	stream.indirect.scatter.add.f32 [tilespmem:s12], [sflag:$0xC], $0x1, s22, s5, $0xb8;
	[tilespmem:$0x1ED80] =	vst v63  }
0x129: {  	_ =	swait.ge [sflag:s23], $0x2000  }
0x12a: {  	[sflag:s23] =	ssyncset.done $0x0  }
0x12b: {  	[sflag:s23] =	ssyncadd.s32 $0xFFFFE000  }
0x12c: {  	_ =	swait.ge [sflag:s24], $0x40  }
0x12d: {  	[sflag:s24] =	ssyncset.done $0x0  }
0x12e: {  	s7 =	simm.s32 $0x0;
	s9 =	rddreg [dreg:$0xe];
	[sflag:s24] =	ssyncadd.s32 $0xFFFFFFC0  }
0x12f: {  	[tilespmem:s7], [sflag:$0xD] =	stream.linear.gather [hbm4b:s9+s7], $0x1400, $0x38;
	[tilespmem:$0x1ED80] =	vst v63  }
0x130: {  	_ =	swait.ge [sflag:s30], $0x1400  }
0x131: {  	[sflag:s30] =	ssyncset.done $0x0  }
0x132: {  	s9 =	rddreg [dreg:$0xf];
	[sflag:s30] =	ssyncadd.s32 $0xFFFFEC00  }
0x133: {  	[tilespmem:s6], [sflag:$0xD] =	stream.linear.gather [hbm4b:s9+s7], $0x1400, $0x38;
	[tilespmem:$0x1ED80] =	vst v63  }
0x134: {  	_ =	swait.ge [sflag:s30], $0x1400  }
0x135: {  	[sflag:s30] =	ssyncset.done $0x0  }
0x136: {  	[sflag:s30] =	ssyncadd.s32 $0xFFFFEC00  }
0x137: {  	[tilespmem:s29], [sflag:$0x1] =	stream.indirect.gather [hbm4b:s0+s5], $0x80, s7, s5, $0xb8;
	[tilespmem:$0x1ED80] =	vst v63  }
0x138: {  	s9 =	simm.s32 $0x80  }
0x139: {  	[tilespmem:s1], [sflag:$0x2] =	stream.indirect.gather [hbm4b:s0+s5], $0x80, s9, s5, $0xb8;
	[tilespmem:$0x1ED80] =	vst v63  }
0x13a: {  	s9 =	simm.s32 $0x100  }
0x13b: {  	[tilespmem:s8], [sflag:$0x3] =	stream.indirect.gather [hbm4b:s0+s5], $0x80, s9, s5, $0xb8;
	[tilespmem:$0x1ED80] =	vst v63  }
0x13c: {  	s9 =	simm.s32 $0x180  }
0x13d: {  	[tilespmem:s10], [sflag:$0x4] =	stream.indirect.gather [hbm4b:s0+s5], $0x80, s9, s5, $0xb8;
	[tilespmem:$0x1ED80] =	vst v63  }
0x13e: {  	_ =	swait.ge [sflag:s11], $0x2000  }
0x13f: {  	[sflag:s11] =	ssyncset.done $0x0  }
0x140: {  	s9 =	simm.s32 $0x1400;
	[sflag:s11] =	ssyncadd.s32 $0xFFFFE000  }
0x141: {  	[spmem:s3] =	stream.indirect.scatter.add.f32 [tilespmem:s29], [sflag:$0x5], $0x80, s9, s5, $0xb8;
	[tilespmem:$0x1ED80] =	vst v63  }
0x142: {  	_ = 	snop  }
0x143: {  	[spmem:s4] =	stream.indirect.scatter.add.f32 [tilespmem:s12], [sflag:$0x9], $0x1, s9, s5, $0xb8;
	[tilespmem:$0x1ED80] =	vst v63  }
0x144: {  	_ =	swait.ge [sflag:s13], $0x2000  }
0x145: {  	[sflag:s13] =	ssyncset.done $0x0  }
0x146: {  	[sflag:s13] =	ssyncadd.s32 $0xFFFFE000  }
0x147: {  	_ =	swait.ge [sflag:s14], $0x40  }
0x148: {  	[sflag:s14] =	ssyncset.done $0x0  }
0x149: {  	s9 =	simm.s32 $0x200;
	[sflag:s14] =	ssyncadd.s32 $0xFFFFFFC0  }
0x14a: {  	[tilespmem:s29], [sflag:$0x1] =	stream.indirect.gather [hbm4b:s0+s5], $0x80, s9, s5, $0xb8;
	[tilespmem:$0x1ED80] =	vst v63  }
0x14b: {  	_ =	swait.ge [sflag:s15], $0x2000  }
0x14c: {  	[sflag:s15] =	ssyncset.done $0x0  }
0x14d: {  	s9 =	simm.s32 $0x1480;
	[sflag:s15] =	ssyncadd.s32 $0xFFFFE000  }
0x14e: {  	[spmem:s3] =	stream.indirect.scatter.add.f32 [tilespmem:s1], [sflag:$0x6], $0x80, s9, s5, $0xb8;
	[tilespmem:$0x1ED80] =	vst v63  }
0x14f: {  	_ = 	snop  }
0x150: {  	[spmem:s4] =	stream.indirect.scatter.add.f32 [tilespmem:s12], [sflag:$0xA], $0x1, s9, s5, $0xb8;
	[tilespmem:$0x1ED80] =	vst v63  }
0x151: {  	_ =	swait.ge [sflag:s16], $0x2000  }
0x152: {  	[sflag:s16] =	ssyncset.done $0x0  }
0x153: {  	[sflag:s16] =	ssyncadd.s32 $0xFFFFE000  }
0x154: {  	_ =	swait.ge [sflag:s17], $0x40  }
0x155: {  	[sflag:s17] =	ssyncset.done $0x0  }
0x156: {  	s9 =	simm.s32 $0x280;
	[sflag:s17] =	ssyncadd.s32 $0xFFFFFFC0  }
0x157: {  	[tilespmem:s1], [sflag:$0x2] =	stream.indirect.gather [hbm4b:s0+s5], $0x80, s9, s5, $0xb8;
	[tilespmem:$0x1ED80] =	vst v63  }
0x158: {  	_ =	swait.ge [sflag:s18], $0x2000  }
0x159: {  	[sflag:s18] =	ssyncset.done $0x0  }
0x15a: {  	s9 =	simm.s32 $0x1500;
	[sflag:s18] =	ssyncadd.s32 $0xFFFFE000  }
0x15b: {  	[spmem:s3] =	stream.indirect.scatter.add.f32 [tilespmem:s8], [sflag:$0x7], $0x80, s9, s5, $0xb8;
	[tilespmem:$0x1ED80] =	vst v63  }
0x15c: {  	_ = 	snop  }
0x15d: {  	[spmem:s4] =	stream.indirect.scatter.add.f32 [tilespmem:s12], [sflag:$0xB], $0x1, s9, s5, $0xb8;
	[tilespmem:$0x1ED80] =	vst v63  }
0x15e: {  	_ =	swait.ge [sflag:s19], $0x2000  }
0x15f: {  	[sflag:s19] =	ssyncset.done $0x0  }
0x160: {  	[sflag:s19] =	ssyncadd.s32 $0xFFFFE000  }
0x161: {  	_ =	swait.ge [sflag:s20], $0x40  }
0x162: {  	[sflag:s20] =	ssyncset.done $0x0  }
0x163: {  	s9 =	simm.s32 $0x300;
	[sflag:s20] =	ssyncadd.s32 $0xFFFFFFC0  }
0x164: {  	[tilespmem:s8], [sflag:$0x3] =	stream.indirect.gather [hbm4b:s0+s5], $0x80, s9, s5, $0xb8;
	[tilespmem:$0x1ED80] =	vst v63  }
0x165: {  	_ =	swait.ge [sflag:s21], $0x2000  }
0x166: {  	[sflag:s21] =	ssyncset.done $0x0  }
0x167: {  	s9 =	simm.s32 $0x1580;
	[sflag:s21] =	ssyncadd.s32 $0xFFFFE000  }
0x168: {  	[spmem:s3] =	stream.indirect.scatter.add.f32 [tilespmem:s10], [sflag:$0x8], $0x80, s9, s5, $0xb8;
	[tilespmem:$0x1ED80] =	vst v63  }
0x169: {  	_ = 	snop  }
0x16a: {  	[spmem:s4] =	stream.indirect.scatter.add.f32 [tilespmem:s12], [sflag:$0xC], $0x1, s9, s5, $0xb8;
	[tilespmem:$0x1ED80] =	vst v63  }
0x16b: {  	_ =	swait.ge [sflag:s23], $0x2000  }
0x16c: {  	[sflag:s23] =	ssyncset.done $0x0  }
0x16d: {  	[sflag:s23] =	ssyncadd.s32 $0xFFFFE000  }
0x16e: {  	_ =	swait.ge [sflag:s24], $0x40  }
0x16f: {  	[sflag:s24] =	ssyncset.done $0x0  }
0x170: {  	s31 =	simm.s32 $0x800;
	s7 =	simm.s32 $0x380;
	[sflag:s24] =	ssyncadd.s32 $0xFFFFFFC0  }
.LBB2_6:
0x171: {  	[tilespmem:s10], [sflag:$0x4] =	stream.indirect.gather [hbm4b:s0+s5], $0x80, s7, s5, $0xb8;
	[tilespmem:$0x1ED80] =	vst v63  }
0x172: {  	s7 =	smov.u32 s31  }
0x173: {  	p0 =	sne.s32 s31, $0x4000;
	s31 =	sadd.s32 $0x800, s31;
	_ =	swait.ge [sflag:s11], $0x2000  }
0x174: {  	s7 =	sshra.s32 s7, $0x2;
	[sflag:s11] =	ssyncset.done $0x0  }
0x175: {  	s9 =	sadd.s32 $0x1400, s7;
	[sflag:s11] =	ssyncadd.s32 $0xFFFFE000  }
0x176: {  	[spmem:s3] =	stream.indirect.scatter.add.f32 [tilespmem:s29], [sflag:$0x5], $0x80, s9, s5, $0xb8;
	[tilespmem:$0x1ED80] =	vst v63  }
0x177: {  	_ = 	snop  }
0x178: {  	[spmem:s4] =	stream.indirect.scatter.add.f32 [tilespmem:s12], [sflag:$0x9], $0x1, s9, s5, $0xb8;
	[tilespmem:$0x1ED80] =	vst v63  }
0x179: {  	_ =	swait.ge [sflag:s13], $0x2000  }
0x17a: {  	[sflag:s13] =	ssyncset.done $0x0  }
0x17b: {  	[sflag:s13] =	ssyncadd.s32 $0xFFFFE000  }
0x17c: {  	_ =	swait.ge [sflag:s14], $0x40  }
0x17d: {  	[sflag:s14] =	ssyncset.done $0x0  }
0x17e: {  	s9 =	sadd.s32 $0x200, s7;
	[sflag:s14] =	ssyncadd.s32 $0xFFFFFFC0  }
0x17f: {  	[tilespmem:s29], [sflag:$0x1] =	stream.indirect.gather [hbm4b:s0+s5], $0x80, s9, s5, $0xb8;
	[tilespmem:$0x1ED80] =	vst v63  }
0x180: {  	_ =	swait.ge [sflag:s15], $0x2000  }
0x181: {  	[sflag:s15] =	ssyncset.done $0x0  }
0x182: {  	s9 =	sadd.s32 $0x1480, s7;
	[sflag:s15] =	ssyncadd.s32 $0xFFFFE000  }
0x183: {  	[spmem:s3] =	stream.indirect.scatter.add.f32 [tilespmem:s1], [sflag:$0x6], $0x80, s9, s5, $0xb8;
	[tilespmem:$0x1ED80] =	vst v63  }
0x184: {  	_ = 	snop  }
0x185: {  	[spmem:s4] =	stream.indirect.scatter.add.f32 [tilespmem:s12], [sflag:$0xA], $0x1, s9, s5, $0xb8;
	[tilespmem:$0x1ED80] =	vst v63  }
0x186: {  	_ =	swait.ge [sflag:s16], $0x2000  }
0x187: {  	[sflag:s16] =	ssyncset.done $0x0  }
0x188: {  	[sflag:s16] =	ssyncadd.s32 $0xFFFFE000  }
0x189: {  	_ =	swait.ge [sflag:s17], $0x40  }
0x18a: {  	[sflag:s17] =	ssyncset.done $0x0  }
0x18b: {  	s9 =	sadd.s32 $0x280, s7;
	[sflag:s17] =	ssyncadd.s32 $0xFFFFFFC0  }
0x18c: {  	[tilespmem:s1], [sflag:$0x2] =	stream.indirect.gather [hbm4b:s0+s5], $0x80, s9, s5, $0xb8;
	[tilespmem:$0x1ED80] =	vst v63  }
0x18d: {  	_ =	swait.ge [sflag:s18], $0x2000  }
0x18e: {  	[sflag:s18] =	ssyncset.done $0x0  }
0x18f: {  	s9 =	sadd.s32 $0x1500, s7;
	[sflag:s18] =	ssyncadd.s32 $0xFFFFE000  }
0x190: {  	[spmem:s3] =	stream.indirect.scatter.add.f32 [tilespmem:s8], [sflag:$0x7], $0x80, s9, s5, $0xb8;
	[tilespmem:$0x1ED80] =	vst v63  }
0x191: {  	_ = 	snop  }
0x192: {  	[spmem:s4] =	stream.indirect.scatter.add.f32 [tilespmem:s12], [sflag:$0xB], $0x1, s9, s5, $0xb8;
	[tilespmem:$0x1ED80] =	vst v63  }
0x193: {  	_ =	swait.ge [sflag:s19], $0x2000  }
0x194: {  	[sflag:s19] =	ssyncset.done $0x0  }
0x195: {  	[sflag:s19] =	ssyncadd.s32 $0xFFFFE000  }
0x196: {  	_ =	swait.ge [sflag:s20], $0x40  }
0x197: {  	[sflag:s20] =	ssyncset.done $0x0  }
0x198: {  	s9 =	sadd.s32 $0x300, s7;
	[sflag:s20] =	ssyncadd.s32 $0xFFFFFFC0  }
0x199: {  	[tilespmem:s8], [sflag:$0x3] =	stream.indirect.gather [hbm4b:s0+s5], $0x80, s9, s5, $0xb8;
	[tilespmem:$0x1ED80] =	vst v63  }
0x19a: {  	_ =	swait.ge [sflag:s21], $0x2000  }
0x19b: {  	[sflag:s21] =	ssyncset.done $0x0  }
0x19c: {  	s9 =	sadd.s32 $0x1580, s7;
	[sflag:s21] =	ssyncadd.s32 $0xFFFFE000  }
0x19d: {  	[spmem:s3] =	stream.indirect.scatter.add.f32 [tilespmem:s10], [sflag:$0x8], $0x80, s9, s5, $0xb8;
	[tilespmem:$0x1ED80] =	vst v63  }
0x19e: {  	_ = 	snop  }
0x19f: {  	[spmem:s4] =	stream.indirect.scatter.add.f32 [tilespmem:s12], [sflag:$0xC], $0x1, s9, s5, $0xb8;
	[tilespmem:$0x1ED80] =	vst v63  }
0x1a0: {  	_ =	swait.ge [sflag:s23], $0x2000  }
.Ltmp2:
0x1a1: {  	[sflag:s23] =	ssyncset.done $0x0;
	(pc) =	sbr.rel @p0 .LBB2_6-.Ltmp2, $4  }
0x1a2: {  	[sflag:s23] =	ssyncadd.s32 $0xFFFFE000  }
0x1a3: {  	_ =	swait.ge [sflag:s24], $0x40  }
0x1a4: {  	[sflag:s24] =	ssyncset.done $0x0  }
0x1a5: {  	s7 =	sadd.s32 $0x380, s7;
	[sflag:s24] =	ssyncadd.s32 $0xFFFFFFC0  }
0x1a6: {  	[tilespmem:s10], [sflag:$0x4] =	stream.indirect.gather [hbm4b:s0+s5], $0x80, s7, s5, $0xb8;
	[tilespmem:$0x1ED80] =	vst v63  }
0x1a7: {  	_ =	swait.ge [sflag:s11], $0x2000  }
0x1a8: {  	[sflag:s11] =	ssyncset.done $0x0  }
0x1a9: {  	[sflag:s11] =	ssyncadd.s32 $0xFFFFE000  }
0x1aa: {  	[spmem:s3] =	stream.indirect.scatter.add.f32 [tilespmem:s29], [sflag:$0x5], $0x80, s25, s5, $0xb8;
	[tilespmem:$0x1ED80] =	vst v63  }
0x1ab: {  	_ = 	snop  }
0x1ac: {  	[spmem:s4] =	stream.indirect.scatter.add.f32 [tilespmem:s12], [sflag:$0x9], $0x1, s25, s5, $0xb8;
	[tilespmem:$0x1ED80] =	vst v63  }
0x1ad: {  	_ =	swait.ge [sflag:s13], $0x2000  }
0x1ae: {  	[sflag:s13] =	ssyncset.done $0x0  }
0x1af: {  	[sflag:s13] =	ssyncadd.s32 $0xFFFFE000  }
0x1b0: {  	_ =	swait.ge [sflag:s14], $0x40  }
0x1b1: {  	[sflag:s14] =	ssyncset.done $0x0  }
0x1b2: {  	[sflag:s14] =	ssyncadd.s32 $0xFFFFFFC0  }
0x1b3: {  	_ =	swait.ge [sflag:s15], $0x2000  }
0x1b4: {  	[sflag:s15] =	ssyncset.done $0x0  }
0x1b5: {  	[sflag:s15] =	ssyncadd.s32 $0xFFFFE000  }
0x1b6: {  	[spmem:s3] =	stream.indirect.scatter.add.f32 [tilespmem:s1], [sflag:$0x6], $0x80, s26, s5, $0xb8;
	[tilespmem:$0x1ED80] =	vst v63  }
0x1b7: {  	_ = 	snop  }
0x1b8: {  	[spmem:s4] =	stream.indirect.scatter.add.f32 [tilespmem:s12], [sflag:$0xA], $0x1, s26, s5, $0xb8;
	[tilespmem:$0x1ED80] =	vst v63  }
0x1b9: {  	_ =	swait.ge [sflag:s16], $0x2000  }
0x1ba: {  	[sflag:s16] =	ssyncset.done $0x0  }
0x1bb: {  	[sflag:s16] =	ssyncadd.s32 $0xFFFFE000  }
0x1bc: {  	_ =	swait.ge [sflag:s17], $0x40  }
0x1bd: {  	[sflag:s17] =	ssyncset.done $0x0  }
0x1be: {  	[sflag:s17] =	ssyncadd.s32 $0xFFFFFFC0  }
0x1bf: {  	_ =	swait.ge [sflag:s18], $0x2000  }
0x1c0: {  	[sflag:s18] =	ssyncset.done $0x0  }
0x1c1: {  	[sflag:s18] =	ssyncadd.s32 $0xFFFFE000  }
0x1c2: {  	[spmem:s3] =	stream.indirect.scatter.add.f32 [tilespmem:s8], [sflag:$0x7], $0x80, s28, s5, $0xb8;
	[tilespmem:$0x1ED80] =	vst v63  }
0x1c3: {  	_ = 	snop  }
0x1c4: {  	[spmem:s4] =	stream.indirect.scatter.add.f32 [tilespmem:s12], [sflag:$0xB], $0x1, s28, s5, $0xb8;
	[tilespmem:$0x1ED80] =	vst v63  }
0x1c5: {  	_ =	swait.ge [sflag:s19], $0x2000  }
0x1c6: {  	[sflag:s19] =	ssyncset.done $0x0  }
0x1c7: {  	[sflag:s19] =	ssyncadd.s32 $0xFFFFE000  }
0x1c8: {  	_ =	swait.ge [sflag:s20], $0x40  }
0x1c9: {  	[sflag:s20] =	ssyncset.done $0x0  }
0x1ca: {  	[sflag:s20] =	ssyncadd.s32 $0xFFFFFFC0  }
0x1cb: {  	_ =	swait.ge [sflag:s21], $0x2000  }
0x1cc: {  	[sflag:s21] =	ssyncset.done $0x0  }
0x1cd: {  	[sflag:s21] =	ssyncadd.s32 $0xFFFFE000  }
0x1ce: {  	[spmem:s3] =	stream.indirect.scatter.add.f32 [tilespmem:s10], [sflag:$0x8], $0x80, s22, s5, $0xb8;
	[tilespmem:$0x1ED80] =	vst v63  }
0x1cf: {  	_ = 	snop  }
0x1d0: {  	[spmem:s4] =	stream.indirect.scatter.add.f32 [tilespmem:s12], [sflag:$0xC], $0x1, s22, s5, $0xb8;
	[tilespmem:$0x1ED80] =	vst v63  }
0x1d1: {  	_ =	swait.ge [sflag:s23], $0x2000  }
0x1d2: {  	[sflag:s23] =	ssyncset.done $0x0  }
0x1d3: {  	[sflag:s23] =	ssyncadd.s32 $0xFFFFE000  }
0x1d4: {  	_ =	swait.ge [sflag:s24], $0x40  }
0x1d5: {  	[sflag:s24] =	ssyncset.done $0x0  }
0x1d6: {  	s7 =	simm.s32 $0x0;
	s9 =	rddreg [dreg:$0x10];
	[sflag:s24] =	ssyncadd.s32 $0xFFFFFFC0  }
0x1d7: {  	[tilespmem:s7], [sflag:$0xD] =	stream.linear.gather [hbm4b:s9+s7], $0x1400, $0x38;
	[tilespmem:$0x1ED80] =	vst v63  }
0x1d8: {  	_ =	swait.ge [sflag:s30], $0x1400  }
0x1d9: {  	[sflag:s30] =	ssyncset.done $0x0  }
0x1da: {  	s9 =	rddreg [dreg:$0x11];
	[sflag:s30] =	ssyncadd.s32 $0xFFFFEC00  }
0x1db: {  	[tilespmem:s6], [sflag:$0xD] =	stream.linear.gather [hbm4b:s9+s7], $0x1400, $0x38;
	[tilespmem:$0x1ED80] =	vst v63  }
0x1dc: {  	_ =	swait.ge [sflag:s30], $0x1400  }
0x1dd: {  	[sflag:s30] =	ssyncset.done $0x0  }
0x1de: {  	[sflag:s30] =	ssyncadd.s32 $0xFFFFEC00  }
0x1df: {  	[tilespmem:s29], [sflag:$0x1] =	stream.indirect.gather [hbm4b:s0+s5], $0x80, s7, s5, $0xb8;
	[tilespmem:$0x1ED80] =	vst v63  }
0x1e0: {  	s9 =	simm.s32 $0x80  }
0x1e1: {  	[tilespmem:s1], [sflag:$0x2] =	stream.indirect.gather [hbm4b:s0+s5], $0x80, s9, s5, $0xb8;
	[tilespmem:$0x1ED80] =	vst v63  }
0x1e2: {  	s9 =	simm.s32 $0x100  }
0x1e3: {  	[tilespmem:s8], [sflag:$0x3] =	stream.indirect.gather [hbm4b:s0+s5], $0x80, s9, s5, $0xb8;
	[tilespmem:$0x1ED80] =	vst v63  }
0x1e4: {  	s9 =	simm.s32 $0x180  }
0x1e5: {  	[tilespmem:s10], [sflag:$0x4] =	stream.indirect.gather [hbm4b:s0+s5], $0x80, s9, s5, $0xb8;
	[tilespmem:$0x1ED80] =	vst v63  }
0x1e6: {  	_ =	swait.ge [sflag:s11], $0x2000  }
0x1e7: {  	[sflag:s11] =	ssyncset.done $0x0  }
0x1e8: {  	s9 =	simm.s32 $0x1400;
	[sflag:s11] =	ssyncadd.s32 $0xFFFFE000  }
0x1e9: {  	[spmem:s3] =	stream.indirect.scatter.add.f32 [tilespmem:s29], [sflag:$0x5], $0x80, s9, s5, $0xb8;
	[tilespmem:$0x1ED80] =	vst v63  }
0x1ea: {  	_ = 	snop  }
0x1eb: {  	[spmem:s4] =	stream.indirect.scatter.add.f32 [tilespmem:s12], [sflag:$0x9], $0x1, s9, s5, $0xb8;
	[tilespmem:$0x1ED80] =	vst v63  }
0x1ec: {  	_ =	swait.ge [sflag:s13], $0x2000  }
0x1ed: {  	[sflag:s13] =	ssyncset.done $0x0  }
0x1ee: {  	[sflag:s13] =	ssyncadd.s32 $0xFFFFE000  }
0x1ef: {  	_ =	swait.ge [sflag:s14], $0x40  }
0x1f0: {  	[sflag:s14] =	ssyncset.done $0x0  }
0x1f1: {  	s9 =	simm.s32 $0x200;
	[sflag:s14] =	ssyncadd.s32 $0xFFFFFFC0  }
0x1f2: {  	[tilespmem:s29], [sflag:$0x1] =	stream.indirect.gather [hbm4b:s0+s5], $0x80, s9, s5, $0xb8;
	[tilespmem:$0x1ED80] =	vst v63  }
0x1f3: {  	_ =	swait.ge [sflag:s15], $0x2000  }
0x1f4: {  	[sflag:s15] =	ssyncset.done $0x0  }
0x1f5: {  	s9 =	simm.s32 $0x1480;
	[sflag:s15] =	ssyncadd.s32 $0xFFFFE000  }
0x1f6: {  	[spmem:s3] =	stream.indirect.scatter.add.f32 [tilespmem:s1], [sflag:$0x6], $0x80, s9, s5, $0xb8;
	[tilespmem:$0x1ED80] =	vst v63  }
0x1f7: {  	_ = 	snop  }
0x1f8: {  	[spmem:s4] =	stream.indirect.scatter.add.f32 [tilespmem:s12], [sflag:$0xA], $0x1, s9, s5, $0xb8;
	[tilespmem:$0x1ED80] =	vst v63  }
0x1f9: {  	_ =	swait.ge [sflag:s16], $0x2000  }
0x1fa: {  	[sflag:s16] =	ssyncset.done $0x0  }
0x1fb: {  	[sflag:s16] =	ssyncadd.s32 $0xFFFFE000  }
0x1fc: {  	_ =	swait.ge [sflag:s17], $0x40  }
0x1fd: {  	[sflag:s17] =	ssyncset.done $0x0  }
0x1fe: {  	s9 =	simm.s32 $0x280;
	[sflag:s17] =	ssyncadd.s32 $0xFFFFFFC0  }
0x1ff: {  	[tilespmem:s1], [sflag:$0x2] =	stream.indirect.gather [hbm4b:s0+s5], $0x80, s9, s5, $0xb8;
	[tilespmem:$0x1ED80] =	vst v63  }
0x200: {  	_ =	swait.ge [sflag:s18], $0x2000  }
0x201: {  	[sflag:s18] =	ssyncset.done $0x0  }
0x202: {  	s9 =	simm.s32 $0x1500;
	[sflag:s18] =	ssyncadd.s32 $0xFFFFE000  }
0x203: {  	[spmem:s3] =	stream.indirect.scatter.add.f32 [tilespmem:s8], [sflag:$0x7], $0x80, s9, s5, $0xb8;
	[tilespmem:$0x1ED80] =	vst v63  }
0x204: {  	_ = 	snop  }
0x205: {  	[spmem:s4] =	stream.indirect.scatter.add.f32 [tilespmem:s12], [sflag:$0xB], $0x1, s9, s5, $0xb8;
	[tilespmem:$0x1ED80] =	vst v63  }
0x206: {  	_ =	swait.ge [sflag:s19], $0x2000  }
0x207: {  	[sflag:s19] =	ssyncset.done $0x0  }
0x208: {  	[sflag:s19] =	ssyncadd.s32 $0xFFFFE000  }
0x209: {  	_ =	swait.ge [sflag:s20], $0x40  }
0x20a: {  	[sflag:s20] =	ssyncset.done $0x0  }
0x20b: {  	s9 =	simm.s32 $0x300;
	[sflag:s20] =	ssyncadd.s32 $0xFFFFFFC0  }
0x20c: {  	[tilespmem:s8], [sflag:$0x3] =	stream.indirect.gather [hbm4b:s0+s5], $0x80, s9, s5, $0xb8;
	[tilespmem:$0x1ED80] =	vst v63  }
0x20d: {  	_ =	swait.ge [sflag:s21], $0x2000  }
0x20e: {  	[sflag:s21] =	ssyncset.done $0x0  }
0x20f: {  	s9 =	simm.s32 $0x1580;
	[sflag:s21] =	ssyncadd.s32 $0xFFFFE000  }
0x210: {  	[spmem:s3] =	stream.indirect.scatter.add.f32 [tilespmem:s10], [sflag:$0x8], $0x80, s9, s5, $0xb8;
	[tilespmem:$0x1ED80] =	vst v63  }
0x211: {  	_ = 	snop  }
0x212: {  	[spmem:s4] =	stream.indirect.scatter.add.f32 [tilespmem:s12], [sflag:$0xC], $0x1, s9, s5, $0xb8;
	[tilespmem:$0x1ED80] =	vst v63  }
0x213: {  	_ =	swait.ge [sflag:s23], $0x2000  }
0x214: {  	[sflag:s23] =	ssyncset.done $0x0  }
0x215: {  	[sflag:s23] =	ssyncadd.s32 $0xFFFFE000  }
0x216: {  	_ =	swait.ge [sflag:s24], $0x40  }
0x217: {  	[sflag:s24] =	ssyncset.done $0x0  }
0x218: {  	s31 =	simm.s32 $0x800;
	s7 =	simm.s32 $0x380;
	[sflag:s24] =	ssyncadd.s32 $0xFFFFFFC0  }
.LBB2_8:
0x219: {  	[tilespmem:s10], [sflag:$0x4] =	stream.indirect.gather [hbm4b:s0+s5], $0x80, s7, s5, $0xb8;
	[tilespmem:$0x1ED80] =	vst v63  }
0x21a: {  	s7 =	smov.u32 s31  }
0x21b: {  	p0 =	sne.s32 s31, $0x4000;
	s31 =	sadd.s32 $0x800, s31;
	_ =	swait.ge [sflag:s11], $0x2000  }
0x21c: {  	s7 =	sshra.s32 s7, $0x2;
	[sflag:s11] =	ssyncset.done $0x0  }
0x21d: {  	s9 =	sadd.s32 $0x1400, s7;
	[sflag:s11] =	ssyncadd.s32 $0xFFFFE000  }
0x21e: {  	[spmem:s3] =	stream.indirect.scatter.add.f32 [tilespmem:s29], [sflag:$0x5], $0x80, s9, s5, $0xb8;
	[tilespmem:$0x1ED80] =	vst v63  }
0x21f: {  	_ = 	snop  }
0x220: {  	[spmem:s4] =	stream.indirect.scatter.add.f32 [tilespmem:s12], [sflag:$0x9], $0x1, s9, s5, $0xb8;
	[tilespmem:$0x1ED80] =	vst v63  }
0x221: {  	_ =	swait.ge [sflag:s13], $0x2000  }
0x222: {  	[sflag:s13] =	ssyncset.done $0x0  }
0x223: {  	[sflag:s13] =	ssyncadd.s32 $0xFFFFE000  }
0x224: {  	_ =	swait.ge [sflag:s14], $0x40  }
0x225: {  	[sflag:s14] =	ssyncset.done $0x0  }
0x226: {  	s9 =	sadd.s32 $0x200, s7;
	[sflag:s14] =	ssyncadd.s32 $0xFFFFFFC0  }
0x227: {  	[tilespmem:s29], [sflag:$0x1] =	stream.indirect.gather [hbm4b:s0+s5], $0x80, s9, s5, $0xb8;
	[tilespmem:$0x1ED80] =	vst v63  }
0x228: {  	_ =	swait.ge [sflag:s15], $0x2000  }
0x229: {  	[sflag:s15] =	ssyncset.done $0x0  }
0x22a: {  	s9 =	sadd.s32 $0x1480, s7;
	[sflag:s15] =	ssyncadd.s32 $0xFFFFE000  }
0x22b: {  	[spmem:s3] =	stream.indirect.scatter.add.f32 [tilespmem:s1], [sflag:$0x6], $0x80, s9, s5, $0xb8;
	[tilespmem:$0x1ED80] =	vst v63  }
0x22c: {  	_ = 	snop  }
0x22d: {  	[spmem:s4] =	stream.indirect.scatter.add.f32 [tilespmem:s12], [sflag:$0xA], $0x1, s9, s5, $0xb8;
	[tilespmem:$0x1ED80] =	vst v63  }
0x22e: {  	_ =	swait.ge [sflag:s16], $0x2000  }
0x22f: {  	[sflag:s16] =	ssyncset.done $0x0  }
0x230: {  	[sflag:s16] =	ssyncadd.s32 $0xFFFFE000  }
0x231: {  	_ =	swait.ge [sflag:s17], $0x40  }
0x232: {  	[sflag:s17] =	ssyncset.done $0x0  }
0x233: {  	s9 =	sadd.s32 $0x280, s7;
	[sflag:s17] =	ssyncadd.s32 $0xFFFFFFC0  }
0x234: {  	[tilespmem:s1], [sflag:$0x2] =	stream.indirect.gather [hbm4b:s0+s5], $0x80, s9, s5, $0xb8;
	[tilespmem:$0x1ED80] =	vst v63  }
0x235: {  	_ =	swait.ge [sflag:s18], $0x2000  }
0x236: {  	[sflag:s18] =	ssyncset.done $0x0  }
0x237: {  	s9 =	sadd.s32 $0x1500, s7;
	[sflag:s18] =	ssyncadd.s32 $0xFFFFE000  }
0x238: {  	[spmem:s3] =	stream.indirect.scatter.add.f32 [tilespmem:s8], [sflag:$0x7], $0x80, s9, s5, $0xb8;
	[tilespmem:$0x1ED80] =	vst v63  }
0x239: {  	_ = 	snop  }
0x23a: {  	[spmem:s4] =	stream.indirect.scatter.add.f32 [tilespmem:s12], [sflag:$0xB], $0x1, s9, s5, $0xb8;
	[tilespmem:$0x1ED80] =	vst v63  }
0x23b: {  	_ =	swait.ge [sflag:s19], $0x2000  }
0x23c: {  	[sflag:s19] =	ssyncset.done $0x0  }
0x23d: {  	[sflag:s19] =	ssyncadd.s32 $0xFFFFE000  }
0x23e: {  	_ =	swait.ge [sflag:s20], $0x40  }
0x23f: {  	[sflag:s20] =	ssyncset.done $0x0  }
0x240: {  	s9 =	sadd.s32 $0x300, s7;
	[sflag:s20] =	ssyncadd.s32 $0xFFFFFFC0  }
0x241: {  	[tilespmem:s8], [sflag:$0x3] =	stream.indirect.gather [hbm4b:s0+s5], $0x80, s9, s5, $0xb8;
	[tilespmem:$0x1ED80] =	vst v63  }
0x242: {  	_ =	swait.ge [sflag:s21], $0x2000  }
0x243: {  	[sflag:s21] =	ssyncset.done $0x0  }
0x244: {  	s9 =	sadd.s32 $0x1580, s7;
	[sflag:s21] =	ssyncadd.s32 $0xFFFFE000  }
0x245: {  	[spmem:s3] =	stream.indirect.scatter.add.f32 [tilespmem:s10], [sflag:$0x8], $0x80, s9, s5, $0xb8;
	[tilespmem:$0x1ED80] =	vst v63  }
0x246: {  	_ = 	snop  }
0x247: {  	[spmem:s4] =	stream.indirect.scatter.add.f32 [tilespmem:s12], [sflag:$0xC], $0x1, s9, s5, $0xb8;
	[tilespmem:$0x1ED80] =	vst v63  }
0x248: {  	_ =	swait.ge [sflag:s23], $0x2000  }
.Ltmp3:
0x249: {  	[sflag:s23] =	ssyncset.done $0x0;
	(pc) =	sbr.rel @p0 .LBB2_8-.Ltmp3, $4  }
0x24a: {  	[sflag:s23] =	ssyncadd.s32 $0xFFFFE000  }
0x24b: {  	_ =	swait.ge [sflag:s24], $0x40  }
0x24c: {  	[sflag:s24] =	ssyncset.done $0x0  }
0x24d: {  	s7 =	sadd.s32 $0x380, s7;
	[sflag:s24] =	ssyncadd.s32 $0xFFFFFFC0  }
0x24e: {  	[tilespmem:s10], [sflag:$0x4] =	stream.indirect.gather [hbm4b:s0+s5], $0x80, s7, s5, $0xb8;
	[tilespmem:$0x1ED80] =	vst v63  }
0x24f: {  	_ =	swait.ge [sflag:s11], $0x2000  }
0x250: {  	[sflag:s11] =	ssyncset.done $0x0  }
0x251: {  	[sflag:s11] =	ssyncadd.s32 $0xFFFFE000  }
0x252: {  	[spmem:s3] =	stream.indirect.scatter.add.f32 [tilespmem:s29], [sflag:$0x5], $0x80, s25, s5, $0xb8;
	[tilespmem:$0x1ED80] =	vst v63  }
0x253: {  	_ = 	snop  }
0x254: {  	[spmem:s4] =	stream.indirect.scatter.add.f32 [tilespmem:s12], [sflag:$0x9], $0x1, s25, s5, $0xb8;
	[tilespmem:$0x1ED80] =	vst v63  }
0x255: {  	_ =	swait.ge [sflag:s13], $0x2000  }
0x256: {  	[sflag:s13] =	ssyncset.done $0x0  }
0x257: {  	[sflag:s13] =	ssyncadd.s32 $0xFFFFE000  }
0x258: {  	_ =	swait.ge [sflag:s14], $0x40  }
0x259: {  	[sflag:s14] =	ssyncset.done $0x0  }
0x25a: {  	[sflag:s14] =	ssyncadd.s32 $0xFFFFFFC0  }
0x25b: {  	_ =	swait.ge [sflag:s15], $0x2000  }
0x25c: {  	[sflag:s15] =	ssyncset.done $0x0  }
0x25d: {  	[sflag:s15] =	ssyncadd.s32 $0xFFFFE000  }
0x25e: {  	[spmem:s3] =	stream.indirect.scatter.add.f32 [tilespmem:s1], [sflag:$0x6], $0x80, s26, s5, $0xb8;
	[tilespmem:$0x1ED80] =	vst v63  }
0x25f: {  	_ = 	snop  }
0x260: {  	[spmem:s4] =	stream.indirect.scatter.add.f32 [tilespmem:s12], [sflag:$0xA], $0x1, s26, s5, $0xb8;
	[tilespmem:$0x1ED80] =	vst v63  }
0x261: {  	_ =	swait.ge [sflag:s16], $0x2000  }
0x262: {  	[sflag:s16] =	ssyncset.done $0x0  }
0x263: {  	[sflag:s16] =	ssyncadd.s32 $0xFFFFE000  }
0x264: {  	_ =	swait.ge [sflag:s17], $0x40  }
0x265: {  	[sflag:s17] =	ssyncset.done $0x0  }
0x266: {  	[sflag:s17] =	ssyncadd.s32 $0xFFFFFFC0  }
0x267: {  	_ =	swait.ge [sflag:s18], $0x2000  }
0x268: {  	[sflag:s18] =	ssyncset.done $0x0  }
0x269: {  	[sflag:s18] =	ssyncadd.s32 $0xFFFFE000  }
0x26a: {  	[spmem:s3] =	stream.indirect.scatter.add.f32 [tilespmem:s8], [sflag:$0x7], $0x80, s28, s5, $0xb8;
	[tilespmem:$0x1ED80] =	vst v63  }
0x26b: {  	_ = 	snop  }
0x26c: {  	[spmem:s4] =	stream.indirect.scatter.add.f32 [tilespmem:s12], [sflag:$0xB], $0x1, s28, s5, $0xb8;
	[tilespmem:$0x1ED80] =	vst v63  }
0x26d: {  	_ =	swait.ge [sflag:s19], $0x2000  }
0x26e: {  	[sflag:s19] =	ssyncset.done $0x0  }
0x26f: {  	[sflag:s19] =	ssyncadd.s32 $0xFFFFE000  }
0x270: {  	_ =	swait.ge [sflag:s20], $0x40  }
0x271: {  	[sflag:s20] =	ssyncset.done $0x0  }
0x272: {  	[sflag:s20] =	ssyncadd.s32 $0xFFFFFFC0  }
0x273: {  	_ =	swait.ge [sflag:s21], $0x2000  }
0x274: {  	[sflag:s21] =	ssyncset.done $0x0  }
0x275: {  	[sflag:s21] =	ssyncadd.s32 $0xFFFFE000  }
0x276: {  	[spmem:s3] =	stream.indirect.scatter.add.f32 [tilespmem:s10], [sflag:$0x8], $0x80, s22, s5, $0xb8;
	[tilespmem:$0x1ED80] =	vst v63  }
0x277: {  	_ = 	snop  }
0x278: {  	[spmem:s4] =	stream.indirect.scatter.add.f32 [tilespmem:s12], [sflag:$0xC], $0x1, s22, s5, $0xb8;
	[tilespmem:$0x1ED80] =	vst v63  }
0x279: {  	_ =	swait.ge [sflag:s23], $0x2000  }
0x27a: {  	[sflag:s23] =	ssyncset.done $0x0  }
0x27b: {  	[sflag:s23] =	ssyncadd.s32 $0xFFFFE000  }
0x27c: {  	_ =	swait.ge [sflag:s24], $0x40  }
0x27d: {  	[sflag:s24] =	ssyncset.done $0x0  }
0x27e: {  	s7 =	simm.s32 $0x0;
	s9 =	rddreg [dreg:$0x12];
	[sflag:s24] =	ssyncadd.s32 $0xFFFFFFC0  }
0x27f: {  	[tilespmem:s7], [sflag:$0xD] =	stream.linear.gather [hbm4b:s9+s7], $0x1400, $0x38;
	[tilespmem:$0x1ED80] =	vst v63  }
0x280: {  	_ =	swait.ge [sflag:s30], $0x1400  }
0x281: {  	[sflag:s30] =	ssyncset.done $0x0  }
0x282: {  	s9 =	rddreg [dreg:$0x13];
	[sflag:s30] =	ssyncadd.s32 $0xFFFFEC00  }
0x283: {  	[tilespmem:s6], [sflag:$0xD] =	stream.linear.gather [hbm4b:s9+s7], $0x1400, $0x38;
	[tilespmem:$0x1ED80] =	vst v63  }
0x284: {  	_ =	swait.ge [sflag:s30], $0x1400  }
0x285: {  	[sflag:s30] =	ssyncset.done $0x0  }
0x286: {  	[sflag:s30] =	ssyncadd.s32 $0xFFFFEC00  }
0x287: {  	[tilespmem:s29], [sflag:$0x1] =	stream.indirect.gather [hbm4b:s0+s5], $0x80, s7, s5, $0xb8;
	[tilespmem:$0x1ED80] =	vst v63  }
0x288: {  	s7 =	simm.s32 $0x80  }
0x289: {  	[tilespmem:s1], [sflag:$0x2] =	stream.indirect.gather [hbm4b:s0+s5], $0x80, s7, s5, $0xb8;
	[tilespmem:$0x1ED80] =	vst v63  }
0x28a: {  	s9 =	simm.s32 $0x100  }
0x28b: {  	[tilespmem:s8], [sflag:$0x3] =	stream.indirect.gather [hbm4b:s0+s5], $0x80, s9, s5, $0xb8;
	[tilespmem:$0x1ED80] =	vst v63  }
0x28c: {  	s7 =	simm.s32 $0x180  }
0x28d: {  	[tilespmem:s10], [sflag:$0x4] =	stream.indirect.gather [hbm4b:s0+s5], $0x80, s7, s5, $0xb8;
	[tilespmem:$0x1ED80] =	vst v63  }
0x28e: {  	_ =	swait.ge [sflag:s11], $0x2000  }
0x28f: {  	[sflag:s11] =	ssyncset.done $0x0  }
0x290: {  	s9 =	simm.s32 $0x1400;
	[sflag:s11] =	ssyncadd.s32 $0xFFFFE000  }
0x291: {  	[spmem:s3] =	stream.indirect.scatter.add.f32 [tilespmem:s29], [sflag:$0x5], $0x80, s9, s5, $0xb8;
	[tilespmem:$0x1ED80] =	vst v63  }
0x292: {  	_ = 	snop  }
0x293: {  	[spmem:s4] =	stream.indirect.scatter.add.f32 [tilespmem:s12], [sflag:$0x9], $0x1, s9, s5, $0xb8;
	[tilespmem:$0x1ED80] =	vst v63  }
0x294: {  	_ =	swait.ge [sflag:s13], $0x2000  }
0x295: {  	[sflag:s13] =	ssyncset.done $0x0  }
0x296: {  	[sflag:s13] =	ssyncadd.s32 $0xFFFFE000  }
0x297: {  	_ =	swait.ge [sflag:s14], $0x40  }
0x298: {  	[sflag:s14] =	ssyncset.done $0x0  }
0x299: {  	s6 =	simm.s32 $0x200;
	[sflag:s14] =	ssyncadd.s32 $0xFFFFFFC0  }
0x29a: {  	[tilespmem:s29], [sflag:$0x1] =	stream.indirect.gather [hbm4b:s0+s5], $0x80, s6, s5, $0xb8;
	[tilespmem:$0x1ED80] =	vst v63  }
0x29b: {  	_ =	swait.ge [sflag:s15], $0x2000  }
0x29c: {  	[sflag:s15] =	ssyncset.done $0x0  }
0x29d: {  	s9 =	simm.s32 $0x1480;
	[sflag:s15] =	ssyncadd.s32 $0xFFFFE000  }
0x29e: {  	[spmem:s3] =	stream.indirect.scatter.add.f32 [tilespmem:s1], [sflag:$0x6], $0x80, s9, s5, $0xb8;
	[tilespmem:$0x1ED80] =	vst v63  }
0x29f: {  	_ = 	snop  }
0x2a0: {  	[spmem:s4] =	stream.indirect.scatter.add.f32 [tilespmem:s12], [sflag:$0xA], $0x1, s9, s5, $0xb8;
	[tilespmem:$0x1ED80] =	vst v63  }
0x2a1: {  	_ =	swait.ge [sflag:s16], $0x2000  }
0x2a2: {  	[sflag:s16] =	ssyncset.done $0x0  }
0x2a3: {  	[sflag:s16] =	ssyncadd.s32 $0xFFFFE000  }
0x2a4: {  	_ =	swait.ge [sflag:s17], $0x40  }
0x2a5: {  	[sflag:s17] =	ssyncset.done $0x0  }
0x2a6: {  	s6 =	simm.s32 $0x280;
	[sflag:s17] =	ssyncadd.s32 $0xFFFFFFC0  }
0x2a7: {  	[tilespmem:s1], [sflag:$0x2] =	stream.indirect.gather [hbm4b:s0+s5], $0x80, s6, s5, $0xb8;
	[tilespmem:$0x1ED80] =	vst v63  }
0x2a8: {  	_ =	swait.ge [sflag:s18], $0x2000  }
0x2a9: {  	[sflag:s18] =	ssyncset.done $0x0  }
0x2aa: {  	s9 =	simm.s32 $0x1500;
	[sflag:s18] =	ssyncadd.s32 $0xFFFFE000  }
0x2ab: {  	[spmem:s3] =	stream.indirect.scatter.add.f32 [tilespmem:s8], [sflag:$0x7], $0x80, s9, s5, $0xb8;
	[tilespmem:$0x1ED80] =	vst v63  }
0x2ac: {  	_ = 	snop  }
0x2ad: {  	[spmem:s4] =	stream.indirect.scatter.add.f32 [tilespmem:s12], [sflag:$0xB], $0x1, s9, s5, $0xb8;
	[tilespmem:$0x1ED80] =	vst v63  }
0x2ae: {  	_ =	swait.ge [sflag:s19], $0x2000  }
0x2af: {  	[sflag:s19] =	ssyncset.done $0x0  }
0x2b0: {  	[sflag:s19] =	ssyncadd.s32 $0xFFFFE000  }
0x2b1: {  	_ =	swait.ge [sflag:s20], $0x40  }
0x2b2: {  	[sflag:s20] =	ssyncset.done $0x0  }
0x2b3: {  	s6 =	simm.s32 $0x300;
	[sflag:s20] =	ssyncadd.s32 $0xFFFFFFC0  }
0x2b4: {  	[tilespmem:s8], [sflag:$0x3] =	stream.indirect.gather [hbm4b:s0+s5], $0x80, s6, s5, $0xb8;
	[tilespmem:$0x1ED80] =	vst v63  }
0x2b5: {  	_ =	swait.ge [sflag:s21], $0x2000  }
0x2b6: {  	[sflag:s21] =	ssyncset.done $0x0  }
0x2b7: {  	s9 =	simm.s32 $0x1580;
	[sflag:s21] =	ssyncadd.s32 $0xFFFFE000  }
0x2b8: {  	[spmem:s3] =	stream.indirect.scatter.add.f32 [tilespmem:s10], [sflag:$0x8], $0x80, s9, s5, $0xb8;
	[tilespmem:$0x1ED80] =	vst v63  }
0x2b9: {  	_ = 	snop  }
0x2ba: {  	[spmem:s4] =	stream.indirect.scatter.add.f32 [tilespmem:s12], [sflag:$0xC], $0x1, s9, s5, $0xb8;
	[tilespmem:$0x1ED80] =	vst v63  }
0x2bb: {  	_ =	swait.ge [sflag:s23], $0x2000  }
0x2bc: {  	[sflag:s23] =	ssyncset.done $0x0  }
0x2bd: {  	[sflag:s23] =	ssyncadd.s32 $0xFFFFE000  }
0x2be: {  	_ =	swait.ge [sflag:s24], $0x40  }
0x2bf: {  	[sflag:s24] =	ssyncset.done $0x0  }
0x2c0: {  	s31 =	simm.s32 $0x800;
	s7 =	simm.s32 $0x380;
	[sflag:s24] =	ssyncadd.s32 $0xFFFFFFC0  }
.LBB2_10:
0x2c1: {  	[tilespmem:s10], [sflag:$0x4] =	stream.indirect.gather [hbm4b:s0+s5], $0x80, s7, s5, $0xb8;
	[tilespmem:$0x1ED80] =	vst v63  }
0x2c2: {  	s7 =	smov.u32 s31  }
0x2c3: {  	p0 =	sne.s32 s31, $0x4000;
	s31 =	sadd.s32 $0x800, s31;
	_ =	swait.ge [sflag:s11], $0x2000  }
0x2c4: {  	s7 =	sshra.s32 s7, $0x2;
	[sflag:s11] =	ssyncset.done $0x0  }
0x2c5: {  	s9 =	sadd.s32 $0x1400, s7;
	[sflag:s11] =	ssyncadd.s32 $0xFFFFE000  }
0x2c6: {  	[spmem:s3] =	stream.indirect.scatter.add.f32 [tilespmem:s29], [sflag:$0x5], $0x80, s9, s5, $0xb8;
	[tilespmem:$0x1ED80] =	vst v63  }
0x2c7: {  	_ = 	snop  }
0x2c8: {  	[spmem:s4] =	stream.indirect.scatter.add.f32 [tilespmem:s12], [sflag:$0x9], $0x1, s9, s5, $0xb8;
	[tilespmem:$0x1ED80] =	vst v63  }
0x2c9: {  	_ =	swait.ge [sflag:s13], $0x2000  }
0x2ca: {  	[sflag:s13] =	ssyncset.done $0x0  }
0x2cb: {  	[sflag:s13] =	ssyncadd.s32 $0xFFFFE000  }
0x2cc: {  	_ =	swait.ge [sflag:s14], $0x40  }
0x2cd: {  	[sflag:s14] =	ssyncset.done $0x0  }
0x2ce: {  	s9 =	sadd.s32 $0x200, s7;
	[sflag:s14] =	ssyncadd.s32 $0xFFFFFFC0  }
0x2cf: {  	[tilespmem:s29], [sflag:$0x1] =	stream.indirect.gather [hbm4b:s0+s5], $0x80, s9, s5, $0xb8;
	[tilespmem:$0x1ED80] =	vst v63  }
0x2d0: {  	_ =	swait.ge [sflag:s15], $0x2000  }
0x2d1: {  	[sflag:s15] =	ssyncset.done $0x0  }
0x2d2: {  	s9 =	sadd.s32 $0x1480, s7;
	[sflag:s15] =	ssyncadd.s32 $0xFFFFE000  }
0x2d3: {  	[spmem:s3] =	stream.indirect.scatter.add.f32 [tilespmem:s1], [sflag:$0x6], $0x80, s9, s5, $0xb8;
	[tilespmem:$0x1ED80] =	vst v63  }
0x2d4: {  	_ = 	snop  }
0x2d5: {  	[spmem:s4] =	stream.indirect.scatter.add.f32 [tilespmem:s12], [sflag:$0xA], $0x1, s9, s5, $0xb8;
	[tilespmem:$0x1ED80] =	vst v63  }
0x2d6: {  	_ =	swait.ge [sflag:s16], $0x2000  }
0x2d7: {  	[sflag:s16] =	ssyncset.done $0x0  }
0x2d8: {  	[sflag:s16] =	ssyncadd.s32 $0xFFFFE000  }
0x2d9: {  	_ =	swait.ge [sflag:s17], $0x40  }
0x2da: {  	[sflag:s17] =	ssyncset.done $0x0  }
0x2db: {  	s9 =	sadd.s32 $0x280, s7;
	[sflag:s17] =	ssyncadd.s32 $0xFFFFFFC0  }
0x2dc: {  	[tilespmem:s1], [sflag:$0x2] =	stream.indirect.gather [hbm4b:s0+s5], $0x80, s9, s5, $0xb8;
	[tilespmem:$0x1ED80] =	vst v63  }
0x2dd: {  	_ =	swait.ge [sflag:s18], $0x2000  }
0x2de: {  	[sflag:s18] =	ssyncset.done $0x0  }
0x2df: {  	s9 =	sadd.s32 $0x1500, s7;
	[sflag:s18] =	ssyncadd.s32 $0xFFFFE000  }
0x2e0: {  	[spmem:s3] =	stream.indirect.scatter.add.f32 [tilespmem:s8], [sflag:$0x7], $0x80, s9, s5, $0xb8;
	[tilespmem:$0x1ED80] =	vst v63  }
0x2e1: {  	_ = 	snop  }
0x2e2: {  	[spmem:s4] =	stream.indirect.scatter.add.f32 [tilespmem:s12], [sflag:$0xB], $0x1, s9, s5, $0xb8;
	[tilespmem:$0x1ED80] =	vst v63  }
0x2e3: {  	_ =	swait.ge [sflag:s19], $0x2000  }
0x2e4: {  	[sflag:s19] =	ssyncset.done $0x0  }
0x2e5: {  	[sflag:s19] =	ssyncadd.s32 $0xFFFFE000  }
0x2e6: {  	_ =	swait.ge [sflag:s20], $0x40  }
0x2e7: {  	[sflag:s20] =	ssyncset.done $0x0  }
0x2e8: {  	s9 =	sadd.s32 $0x300, s7;
	[sflag:s20] =	ssyncadd.s32 $0xFFFFFFC0  }
0x2e9: {  	[tilespmem:s8], [sflag:$0x3] =	stream.indirect.gather [hbm4b:s0+s5], $0x80, s9, s5, $0xb8;
	[tilespmem:$0x1ED80] =	vst v63  }
0x2ea: {  	_ =	swait.ge [sflag:s21], $0x2000  }
0x2eb: {  	[sflag:s21] =	ssyncset.done $0x0  }
0x2ec: {  	s9 =	sadd.s32 $0x1580, s7;
	[sflag:s21] =	ssyncadd.s32 $0xFFFFE000  }
0x2ed: {  	[spmem:s3] =	stream.indirect.scatter.add.f32 [tilespmem:s10], [sflag:$0x8], $0x80, s9, s5, $0xb8;
	[tilespmem:$0x1ED80] =	vst v63  }
0x2ee: {  	_ = 	snop  }
0x2ef: {  	[spmem:s4] =	stream.indirect.scatter.add.f32 [tilespmem:s12], [sflag:$0xC], $0x1, s9, s5, $0xb8;
	[tilespmem:$0x1ED80] =	vst v63  }
0x2f0: {  	_ =	swait.ge [sflag:s23], $0x2000  }
.Ltmp4:
0x2f1: {  	[sflag:s23] =	ssyncset.done $0x0;
	(pc) =	sbr.rel @p0 .LBB2_10-.Ltmp4, $4  }
0x2f2: {  	[sflag:s23] =	ssyncadd.s32 $0xFFFFE000  }
0x2f3: {  	_ =	swait.ge [sflag:s24], $0x40  }
0x2f4: {  	[sflag:s24] =	ssyncset.done $0x0  }
0x2f5: {  	s7 =	sadd.s32 $0x380, s7;
	[sflag:s24] =	ssyncadd.s32 $0xFFFFFFC0  }
0x2f6: {  	[tilespmem:s10], [sflag:$0x4] =	stream.indirect.gather [hbm4b:s0+s5], $0x80, s7, s5, $0xb8;
	[tilespmem:$0x1ED80] =	vst v63  }
0x2f7: {  	_ =	swait.ge [sflag:s11], $0x2000  }
0x2f8: {  	[sflag:s11] =	ssyncset.done $0x0  }
0x2f9: {  	[sflag:s11] =	ssyncadd.s32 $0xFFFFE000  }
0x2fa: {  	[spmem:s3] =	stream.indirect.scatter.add.f32 [tilespmem:s29], [sflag:$0x5], $0x80, s25, s5, $0xb8;
	[tilespmem:$0x1ED80] =	vst v63  }
0x2fb: {  	_ = 	snop  }
0x2fc: {  	[spmem:s4] =	stream.indirect.scatter.add.f32 [tilespmem:s12], [sflag:$0x9], $0x1, s25, s5, $0xb8;
	[tilespmem:$0x1ED80] =	vst v63  }
0x2fd: {  	_ =	swait.ge [sflag:s13], $0x2000  }
0x2fe: {  	[sflag:s13] =	ssyncset.done $0x0  }
0x2ff: {  	[sflag:s13] =	ssyncadd.s32 $0xFFFFE000  }
0x300: {  	_ =	swait.ge [sflag:s14], $0x40  }
0x301: {  	[sflag:s14] =	ssyncset.done $0x0  }
0x302: {  	[sflag:s14] =	ssyncadd.s32 $0xFFFFFFC0  }
0x303: {  	_ =	swait.ge [sflag:s15], $0x2000  }
0x304: {  	[sflag:s15] =	ssyncset.done $0x0  }
0x305: {  	[sflag:s15] =	ssyncadd.s32 $0xFFFFE000  }
0x306: {  	[spmem:s3] =	stream.indirect.scatter.add.f32 [tilespmem:s1], [sflag:$0x6], $0x80, s26, s5, $0xb8;
	[tilespmem:$0x1ED80] =	vst v63  }
0x307: {  	_ = 	snop  }
0x308: {  	[spmem:s4] =	stream.indirect.scatter.add.f32 [tilespmem:s12], [sflag:$0xA], $0x1, s26, s5, $0xb8;
	[tilespmem:$0x1ED80] =	vst v63  }
0x309: {  	_ =	swait.ge [sflag:s16], $0x2000  }
0x30a: {  	[sflag:s16] =	ssyncset.done $0x0  }
0x30b: {  	[sflag:s16] =	ssyncadd.s32 $0xFFFFE000  }
0x30c: {  	_ =	swait.ge [sflag:s17], $0x40  }
0x30d: {  	[sflag:s17] =	ssyncset.done $0x0  }
0x30e: {  	[sflag:s17] =	ssyncadd.s32 $0xFFFFFFC0  }
0x30f: {  	_ =	swait.ge [sflag:s18], $0x2000  }
0x310: {  	[sflag:s18] =	ssyncset.done $0x0  }
0x311: {  	[sflag:s18] =	ssyncadd.s32 $0xFFFFE000  }
0x312: {  	[spmem:s3] =	stream.indirect.scatter.add.f32 [tilespmem:s8], [sflag:$0x7], $0x80, s28, s5, $0xb8;
	[tilespmem:$0x1ED80] =	vst v63  }
0x313: {  	_ = 	snop  }
0x314: {  	[spmem:s4] =	stream.indirect.scatter.add.f32 [tilespmem:s12], [sflag:$0xB], $0x1, s28, s5, $0xb8;
	[tilespmem:$0x1ED80] =	vst v63  }
0x315: {  	_ =	swait.ge [sflag:s19], $0x2000  }
0x316: {  	[sflag:s19] =	ssyncset.done $0x0  }
0x317: {  	[sflag:s19] =	ssyncadd.s32 $0xFFFFE000  }
0x318: {  	_ =	swait.ge [sflag:s20], $0x40  }
0x319: {  	[sflag:s20] =	ssyncset.done $0x0  }
0x31a: {  	[sflag:s20] =	ssyncadd.s32 $0xFFFFFFC0  }
0x31b: {  	_ =	swait.ge [sflag:s21], $0x2000  }
0x31c: {  	[sflag:s21] =	ssyncset.done $0x0  }
0x31d: {  	[sflag:s21] =	ssyncadd.s32 $0xFFFFE000  }
0x31e: {  	[spmem:s3] =	stream.indirect.scatter.add.f32 [tilespmem:s10], [sflag:$0x8], $0x80, s22, s5, $0xb8;
	[tilespmem:$0x1ED80] =	vst v63  }
0x31f: {  	_ = 	snop  }
0x320: {  	[spmem:s4] =	stream.indirect.scatter.add.f32 [tilespmem:s12], [sflag:$0xC], $0x1, s22, s5, $0xb8;
	[tilespmem:$0x1ED80] =	vst v63  }
0x321: {  	_ =	swait.ge [sflag:s23], $0x2000  }
0x322: {  	[sflag:s23] =	ssyncset.done $0x0  }
0x323: {  	[sflag:s23] =	ssyncadd.s32 $0xFFFFE000  }
0x324: {  	_ =	swait.ge [sflag:s24], $0x40  }
0x325: {  	[sflag:s24] =	ssyncset.done $0x0  }
0x326: {  	[sflag:s24] =	ssyncadd.s32 $0xFFFFFFC0  }
0x327: {  	s9 =	stileid.u32;
	[bflag:$0x0] =	sbarrier.arrive $0xFFFF  }
0x328: {  	s7 =	sshll.u32 s9, $0x6;
	s6 =	rddreg [dreg:$0x17]  }
0x329: {  	s9 =	sor.u32 $0x1C01, s7;
	s25 =	rddreg [dreg:$0x16];
	s31 =	sshrl.u32 s6, $0x3  }
0x32a: {  	[hbm:s25], [sflag:s9] =	dma.local [spmem:s31], $0x2800  }
0x32b: {  	s7 =	sor.u32 $0x1C02, s7;
	s31 =	simm.s32 $0x20;
	s9 =	rddreg [dreg:$0x15]  }
0x32c: {  	s25 =	simm.s32 $0x10;
	s6 =	rddreg [dreg:$0x18];
	s9 =	sshrl.u32 s9, $0x3  }
0x32d: {  	[hbm:s6@s31], [sflag:s7] =	dma.strided [spmem:s9@s25], $0x50, s11, $0x10   }
0x32e: {  	_ =	swait.ge [sflag:s11], $0x2800  }
0x32f: {  	[sflag:s11] =	ssyncset.done $0x0  }
0x330: {  	[sflag:s11] =	ssyncadd.s32 $0xFFFFD800  }
0x331: {  	_ =	swait.ge [sflag:s15], $0x50  }
0x332: {  	s2 =	sadd.s32 $0x1, s2;
	s31 =	rddreg [dreg:$0x19]  }
0x333: {  	p0 =	sne.s32 s2, s31  }
.Ltmp5:
0x334: {  	_ = 	snop;
	(pc) =	sbr.rel @p0 .LBB2_1-.Ltmp5, $3  }
0x335: {  	_ =	sdelay $0x1  }
0x336: {  	[sflag:s15] =	ssyncset.done $0x0  }
0x337: {  	[sflag:s15] =	ssyncadd.s32 $0xFFFFFFB0  }
0x338: {  	_ =	sfence.sel $0x180000  }
0x339: {  	[bflag:$0x0] =	sbarrier.arrive $0xFFFF  }
0x33a: {  	_ =	strace $0x90000047  }
0x33b: {  	s0 =	stileid.u32;
	[bflag:$0x2] =	sbarrier.arrive $0xFFFF  }
0x33c: {  	p0 =	sne.s32 s0, $0x0;
	s0 =	rddreg [dreg:$0x5]  }
0x33d: {  	s0 =	sadd.s32 @!p0 $0x100000, s0  }
0x33e: {  	[sflag:s0] =	ssyncadd.tile.s32 @!p0 $0x1;
	_ =	shalt  }
.Lfunc_end2:
_tile_overlayer_lowered:
.L_overlay_start_2:
0x33f: {  	(tag) =	ssettag $0x2  }
0x340: {  	s0 =	rddreg [dreg:$0x0];
	s2 =	stileid.u32  }
0x341: {  	s1 =	rddreg [dreg:$0x1];
	p0 =	sne.s32 s2, $0x0  }
0x342: {  	s3 =	rddreg [dreg:$0x2];
	[bflag:$0x3] =	sbarrier.arrive $0xFFFF;
	s2 =	simm.s32 @!p0 $0x1C0D  }
0x343: {  	[timem:s3], [sflag:s2] =	dma.local @!p0 [hbm:s0], s1  }
0x344: {  	s0 =	simm.s32 @!p0 $0xD  }
0x345: {  	_ =	swait.ge @!p0 [sflag:s0], s1  }
0x346: {  	s1 =	ssub.s32 @!p0 $0x0, s1;
	[sflag:s0] =	ssyncset.done @!p0 $0x0  }
0x347: {  	[sflag:s0] =	ssyncadd.s32 @!p0 s1  }
0x348: {  	[bflag:$0x3] =	sbarrier.arrive $0xFFFF  }
0x349: {  	_ =	shalt  }

</sc_bundles>
